<compile_context>
chip_gen: v7x
topology: tpu7x:2x2x1
jax: 0.10.2.dev20260603
libtpu: 0.0.44.dev20260713+nightly
codegen_flags: <defaults>
</compile_context>

<pallas_src>
import jax
import jax.numpy as jnp
from jax import lax
from jax.experimental import pallas as pl
from jax.experimental.pallas import tpu as pltpu
from jax.experimental.pallas import tpu_sc as plsc

N_NODES = 10000
N_EDGES = 320000
D = 128

NC = 2
NS = 16
NW = NC * NS

NP = 10240
RP = NP // NS
EW = N_EDGES // NW
CH = 80
NCHUNK = EW // CH
NB = 3


def _make_sc_agg(with_deg: bool):
  mesh = plsc.VectorSubcoreMesh(core_axis_name="c", subcore_axis_name="s")

  out_type = [jax.ShapeDtypeStruct((NC, NP, D), jnp.float32)]
  if with_deg:
    out_type.append(jax.ShapeDtypeStruct((NC, NP), jnp.float32))

  scratch = (
      [pltpu.VMEM((CH,), jnp.int32) for _ in range(NB)]
      + [pltpu.VMEM((CH,), jnp.int32) for _ in range(NB)]
      + [pltpu.VMEM((CH, D), jnp.float32) for _ in range(NB)]
      + [
          pltpu.VMEM((CH,), jnp.float32),
          pltpu.VMEM((RP,), jnp.float32),
          pltpu.VMEM_SHARED((NP, D), jnp.float32),
          pltpu.VMEM_SHARED((NP,), jnp.float32),
      ]
      + [pltpu.SemaphoreType.DMA for _ in range(4 * NB + 1)]
  )

  def body(src_hbm, dst_hbm, feat_hbm, *rest):
    if with_deg:
      part_hbm, degp_hbm = rest[0], rest[1]
      rest = rest[2:]
    else:
      part_hbm = rest[0]
      degp_hbm = None
      rest = rest[1:]
    sbuf = rest[0:NB]
    dbuf = rest[NB:2 * NB]
    rows = rest[2 * NB:3 * NB]
    ones_v, dz_v, acc_sh, deg_sh = rest[3 * NB:3 * NB + 4]
    sems = rest[3 * NB + 4:]
    isem = sems[0:NB]
    jsem = sems[NB:2 * NB]
    gsem = sems[2 * NB:3 * NB]
    ssem = sems[3 * NB:4 * NB]
    dsem = sems[-1]

    c = lax.axis_index("c")
    s = lax.axis_index("s")
    wid = s * NC + c

    def zero_row(i, _):
      for j in range(D // 16):
        rows[0][i, pl.ds(j * 16, 16)] = jnp.zeros((16,), jnp.float32)
      return 0
    lax.fori_loop(0, CH, zero_row, 0)
    for k in range(RP // CH):
      pltpu.sync_copy(rows[0], acc_sh.at[pl.ds(s * RP + k * CH, CH)])
    if with_deg:
      def zero_deg(i, _):
        dz_v[pl.ds(i * 16, 16)] = jnp.zeros((16,), jnp.float32)
        return 0
      lax.fori_loop(0, RP // 16, zero_deg, 0)
      pltpu.sync_copy(dz_v, deg_sh.at[pl.ds(s * RP, RP)])
      def fill_ones(i, _):
        ones_v[pl.ds(i * 16, 16)] = jnp.ones((16,), jnp.float32)
        return 0
      lax.fori_loop(0, CH // 16, fill_ones, 0)
    plsc.subcore_barrier()

    ebase = wid * EW

    def isrc_start(i, b):
      pltpu.async_copy(src_hbm.at[pl.ds(ebase + i * CH, CH)],
                       sbuf[b], isem[b])

    def isrc_wait(i, b):
      pltpu.make_async_copy(src_hbm.at[pl.ds(ebase + i * CH, CH)],
                            sbuf[b], isem[b]).wait()

    def idst_start(i, b):
      pltpu.async_copy(dst_hbm.at[pl.ds(ebase + i * CH, CH)],
                       dbuf[b], jsem[b])

    def idst_wait(i, b):
      pltpu.make_async_copy(dst_hbm.at[pl.ds(ebase + i * CH, CH)],
                            dbuf[b], jsem[b]).wait()

    def g_start(b):
      pltpu.async_copy(feat_hbm.at[sbuf[b]], rows[b], gsem[b])

    def g_wait(b):
      pltpu.make_async_copy(feat_hbm.at[sbuf[b]], rows[b], gsem[b]).wait()

    def s_start(b):
      pltpu.async_copy(rows[b], acc_sh.at[dbuf[b]], ssem[b], add=True)
      if with_deg:
        pltpu.async_copy(ones_v, deg_sh.at[dbuf[b]], dsem, add=True)

    def s_wait(b):
      pltpu.make_async_copy(rows[b], acc_sh.at[dbuf[b]], ssem[b]).wait()
      if with_deg:
        pltpu.make_async_copy(ones_v, deg_sh.at[dbuf[b]], dsem).wait()

    isrc_start(0, 0)
    idst_start(0, 0)
    isrc_start(1, 1)
    idst_start(1, 1)
    isrc_start(2, 2)
    isrc_wait(0, 0)
    g_start(0)
    isrc_wait(1, 1)
    g_start(1)

    LAST = NCHUNK - 1

    def step(i, b, first):
      b2 = (b + 2) % NB
      g_wait(b)
      @pl.when(i + NB <= LAST)
      def _():
        isrc_start(i + NB, b)
      idst_wait(i, b)
      s_start(b)
      if not first:
        s_wait(b2)
      @pl.when(i + 2 <= LAST)
      def _():
        idst_start(i + 2, b2)
        isrc_wait(i + 2, b2)
        g_start(b2)

    step(0, 0, True)

    def group(p, _):
      i0 = 3 * p + 1
      step(i0, 1, False)
      step(i0 + 1, 2, False)
      step(i0 + 2, 0, False)
      return 0
    lax.fori_loop(0, (NCHUNK - 2) // 3, group, 0)

    step(LAST, LAST % NB, False)
    s_wait(LAST % NB)

    plsc.subcore_barrier()
    pltpu.sync_copy(acc_sh.at[pl.ds(s * RP, RP)],
                    part_hbm.at[c, pl.ds(s * RP, RP)])
    if with_deg:
      pltpu.sync_copy(deg_sh.at[pl.ds(s * RP, RP)],
                      degp_hbm.at[c, pl.ds(s * RP, RP)])

  return pl.kernel(body, out_type=tuple(out_type), mesh=mesh,
                   scratch_types=scratch)


_sc_agg_deg = _make_sc_agg(True)
_sc_agg = _make_sc_agg(False)


BM = 512


def _dense_r_body(x_ref, w_ref, b_ref, o_ref):
  o_ref[...] = (jnp.dot(x_ref[...], w_ref[...],
                        preferred_element_type=jnp.float32) + b_ref[...])


_dense_r = pl.pallas_call(
    _dense_r_body,
    grid=(NP // BM,),
    in_specs=[
        pl.BlockSpec((BM, D), lambda i: (i, 0)),
        pl.BlockSpec((D, D), lambda i: (0, 0)),
        pl.BlockSpec((1, D), lambda i: (0, 0)),
    ],
    out_specs=pl.BlockSpec((BM, D), lambda i: (i, 0)),
    out_shape=jax.ShapeDtypeStruct((NP, D), jnp.float32),
)


def _make_dense_l(relu: bool):
  def body(p_ref, dg_ref, yr_ref, wl_ref, o_ref):
    deg = dg_ref[0] + dg_ref[1]
    rdeg = 1.0 / jnp.clip(deg, 1.0, None)
    agg = (p_ref[0] + p_ref[1]) * rdeg[:, None]
    y = jnp.dot(agg, wl_ref[...],
                preferred_element_type=jnp.float32) + yr_ref[...]
    if relu:
      y = jnp.maximum(y, 0.0)
    o_ref[...] = y

  return pl.pallas_call(
      body,
      grid=(NP // BM,),
      in_specs=[
          pl.BlockSpec((NC, BM, D), lambda i: (0, i, 0)),
          pl.BlockSpec((NC, BM), lambda i: (0, i)),
          pl.BlockSpec((BM, D), lambda i: (i, 0)),
          pl.BlockSpec((D, D), lambda i: (0, 0)),
      ],
      out_specs=pl.BlockSpec((BM, D), lambda i: (i, 0)),
      out_shape=jax.ShapeDtypeStruct((NP, D), jnp.float32),
  )


_dense_l_relu = _make_dense_l(True)
_dense_l = _make_dense_l(False)


def kernel(x, edge_index, W1_l, b1_l, W1_r, W2_l, b2_l, W2_r):
  src = edge_index[0].astype(jnp.int32)
  dst = edge_index[1].astype(jnp.int32)

  p1, degp = _sc_agg_deg(src, dst, x)
  xp = jnp.pad(x, ((0, NP - N_NODES), (0, 0)))
  xr = _dense_r(xp, W1_r, b1_l.reshape(1, D))
  h = _dense_l_relu(p1, degp, xr, W1_l)
  (p2,) = _sc_agg(src, dst, h)
  hr = _dense_r(h, W2_r, b2_l.reshape(1, D))
  out = _dense_l(p2, degp, hr, W2_l)
  return out[:N_NODES]

# --- scband reference (transcript-rebuilt; emitter-appended) ---
"""Pipeline reference for scband-sage-nn-49228915147367 (READ-ONLY COPY).

The authoritative reference and input builder live on the scoring server;
editing this copy changes nothing except your own understanding.
"""

import jax, jax.numpy as jnp
import numpy as np

N_NODES = 10000
N_EDGES = 320000
D_FEAT = 128
D_HID = 128
D_OUT = 128


def setup_inputs(seed: int = 0) -> dict:
    key = jax.random.key(seed)
    ks = jax.random.split(key, 8)
    x = jax.random.normal(ks[0], (N_NODES, D_FEAT), dtype=jnp.float32)
    edge_index = jax.random.randint(ks[1], (2, N_EDGES), 0, N_NODES, dtype=jnp.int64)
    s1 = 1.0 / np.sqrt(D_FEAT)
    s2 = 1.0 / np.sqrt(D_HID)
    W1_l = jax.random.uniform(ks[2], (D_FEAT, D_HID), jnp.float32, -s1, s1)
    b1_l = jnp.zeros((D_HID,), dtype=jnp.float32)
    W1_r = jax.random.uniform(ks[3], (D_FEAT, D_HID), jnp.float32, -s1, s1)
    W2_l = jax.random.uniform(ks[4], (D_HID, D_OUT), jnp.float32, -s2, s2)
    b2_l = jnp.zeros((D_OUT,), dtype=jnp.float32)
    W2_r = jax.random.uniform(ks[5], (D_HID, D_OUT), jnp.float32, -s2, s2)
    return {"x": x, "edge_index": edge_index, "W1_l": W1_l, "b1_l": b1_l,
            "W1_r": W1_r, "W2_l": W2_l, "b2_l": b2_l, "W2_r": W2_r}


def _sage_conv(x, src, dst, W_l, b_l, W_r, num_nodes):
    # mean aggregation of neighbor features (messages flow src -> dst)
    msgs = jnp.take(x, src, axis=0)
    agg = jax.ops.segment_sum(msgs, dst, num_segments=num_nodes)
    deg = jax.ops.segment_sum(jnp.ones((src.shape[0],), dtype=x.dtype), dst,
                              num_segments=num_nodes)
    agg = agg / jnp.clip(deg, 1.0, None)[:, None]
    # SAGEConv: lin_l(aggregated) + lin_r(self)
    return agg @ W_l + b_l + x @ W_r


def reference(x, edge_index, W1_l, b1_l, W1_r, W2_l, b2_l, W2_r):
    src = edge_index[0]
    dst = edge_index[1]
    n = x.shape[0]
    h = _sage_conv(x, src, dst, W1_l, b1_l, W1_r, n)
    h = jax.nn.relu(h)
    out = _sage_conv(h, src, dst, W2_l, b2_l, W2_r, n)
    return out

if __name__ == "__main__":
    import jax
    _d = setup_inputs()
    print(jax.jit(kernel)(*tuple(_d.values())))

</pallas_src>

<mosaic_0001>
#map = affine_map<(d0, d1) -> (0)>
#map1 = affine_map<(d0, d1) -> (0, 0)>
#map2 = affine_map<(d0, d1) -> (0, 0, 0)>
module attributes {stable_mosaic.version = 14 : i64} {
  func.func @body(%arg0: i32, %arg1: i32, %arg2: memref<320000xi32, #tpu.memory_space<hbm>>, %arg3: memref<320000xi32, #tpu.memory_space<hbm>>, %arg4: memref<10000x128xf32, #tpu.memory_space<hbm>>, %arg5: memref<2x10240x128xf32, #tpu.memory_space<hbm>>, %arg6: memref<2x10240xf32, #tpu.memory_space<hbm>>, %arg7: memref<80xi32, #tpu.memory_space<vmem>>, %arg8: memref<80xi32, #tpu.memory_space<vmem>>, %arg9: memref<80xi32, #tpu.memory_space<vmem>>, %arg10: memref<80xi32, #tpu.memory_space<vmem>>, %arg11: memref<80xi32, #tpu.memory_space<vmem>>, %arg12: memref<80xi32, #tpu.memory_space<vmem>>, %arg13: memref<80x128xf32, #tpu.memory_space<vmem>>, %arg14: memref<80x128xf32, #tpu.memory_space<vmem>>, %arg15: memref<80x128xf32, #tpu.memory_space<vmem>>, %arg16: memref<80xf32, #tpu.memory_space<vmem>>, %arg17: memref<640xf32, #tpu.memory_space<vmem>>, %arg18: memref<10240x128xf32, #tpu.memory_space<vmem_shared>>, %arg19: memref<10240xf32, #tpu.memory_space<vmem_shared>>, %arg20: memref<!tpu.dma_semaphore, #tpu.memory_space<semaphore_mem>>, %arg21: memref<!tpu.dma_semaphore, #tpu.memory_space<semaphore_mem>>, %arg22: memref<!tpu.dma_semaphore, #tpu.memory_space<semaphore_mem>>, %arg23: memref<!tpu.dma_semaphore, #tpu.memory_space<semaphore_mem>>, %arg24: memref<!tpu.dma_semaphore, #tpu.memory_space<semaphore_mem>>, %arg25: memref<!tpu.dma_semaphore, #tpu.memory_space<semaphore_mem>>, %arg26: memref<!tpu.dma_semaphore, #tpu.memory_space<semaphore_mem>>, %arg27: memref<!tpu.dma_semaphore, #tpu.memory_space<semaphore_mem>>, %arg28: memref<!tpu.dma_semaphore, #tpu.memory_space<semaphore_mem>>, %arg29: memref<!tpu.dma_semaphore, #tpu.memory_space<semaphore_mem>>, %arg30: memref<!tpu.dma_semaphore, #tpu.memory_space<semaphore_mem>>, %arg31: memref<!tpu.dma_semaphore, #tpu.memory_space<semaphore_mem>>, %arg32: memref<!tpu.dma_semaphore, #tpu.memory_space<semaphore_mem>>) attributes {dimension_semantics = [#tpu.dimension_semantics<core_parallel>, #tpu.dimension_semantics<subcore_parallel>], iteration_bounds = array<i64: 2, 16>, scalar_prefetch = 0 : i64, scratch_operands = 26 : i64, tpu.core_type = #tpu.core_type<sc_vector_subcore>, window_params = [{transform_indices = #map}, {transform_indices = #map}, {transform_indices = #map1}, {transform_indices = #map2}, {transform_indices = #map1}]} {
    %mul3A = arith.constant 2 : i32
    %mul3A_0 = arith.muli %arg1, %mul3A : i32
    %add3A = arith.addi %mul3A_0, %arg0 : i32
    %scan3A = arith.constant 0 : i32
    %scan3A_1 = arith.constant 0 : i32
    %scan3A_2 = arith.constant 80 : i32
    %scan3A_3 = arith.addi %scan3A_1, %scan3A_2 : i32
    %scan3A_4 = arith.constant 1 : i32
    %scan3A_5 = scf.for %scan3A_154 = %scan3A_1 to %scan3A_3 step %scan3A_4 iter_args(%scan3A_155 = %scan3A) -> (i32)  : i32 {
      %broadcast_in_dim3A = arith.constant 0.000000e+00 : f32
      %broadcast_in_dim3A_156 = vector.broadcast %broadcast_in_dim3A : f32 to vector<16xf32>
      %swap3A = arith.index_cast %scan3A_154 : i32 to index
      %swap3A_157 = arith.constant 0 : index
      %swap3A_158 = tpu.vector_load %arg13[%swap3A, %swap3A_157] {strides = array<i32>} : memref<80x128xf32, #tpu.memory_space<vmem>>, vector<1x16xf32>,
      %swap3A_159 = vector.shape_cast %swap3A_158 : vector<1x16xf32> to vector<16xf32>
      %swap3A_160 = vector.shape_cast %broadcast_in_dim3A_156 : vector<16xf32> to vector<1x16xf32>
      tpu.vector_store %arg13[%swap3A, %swap3A_157], %swap3A_160 {strides = array<i32>} : memref<80x128xf32, #tpu.memory_space<vmem>>, vector<1x16xf32>,
      %broadcast_in_dim3A_161 = arith.constant 0.000000e+00 : f32
      %broadcast_in_dim3A_162 = vector.broadcast %broadcast_in_dim3A_161 : f32 to vector<16xf32>
      %swap3A_163 = arith.index_cast %scan3A_154 : i32 to index
      %swap3A_164 = arith.constant 16 : index
      %swap3A_165 = tpu.vector_load %arg13[%swap3A_163, %swap3A_164] {strides = array<i32>} : memref<80x128xf32, #tpu.memory_space<vmem>>, vector<1x16xf32>,
      %swap3A_166 = vector.shape_cast %swap3A_165 : vector<1x16xf32> to vector<16xf32>
      %swap3A_167 = vector.shape_cast %broadcast_in_dim3A_162 : vector<16xf32> to vector<1x16xf32>
      tpu.vector_store %arg13[%swap3A_163, %swap3A_164], %swap3A_167 {strides = array<i32>} : memref<80x128xf32, #tpu.memory_space<vmem>>, vector<1x16xf32>,
      %broadcast_in_dim3A_168 = arith.constant 0.000000e+00 : f32
      %broadcast_in_dim3A_169 = vector.broadcast %broadcast_in_dim3A_168 : f32 to vector<16xf32>
      %swap3A_170 = arith.index_cast %scan3A_154 : i32 to index
      %swap3A_171 = arith.constant 32 : index
      %swap3A_172 = tpu.vector_load %arg13[%swap3A_170, %swap3A_171] {strides = array<i32>} : memref<80x128xf32, #tpu.memory_space<vmem>>, vector<1x16xf32>,
      %swap3A_173 = vector.shape_cast %swap3A_172 : vector<1x16xf32> to vector<16xf32>
      %swap3A_174 = vector.shape_cast %broadcast_in_dim3A_169 : vector<16xf32> to vector<1x16xf32>
      tpu.vector_store %arg13[%swap3A_170, %swap3A_171], %swap3A_174 {strides = array<i32>} : memref<80x128xf32, #tpu.memory_space<vmem>>, vector<1x16xf32>,
      %broadcast_in_dim3A_175 = arith.constant 0.000000e+00 : f32
      %broadcast_in_dim3A_176 = vector.broadcast %broadcast_in_dim3A_175 : f32 to vector<16xf32>
      %swap3A_177 = arith.index_cast %scan3A_154 : i32 to index
      %swap3A_178 = arith.constant 48 : index
      %swap3A_179 = tpu.vector_load %arg13[%swap3A_177, %swap3A_178] {strides = array<i32>} : memref<80x128xf32, #tpu.memory_space<vmem>>, vector<1x16xf32>,
      %swap3A_180 = vector.shape_cast %swap3A_179 : vector<1x16xf32> to vector<16xf32>
      %swap3A_181 = vector.shape_cast %broadcast_in_dim3A_176 : vector<16xf32> to vector<1x16xf32>
      tpu.vector_store %arg13[%swap3A_177, %swap3A_178], %swap3A_181 {strides = array<i32>} : memref<80x128xf32, #tpu.memory_space<vmem>>, vector<1x16xf32>,
      %broadcast_in_dim3A_182 = arith.constant 0.000000e+00 : f32
      %broadcast_in_dim3A_183 = vector.broadcast %broadcast_in_dim3A_182 : f32 to vector<16xf32>
      %swap3A_184 = arith.index_cast %scan3A_154 : i32 to index
      %swap3A_185 = arith.constant 64 : index
      %swap3A_186 = tpu.vector_load %arg13[%swap3A_184, %swap3A_185] {strides = array<i32>} : memref<80x128xf32, #tpu.memory_space<vmem>>, vector<1x16xf32>,
      %swap3A_187 = vector.shape_cast %swap3A_186 : vector<1x16xf32> to vector<16xf32>
      %swap3A_188 = vector.shape_cast %broadcast_in_dim3A_183 : vector<16xf32> to vector<1x16xf32>
      tpu.vector_store %arg13[%swap3A_184, %swap3A_185], %swap3A_188 {strides = array<i32>} : memref<80x128xf32, #tpu.memory_space<vmem>>, vector<1x16xf32>,
      %broadcast_in_dim3A_189 = arith.constant 0.000000e+00 : f32
      %broadcast_in_dim3A_190 = vector.broadcast %broadcast_in_dim3A_189 : f32 to vector<16xf32>
      %swap3A_191 = arith.index_cast %scan3A_154 : i32 to index
      %swap3A_192 = arith.constant 80 : index
      %swap3A_193 = tpu.vector_load %arg13[%swap3A_191, %swap3A_192] {strides = array<i32>} : memref<80x128xf32, #tpu.memory_space<vmem>>, vector<1x16xf32>,
      %swap3A_194 = vector.shape_cast %swap3A_193 : vector<1x16xf32> to vector<16xf32>
      %swap3A_195 = vector.shape_cast %broadcast_in_dim3A_190 : vector<16xf32> to vector<1x16xf32>
      tpu.vector_store %arg13[%swap3A_191, %swap3A_192], %swap3A_195 {strides = array<i32>} : memref<80x128xf32, #tpu.memory_space<vmem>>, vector<1x16xf32>,
      %broadcast_in_dim3A_196 = arith.constant 0.000000e+00 : f32
      %broadcast_in_dim3A_197 = vector.broadcast %broadcast_in_dim3A_196 : f32 to vector<16xf32>
      %swap3A_198 = arith.index_cast %scan3A_154 : i32 to index
      %swap3A_199 = arith.constant 96 : index
      %swap3A_200 = tpu.vector_load %arg13[%swap3A_198, %swap3A_199] {strides = array<i32>} : memref<80x128xf32, #tpu.memory_space<vmem>>, vector<1x16xf32>,
      %swap3A_201 = vector.shape_cast %swap3A_200 : vector<1x16xf32> to vector<16xf32>
      %swap3A_202 = vector.shape_cast %broadcast_in_dim3A_197 : vector<16xf32> to vector<1x16xf32>
      tpu.vector_store %arg13[%swap3A_198, %swap3A_199], %swap3A_202 {strides = array<i32>} : memref<80x128xf32, #tpu.memory_space<vmem>>, vector<1x16xf32>,
      %broadcast_in_dim3A_203 = arith.constant 0.000000e+00 : f32
      %broadcast_in_dim3A_204 = vector.broadcast %broadcast_in_dim3A_203 : f32 to vector<16xf32>
      %swap3A_205 = arith.index_cast %scan3A_154 : i32 to index
      %swap3A_206 = arith.constant 112 : index
      %swap3A_207 = tpu.vector_load %arg13[%swap3A_205, %swap3A_206] {strides = array<i32>} : memref<80x128xf32, #tpu.memory_space<vmem>>, vector<1x16xf32>,
      %swap3A_208 = vector.shape_cast %swap3A_207 : vector<1x16xf32> to vector<16xf32>
      %swap3A_209 = vector.shape_cast %broadcast_in_dim3A_204 : vector<16xf32> to vector<1x16xf32>
      tpu.vector_store %arg13[%swap3A_205, %swap3A_206], %swap3A_209 {strides = array<i32>} : memref<80x128xf32, #tpu.memory_space<vmem>>, vector<1x16xf32>,
      %scan3A_210 = arith.constant 0 : i32
      scf.yield %scan3A_210 : i32
    }
    %scan3A_6 = arith.constant 80 : i32
    %mul3A_7 = arith.constant 640 : i32
    %mul3A_8 = arith.muli %arg1, %mul3A_7 : i32
    %add3A_9 = arith.constant 0 : i32
    %add3A_10 = arith.addi %mul3A_8, %add3A_9 : i32
    "tpu.region"() ({
      %run_scoped3A = tpu.sem_alloc : memref<!tpu.dma_semaphore, #tpu.memory_space<semaphore_mem>>
      %dma_start3A_154 = arith.constant 0 : i32
      %dma_start3A_155 = tpu.memref_slice %arg18[%add3A_10, %dma_start3A_154] : memref<10240x128xf32, #tpu.memory_space<vmem_shared>> -> memref<80x128xf32, #tpu.memory_space<vmem_shared>>
      %dma_start3A_156 = arith.constant 0 : i32
      %dma_start3A_157 = tpu.memref_slice %arg18[%add3A_10, %dma_start3A_156] : memref<10240x128xf32, #tpu.memory_space<vmem_shared>> -> memref<80x128xf32, #tpu.memory_space<vmem_shared>>
      tpu.enqueue_dma source(%arg13 : memref<80x128xf32, #tpu.memory_space<vmem>>) target(%dma_start3A_157 : memref<80x128xf32, #tpu.memory_space<vmem_shared>>) target_semaphore(%run_scoped3A : memref<!tpu.dma_semaphore, #tpu.memory_space<semaphore_mem>>)
      %dma_wait3A_158 = arith.constant 0 : i32
      %dma_wait3A_159 = tpu.memref_slice %arg18[%add3A_10, %dma_wait3A_158] : memref<10240x128xf32, #tpu.memory_space<vmem_shared>> -> memref<80x128xf32, #tpu.memory_space<vmem_shared>>
      %dma_wait3A_160 = arith.constant 0 : i32
      %dma_wait3A_161 = tpu.memref_slice %arg18[%add3A_10, %dma_wait3A_160] : memref<10240x128xf32, #tpu.memory_space<vmem_shared>> -> memref<80x128xf32, #tpu.memory_space<vmem_shared>>
      tpu.wait_dma2 semaphore(%run_scoped3A : memref<!tpu.dma_semaphore, #tpu.memory_space<semaphore_mem>>) src(%arg13 : memref<80x128xf32, #tpu.memory_space<vmem>>) dst(%dma_wait3A_161 : memref<80x128xf32, #tpu.memory_space<vmem_shared>>)
      tpu.yield
    }) : () -> ()
    %mul3A_11 = arith.constant 640 : i32
    %mul3A_12 = arith.muli %arg1, %mul3A_11 : i32
    %add3A_13 = arith.constant 80 : i32
    %add3A_14 = arith.addi %mul3A_12, %add3A_13 : i32
    "tpu.region"() ({
      %run_scoped3A = tpu.sem_alloc : memref<!tpu.dma_semaphore, #tpu.memory_space<semaphore_mem>>
      %dma_start3A_154 = arith.constant 0 : i32
      %dma_start3A_155 = tpu.memref_slice %arg18[%add3A_14, %dma_start3A_154] : memref<10240x128xf32, #tpu.memory_space<vmem_shared>> -> memref<80x128xf32, #tpu.memory_space<vmem_shared>>
      %dma_start3A_156 = arith.constant 0 : i32
      %dma_start3A_157 = tpu.memref_slice %arg18[%add3A_14, %dma_start3A_156] : memref<10240x128xf32, #tpu.memory_space<vmem_shared>> -> memref<80x128xf32, #tpu.memory_space<vmem_shared>>
      tpu.enqueue_dma source(%arg13 : memref<80x128xf32, #tpu.memory_space<vmem>>) target(%dma_start3A_157 : memref<80x128xf32, #tpu.memory_space<vmem_shared>>) target_semaphore(%run_scoped3A : memref<!tpu.dma_semaphore, #tpu.memory_space<semaphore_mem>>)
      %dma_wait3A_158 = arith.constant 0 : i32
      %dma_wait3A_159 = tpu.memref_slice %arg18[%add3A_14, %dma_wait3A_158] : memref<10240x128xf32, #tpu.memory_space<vmem_shared>> -> memref<80x128xf32, #tpu.memory_space<vmem_shared>>
      %dma_wait3A_160 = arith.constant 0 : i32
      %dma_wait3A_161 = tpu.memref_slice %arg18[%add3A_14, %dma_wait3A_160] : memref<10240x128xf32, #tpu.memory_space<vmem_shared>> -> memref<80x128xf32, #tpu.memory_space<vmem_shared>>
      tpu.wait_dma2 semaphore(%run_scoped3A : memref<!tpu.dma_semaphore, #tpu.memory_space<semaphore_mem>>) src(%arg13 : memref<80x128xf32, #tpu.memory_space<vmem>>) dst(%dma_wait3A_161 : memref<80x128xf32, #tpu.memory_space<vmem_shared>>)
      tpu.yield
    }) : () -> ()
    %mul3A_15 = arith.constant 640 : i32
    %mul3A_16 = arith.muli %arg1, %mul3A_15 : i32
    %add3A_17 = arith.constant 160 : i32
    %add3A_18 = arith.addi %mul3A_16, %add3A_17 : i32
    "tpu.region"() ({
      %run_scoped3A = tpu.sem_alloc : memref<!tpu.dma_semaphore, #tpu.memory_space<semaphore_mem>>
      %dma_start3A_154 = arith.constant 0 : i32
      %dma_start3A_155 = tpu.memref_slice %arg18[%add3A_18, %dma_start3A_154] : memref<10240x128xf32, #tpu.memory_space<vmem_shared>> -> memref<80x128xf32, #tpu.memory_space<vmem_shared>>
      %dma_start3A_156 = arith.constant 0 : i32
      %dma_start3A_157 = tpu.memref_slice %arg18[%add3A_18, %dma_start3A_156] : memref<10240x128xf32, #tpu.memory_space<vmem_shared>> -> memref<80x128xf32, #tpu.memory_space<vmem_shared>>
      tpu.enqueue_dma source(%arg13 : memref<80x128xf32, #tpu.memory_space<vmem>>) target(%dma_start3A_157 : memref<80x128xf32, #tpu.memory_space<vmem_shared>>) target_semaphore(%run_scoped3A : memref<!tpu.dma_semaphore, #tpu.memory_space<semaphore_mem>>)
      %dma_wait3A_158 = arith.constant 0 : i32
      %dma_wait3A_159 = tpu.memref_slice %arg18[%add3A_18, %dma_wait3A_158] : memref<10240x128xf32, #tpu.memory_space<vmem_shared>> -> memref<80x128xf32, #tpu.memory_space<vmem_shared>>
      %dma_wait3A_160 = arith.constant 0 : i32
      %dma_wait3A_161 = tpu.memref_slice %arg18[%add3A_18, %dma_wait3A_160] : memref<10240x128xf32, #tpu.memory_space<vmem_shared>> -> memref<80x128xf32, #tpu.memory_space<vmem_shared>>
      tpu.wait_dma2 semaphore(%run_scoped3A : memref<!tpu.dma_semaphore, #tpu.memory_space<semaphore_mem>>) src(%arg13 : memref<80x128xf32, #tpu.memory_space<vmem>>) dst(%dma_wait3A_161 : memref<80x128xf32, #tpu.memory_space<vmem_shared>>)
      tpu.yield
    }) : () -> ()
    %mul3A_19 = arith.constant 640 : i32
    %mul3A_20 = arith.muli %arg1, %mul3A_19 : i32
    %add3A_21 = arith.constant 240 : i32
    %add3A_22 = arith.addi %mul3A_20, %add3A_21 : i32
    "tpu.region"() ({
      %run_scoped3A = tpu.sem_alloc : memref<!tpu.dma_semaphore, #tpu.memory_space<semaphore_mem>>
      %dma_start3A_154 = arith.constant 0 : i32
      %dma_start3A_155 = tpu.memref_slice %arg18[%add3A_22, %dma_start3A_154] : memref<10240x128xf32, #tpu.memory_space<vmem_shared>> -> memref<80x128xf32, #tpu.memory_space<vmem_shared>>
      %dma_start3A_156 = arith.constant 0 : i32
      %dma_start3A_157 = tpu.memref_slice %arg18[%add3A_22, %dma_start3A_156] : memref<10240x128xf32, #tpu.memory_space<vmem_shared>> -> memref<80x128xf32, #tpu.memory_space<vmem_shared>>
      tpu.enqueue_dma source(%arg13 : memref<80x128xf32, #tpu.memory_space<vmem>>) target(%dma_start3A_157 : memref<80x128xf32, #tpu.memory_space<vmem_shared>>) target_semaphore(%run_scoped3A : memref<!tpu.dma_semaphore, #tpu.memory_space<semaphore_mem>>)
      %dma_wait3A_158 = arith.constant 0 : i32
      %dma_wait3A_159 = tpu.memref_slice %arg18[%add3A_22, %dma_wait3A_158] : memref<10240x128xf32, #tpu.memory_space<vmem_shared>> -> memref<80x128xf32, #tpu.memory_space<vmem_shared>>
      %dma_wait3A_160 = arith.constant 0 : i32
      %dma_wait3A_161 = tpu.memref_slice %arg18[%add3A_22, %dma_wait3A_160] : memref<10240x128xf32, #tpu.memory_space<vmem_shared>> -> memref<80x128xf32, #tpu.memory_space<vmem_shared>>
      tpu.wait_dma2 semaphore(%run_scoped3A : memref<!tpu.dma_semaphore, #tpu.memory_space<semaphore_mem>>) src(%arg13 : memref<80x128xf32, #tpu.memory_space<vmem>>) dst(%dma_wait3A_161 : memref<80x128xf32, #tpu.memory_space<vmem_shared>>)
      tpu.yield
    }) : () -> ()
    %mul3A_23 = arith.constant 640 : i32
    %mul3A_24 = arith.muli %arg1, %mul3A_23 : i32
    %add3A_25 = arith.constant 320 : i32
    %add3A_26 = arith.addi %mul3A_24, %add3A_25 : i32
    "tpu.region"() ({
      %run_scoped3A = tpu.sem_alloc : memref<!tpu.dma_semaphore, #tpu.memory_space<semaphore_mem>>
      %dma_start3A_154 = arith.constant 0 : i32
      %dma_start3A_155 = tpu.memref_slice %arg18[%add3A_26, %dma_start3A_154] : memref<10240x128xf32, #tpu.memory_space<vmem_shared>> -> memref<80x128xf32, #tpu.memory_space<vmem_shared>>
      %dma_start3A_156 = arith.constant 0 : i32
      %dma_start3A_157 = tpu.memref_slice %arg18[%add3A_26, %dma_start3A_156] : memref<10240x128xf32, #tpu.memory_space<vmem_shared>> -> memref<80x128xf32, #tpu.memory_space<vmem_shared>>
      tpu.enqueue_dma source(%arg13 : memref<80x128xf32, #tpu.memory_space<vmem>>) target(%dma_start3A_157 : memref<80x128xf32, #tpu.memory_space<vmem_shared>>) target_semaphore(%run_scoped3A : memref<!tpu.dma_semaphore, #tpu.memory_space<semaphore_mem>>)
      %dma_wait3A_158 = arith.constant 0 : i32
      %dma_wait3A_159 = tpu.memref_slice %arg18[%add3A_26, %dma_wait3A_158] : memref<10240x128xf32, #tpu.memory_space<vmem_shared>> -> memref<80x128xf32, #tpu.memory_space<vmem_shared>>
      %dma_wait3A_160 = arith.constant 0 : i32
      %dma_wait3A_161 = tpu.memref_slice %arg18[%add3A_26, %dma_wait3A_160] : memref<10240x128xf32, #tpu.memory_space<vmem_shared>> -> memref<80x128xf32, #tpu.memory_space<vmem_shared>>
      tpu.wait_dma2 semaphore(%run_scoped3A : memref<!tpu.dma_semaphore, #tpu.memory_space<semaphore_mem>>) src(%arg13 : memref<80x128xf32, #tpu.memory_space<vmem>>) dst(%dma_wait3A_161 : memref<80x128xf32, #tpu.memory_space<vmem_shared>>)
      tpu.yield
    }) : () -> ()
    %mul3A_27 = arith.constant 640 : i32
    %mul3A_28 = arith.muli %arg1, %mul3A_27 : i32
    %add3A_29 = arith.constant 400 : i32
    %add3A_30 = arith.addi %mul3A_28, %add3A_29 : i32
    "tpu.region"() ({
      %run_scoped3A = tpu.sem_alloc : memref<!tpu.dma_semaphore, #tpu.memory_space<semaphore_mem>>
      %dma_start3A_154 = arith.constant 0 : i32
      %dma_start3A_155 = tpu.memref_slice %arg18[%add3A_30, %dma_start3A_154] : memref<10240x128xf32, #tpu.memory_space<vmem_shared>> -> memref<80x128xf32, #tpu.memory_space<vmem_shared>>
      %dma_start3A_156 = arith.constant 0 : i32
      %dma_start3A_157 = tpu.memref_slice %arg18[%add3A_30, %dma_start3A_156] : memref<10240x128xf32, #tpu.memory_space<vmem_shared>> -> memref<80x128xf32, #tpu.memory_space<vmem_shared>>
      tpu.enqueue_dma source(%arg13 : memref<80x128xf32, #tpu.memory_space<vmem>>) target(%dma_start3A_157 : memref<80x128xf32, #tpu.memory_space<vmem_shared>>) target_semaphore(%run_scoped3A : memref<!tpu.dma_semaphore, #tpu.memory_space<semaphore_mem>>)
      %dma_wait3A_158 = arith.constant 0 : i32
      %dma_wait3A_159 = tpu.memref_slice %arg18[%add3A_30, %dma_wait3A_158] : memref<10240x128xf32, #tpu.memory_space<vmem_shared>> -> memref<80x128xf32, #tpu.memory_space<vmem_shared>>
      %dma_wait3A_160 = arith.constant 0 : i32
      %dma_wait3A_161 = tpu.memref_slice %arg18[%add3A_30, %dma_wait3A_160] : memref<10240x128xf32, #tpu.memory_space<vmem_shared>> -> memref<80x128xf32, #tpu.memory_space<vmem_shared>>
      tpu.wait_dma2 semaphore(%run_scoped3A : memref<!tpu.dma_semaphore, #tpu.memory_space<semaphore_mem>>) src(%arg13 : memref<80x128xf32, #tpu.memory_space<vmem>>) dst(%dma_wait3A_161 : memref<80x128xf32, #tpu.memory_space<vmem_shared>>)
      tpu.yield
    }) : () -> ()
    %mul3A_31 = arith.constant 640 : i32
    %mul3A_32 = arith.muli %arg1, %mul3A_31 : i32
    %add3A_33 = arith.constant 480 : i32
    %add3A_34 = arith.addi %mul3A_32, %add3A_33 : i32
    "tpu.region"() ({
      %run_scoped3A = tpu.sem_alloc : memref<!tpu.dma_semaphore, #tpu.memory_space<semaphore_mem>>
      %dma_start3A_154 = arith.constant 0 : i32
      %dma_start3A_155 = tpu.memref_slice %arg18[%add3A_34, %dma_start3A_154] : memref<10240x128xf32, #tpu.memory_space<vmem_shared>> -> memref<80x128xf32, #tpu.memory_space<vmem_shared>>
      %dma_start3A_156 = arith.constant 0 : i32
      %dma_start3A_157 = tpu.memref_slice %arg18[%add3A_34, %dma_start3A_156] : memref<10240x128xf32, #tpu.memory_space<vmem_shared>> -> memref<80x128xf32, #tpu.memory_space<vmem_shared>>
      tpu.enqueue_dma source(%arg13 : memref<80x128xf32, #tpu.memory_space<vmem>>) target(%dma_start3A_157 : memref<80x128xf32, #tpu.memory_space<vmem_shared>>) target_semaphore(%run_scoped3A : memref<!tpu.dma_semaphore, #tpu.memory_space<semaphore_mem>>)
      %dma_wait3A_158 = arith.constant 0 : i32
      %dma_wait3A_159 = tpu.memref_slice %arg18[%add3A_34, %dma_wait3A_158] : memref<10240x128xf32, #tpu.memory_space<vmem_shared>> -> memref<80x128xf32, #tpu.memory_space<vmem_shared>>
      %dma_wait3A_160 = arith.constant 0 : i32
      %dma_wait3A_161 = tpu.memref_slice %arg18[%add3A_34, %dma_wait3A_160] : memref<10240x128xf32, #tpu.memory_space<vmem_shared>> -> memref<80x128xf32, #tpu.memory_space<vmem_shared>>
      tpu.wait_dma2 semaphore(%run_scoped3A : memref<!tpu.dma_semaphore, #tpu.memory_space<semaphore_mem>>) src(%arg13 : memref<80x128xf32, #tpu.memory_space<vmem>>) dst(%dma_wait3A_161 : memref<80x128xf32, #tpu.memory_space<vmem_shared>>)
      tpu.yield
    }) : () -> ()
    %mul3A_35 = arith.constant 640 : i32
    %mul3A_36 = arith.muli %arg1, %mul3A_35 : i32
    %add3A_37 = arith.constant 560 : i32
    %add3A_38 = arith.addi %mul3A_36, %add3A_37 : i32
    "tpu.region"() ({
      %run_scoped3A = tpu.sem_alloc : memref<!tpu.dma_semaphore, #tpu.memory_space<semaphore_mem>>
      %dma_start3A_154 = arith.constant 0 : i32
      %dma_start3A_155 = tpu.memref_slice %arg18[%add3A_38, %dma_start3A_154] : memref<10240x128xf32, #tpu.memory_space<vmem_shared>> -> memref<80x128xf32, #tpu.memory_space<vmem_shared>>
      %dma_start3A_156 = arith.constant 0 : i32
      %dma_start3A_157 = tpu.memref_slice %arg18[%add3A_38, %dma_start3A_156] : memref<10240x128xf32, #tpu.memory_space<vmem_shared>> -> memref<80x128xf32, #tpu.memory_space<vmem_shared>>
      tpu.enqueue_dma source(%arg13 : memref<80x128xf32, #tpu.memory_space<vmem>>) target(%dma_start3A_157 : memref<80x128xf32, #tpu.memory_space<vmem_shared>>) target_semaphore(%run_scoped3A : memref<!tpu.dma_semaphore, #tpu.memory_space<semaphore_mem>>)
      %dma_wait3A_158 = arith.constant 0 : i32
      %dma_wait3A_159 = tpu.memref_slice %arg18[%add3A_38, %dma_wait3A_158] : memref<10240x128xf32, #tpu.memory_space<vmem_shared>> -> memref<80x128xf32, #tpu.memory_space<vmem_shared>>
      %dma_wait3A_160 = arith.constant 0 : i32
      %dma_wait3A_161 = tpu.memref_slice %arg18[%add3A_38, %dma_wait3A_160] : memref<10240x128xf32, #tpu.memory_space<vmem_shared>> -> memref<80x128xf32, #tpu.memory_space<vmem_shared>>
      tpu.wait_dma2 semaphore(%run_scoped3A : memref<!tpu.dma_semaphore, #tpu.memory_space<semaphore_mem>>) src(%arg13 : memref<80x128xf32, #tpu.memory_space<vmem>>) dst(%dma_wait3A_161 : memref<80x128xf32, #tpu.memory_space<vmem_shared>>)
      tpu.yield
    }) : () -> ()
    %scan3A_39 = arith.constant 0 : i32
    %scan3A_40 = arith.constant 0 : i32
    %scan3A_41 = arith.constant 40 : i32
    %scan3A_42 = arith.addi %scan3A_40, %scan3A_41 : i32
    %scan3A_43 = arith.constant 1 : i32
    %scan3A_44 = scf.for %scan3A_154 = %scan3A_40 to %scan3A_42 step %scan3A_43 iter_args(%scan3A_155 = %scan3A_39) -> (i32)  : i32 {
      %broadcast_in_dim3A = arith.constant 0.000000e+00 : f32
      %broadcast_in_dim3A_156 = vector.broadcast %broadcast_in_dim3A : f32 to vector<16xf32>
      %mul3A_157 = arith.constant 16 : i32
      %mul3A_158 = arith.muli %scan3A_154, %mul3A_157 : i32
      %swap3A = arith.index_cast %mul3A_158 : i32 to index
      %swap3A_159 = tpu.vector_load %arg17[%swap3A] {strides = array<i32>} : memref<640xf32, #tpu.memory_space<vmem>>, vector<16xf32>,
      %swap3A_160 = vector.shape_cast %swap3A_159 : vector<16xf32> to vector<16xf32>
      %swap3A_161 = vector.shape_cast %broadcast_in_dim3A_156 : vector<16xf32> to vector<16xf32>
      tpu.vector_store %arg17[%swap3A], %swap3A_161 {strides = array<i32>} : memref<640xf32, #tpu.memory_space<vmem>>, vector<16xf32>,
      %scan3A_162 = arith.constant 0 : i32
      scf.yield %scan3A_162 : i32
    }
    %scan3A_45 = arith.constant 40 : i32
    %mul3A_46 = arith.constant 640 : i32
    %mul3A_47 = arith.muli %arg1, %mul3A_46 : i32
    "tpu.region"() ({
      %run_scoped3A = tpu.sem_alloc : memref<!tpu.dma_semaphore, #tpu.memory_space<semaphore_mem>>
      %dma_start3A_154 = tpu.memref_slice %arg19[%mul3A_47] : memref<10240xf32, #tpu.memory_space<vmem_shared>> -> memref<640xf32, #tpu.memory_space<vmem_shared>>
      %dma_start3A_155 = tpu.memref_slice %arg19[%mul3A_47] : memref<10240xf32, #tpu.memory_space<vmem_shared>> -> memref<640xf32, #tpu.memory_space<vmem_shared>>
      tpu.enqueue_dma source(%arg17 : memref<640xf32, #tpu.memory_space<vmem>>) target(%dma_start3A_155 : memref<640xf32, #tpu.memory_space<vmem_shared>>) target_semaphore(%run_scoped3A : memref<!tpu.dma_semaphore, #tpu.memory_space<semaphore_mem>>)
      %dma_wait3A_156 = tpu.memref_slice %arg19[%mul3A_47] : memref<10240xf32, #tpu.memory_space<vmem_shared>> -> memref<640xf32, #tpu.memory_space<vmem_shared>>
      %dma_wait3A_157 = tpu.memref_slice %arg19[%mul3A_47] : memref<10240xf32, #tpu.memory_space<vmem_shared>> -> memref<640xf32, #tpu.memory_space<vmem_shared>>
      tpu.wait_dma2 semaphore(%run_scoped3A : memref<!tpu.dma_semaphore, #tpu.memory_space<semaphore_mem>>) src(%arg17 : memref<640xf32, #tpu.memory_space<vmem>>) dst(%dma_wait3A_157 : memref<640xf32, #tpu.memory_space<vmem_shared>>)
      tpu.yield
    }) : () -> ()
    %scan3A_48 = arith.constant 0 : i32
    %scan3A_49 = arith.constant 0 : i32
    %scan3A_50 = arith.constant 5 : i32
    %scan3A_51 = arith.addi %scan3A_49, %scan3A_50 : i32
    %scan3A_52 = arith.constant 1 : i32
    %scan3A_53 = scf.for %scan3A_154 = %scan3A_49 to %scan3A_51 step %scan3A_52 iter_args(%scan3A_155 = %scan3A_48) -> (i32)  : i32 {
      %broadcast_in_dim3A = arith.constant 1.000000e+00 : f32
      %broadcast_in_dim3A_156 = vector.broadcast %broadcast_in_dim3A : f32 to vector<16xf32>
      %mul3A_157 = arith.constant 16 : i32
      %mul3A_158 = arith.muli %scan3A_154, %mul3A_157 : i32
      %swap3A = arith.index_cast %mul3A_158 : i32 to index
      %swap3A_159 = tpu.vector_load %arg16[%swap3A] {strides = array<i32>} : memref<80xf32, #tpu.memory_space<vmem>>, vector<16xf32>,
      %swap3A_160 = vector.shape_cast %swap3A_159 : vector<16xf32> to vector<16xf32>
      %swap3A_161 = vector.shape_cast %broadcast_in_dim3A_156 : vector<16xf32> to vector<16xf32>
      tpu.vector_store %arg16[%swap3A], %swap3A_161 {strides = array<i32>} : memref<80xf32, #tpu.memory_space<vmem>>, vector<16xf32>,
      %scan3A_162 = arith.constant 0 : i32
      scf.yield %scan3A_162 : i32
    }
    %scan3A_54 = arith.constant 5 : i32
    %barrier3A = arith.constant 0 : index
    tpu.barrier barrier_id(%barrier3A)
    %mul3A_55 = arith.constant 10000 : i32
    %mul3A_56 = arith.muli %add3A, %mul3A_55 : i32
    %add3A_57 = arith.constant 0 : i32
    %add3A_58 = arith.addi %mul3A_56, %add3A_57 : i32
    %dma_start3A = tpu.memref_slice %arg2[%add3A_58] : memref<320000xi32, #tpu.memory_space<hbm>> -> memref<80xi32, #tpu.memory_space<hbm>>
    %dma_start3A_59 = tpu.memref_slice %arg2[%add3A_58] : memref<320000xi32, #tpu.memory_space<hbm>> -> memref<80xi32, #tpu.memory_space<hbm>>
    tpu.enqueue_dma source(%dma_start3A_59 : memref<80xi32, #tpu.memory_space<hbm>>) target(%arg7 : memref<80xi32, #tpu.memory_space<vmem>>) target_semaphore(%arg20 : memref<!tpu.dma_semaphore, #tpu.memory_space<semaphore_mem>>)
    %add3A_60 = arith.constant 0 : i32
    %add3A_61 = arith.addi %mul3A_56, %add3A_60 : i32
    %dma_start3A_62 = tpu.memref_slice %arg3[%add3A_61] : memref<320000xi32, #tpu.memory_space<hbm>> -> memref<80xi32, #tpu.memory_space<hbm>>
    %dma_start3A_63 = tpu.memref_slice %arg3[%add3A_61] : memref<320000xi32, #tpu.memory_space<hbm>> -> memref<80xi32, #tpu.memory_space<hbm>>
    tpu.enqueue_dma source(%dma_start3A_63 : memref<80xi32, #tpu.memory_space<hbm>>) target(%arg10 : memref<80xi32, #tpu.memory_space<vmem>>) target_semaphore(%arg23 : memref<!tpu.dma_semaphore, #tpu.memory_space<semaphore_mem>>)
    %add3A_64 = arith.constant 80 : i32
    %add3A_65 = arith.addi %mul3A_56, %add3A_64 : i32
    %dma_start3A_66 = tpu.memref_slice %arg2[%add3A_65] : memref<320000xi32, #tpu.memory_space<hbm>> -> memref<80xi32, #tpu.memory_space<hbm>>
    %dma_start3A_67 = tpu.memref_slice %arg2[%add3A_65] : memref<320000xi32, #tpu.memory_space<hbm>> -> memref<80xi32, #tpu.memory_space<hbm>>
    tpu.enqueue_dma source(%dma_start3A_67 : memref<80xi32, #tpu.memory_space<hbm>>) target(%arg8 : memref<80xi32, #tpu.memory_space<vmem>>) target_semaphore(%arg21 : memref<!tpu.dma_semaphore, #tpu.memory_space<semaphore_mem>>)
    %add3A_68 = arith.constant 80 : i32
    %add3A_69 = arith.addi %mul3A_56, %add3A_68 : i32
    %dma_start3A_70 = tpu.memref_slice %arg3[%add3A_69] : memref<320000xi32, #tpu.memory_space<hbm>> -> memref<80xi32, #tpu.memory_space<hbm>>
    %dma_start3A_71 = tpu.memref_slice %arg3[%add3A_69] : memref<320000xi32, #tpu.memory_space<hbm>> -> memref<80xi32, #tpu.memory_space<hbm>>
    tpu.enqueue_dma source(%dma_start3A_71 : memref<80xi32, #tpu.memory_space<hbm>>) target(%arg11 : memref<80xi32, #tpu.memory_space<vmem>>) target_semaphore(%arg24 : memref<!tpu.dma_semaphore, #tpu.memory_space<semaphore_mem>>)
    %add3A_72 = arith.constant 160 : i32
    %add3A_73 = arith.addi %mul3A_56, %add3A_72 : i32
    %dma_start3A_74 = tpu.memref_slice %arg2[%add3A_73] : memref<320000xi32, #tpu.memory_space<hbm>> -> memref<80xi32, #tpu.memory_space<hbm>>
    %dma_start3A_75 = tpu.memref_slice %arg2[%add3A_73] : memref<320000xi32, #tpu.memory_space<hbm>> -> memref<80xi32, #tpu.memory_space<hbm>>
    tpu.enqueue_dma source(%dma_start3A_75 : memref<80xi32, #tpu.memory_space<hbm>>) target(%arg9 : memref<80xi32, #tpu.memory_space<vmem>>) target_semaphore(%arg22 : memref<!tpu.dma_semaphore, #tpu.memory_space<semaphore_mem>>)
    %add3A_76 = arith.constant 0 : i32
    %add3A_77 = arith.addi %mul3A_56, %add3A_76 : i32
    %dma_wait3A = tpu.memref_slice %arg2[%add3A_77] : memref<320000xi32, #tpu.memory_space<hbm>> -> memref<80xi32, #tpu.memory_space<hbm>>
    %dma_wait3A_78 = tpu.memref_slice %arg2[%add3A_77] : memref<320000xi32, #tpu.memory_space<hbm>> -> memref<80xi32, #tpu.memory_space<hbm>>
    tpu.wait_dma2 semaphore(%arg20 : memref<!tpu.dma_semaphore, #tpu.memory_space<semaphore_mem>>) src(%dma_wait3A_78 : memref<80xi32, #tpu.memory_space<hbm>>) dst(%arg7 : memref<80xi32, #tpu.memory_space<vmem>>)
    %dma_start3A_79 = arith.constant 0 : i32
    %dma_start3A_80 = arith.constant 0 : i32
    %dma_start3A_81 = tpu.memref_slice %arg4[%dma_start3A_79, %dma_start3A_80] : memref<10000x128xf32, #tpu.memory_space<hbm>> -> memref<10000x128xf32, #tpu.memory_space<hbm>>
    tpu.enqueue_indirect_dma source(%dma_start3A_81 : memref<10000x128xf32, #tpu.memory_space<hbm>>) target(%arg13 : memref<80x128xf32, #tpu.memory_space<vmem>>) offsets(%arg7 : memref<80xi32, #tpu.memory_space<vmem>>) semaphore(%arg26 : memref<!tpu.dma_semaphore, #tpu.memory_space<semaphore_mem>>)
    %add3A_82 = arith.constant 80 : i32
    %add3A_83 = arith.addi %mul3A_56, %add3A_82 : i32
    %dma_wait3A_84 = tpu.memref_slice %arg2[%add3A_83] : memref<320000xi32, #tpu.memory_space<hbm>> -> memref<80xi32, #tpu.memory_space<hbm>>
    %dma_wait3A_85 = tpu.memref_slice %arg2[%add3A_83] : memref<320000xi32, #tpu.memory_space<hbm>> -> memref<80xi32, #tpu.memory_space<hbm>>
    tpu.wait_dma2 semaphore(%arg21 : memref<!tpu.dma_semaphore, #tpu.memory_space<semaphore_mem>>) src(%dma_wait3A_85 : memref<80xi32, #tpu.memory_space<hbm>>) dst(%arg8 : memref<80xi32, #tpu.memory_space<vmem>>)
    %dma_start3A_86 = arith.constant 0 : i32
    %dma_start3A_87 = arith.constant 0 : i32
    %dma_start3A_88 = tpu.memref_slice %arg4[%dma_start3A_86, %dma_start3A_87] : memref<10000x128xf32, #tpu.memory_space<hbm>> -> memref<10000x128xf32, #tpu.memory_space<hbm>>
    tpu.enqueue_indirect_dma source(%dma_start3A_88 : memref<10000x128xf32, #tpu.memory_space<hbm>>) target(%arg14 : memref<80x128xf32, #tpu.memory_space<vmem>>) offsets(%arg8 : memref<80xi32, #tpu.memory_space<vmem>>) semaphore(%arg27 : memref<!tpu.dma_semaphore, #tpu.memory_space<semaphore_mem>>)
    %dma_wait3A_89 = arith.constant 0 : i32
    %dma_wait3A_90 = arith.constant 0 : i32
    %dma_wait3A_91 = tpu.memref_slice %arg4[%dma_wait3A_89, %dma_wait3A_90] : memref<10000x128xf32, #tpu.memory_space<hbm>> -> memref<10000x128xf32, #tpu.memory_space<hbm>>
    tpu.wait_indirect_dma semaphore(%arg26 : memref<!tpu.dma_semaphore, #tpu.memory_space<semaphore_mem>>) src(%dma_wait3A_91 : memref<10000x128xf32, #tpu.memory_space<hbm>>) dst(%arg13 : memref<80x128xf32, #tpu.memory_space<vmem>>)
    %add3A_92 = arith.constant 240 : i32
    %add3A_93 = arith.addi %mul3A_56, %add3A_92 : i32
    %dma_start3A_94 = tpu.memref_slice %arg2[%add3A_93] : memref<320000xi32, #tpu.memory_space<hbm>> -> memref<80xi32, #tpu.memory_space<hbm>>
    %dma_start3A_95 = tpu.memref_slice %arg2[%add3A_93] : memref<320000xi32, #tpu.memory_space<hbm>> -> memref<80xi32, #tpu.memory_space<hbm>>
    tpu.enqueue_dma source(%dma_start3A_95 : memref<80xi32, #tpu.memory_space<hbm>>) target(%arg7 : memref<80xi32, #tpu.memory_space<vmem>>) target_semaphore(%arg20 : memref<!tpu.dma_semaphore, #tpu.memory_space<semaphore_mem>>)
    %add3A_96 = arith.constant 0 : i32
    %add3A_97 = arith.addi %mul3A_56, %add3A_96 : i32
    %dma_wait3A_98 = tpu.memref_slice %arg3[%add3A_97] : memref<320000xi32, #tpu.memory_space<hbm>> -> memref<80xi32, #tpu.memory_space<hbm>>
    %dma_wait3A_99 = tpu.memref_slice %arg3[%add3A_97] : memref<320000xi32, #tpu.memory_space<hbm>> -> memref<80xi32, #tpu.memory_space<hbm>>
    tpu.wait_dma2 semaphore(%arg23 : memref<!tpu.dma_semaphore, #tpu.memory_space<semaphore_mem>>) src(%dma_wait3A_99 : memref<80xi32, #tpu.memory_space<hbm>>) dst(%arg10 : memref<80xi32, #tpu.memory_space<vmem>>)
    %dma_start3A_100 = arith.constant 0 : i32
    %dma_start3A_101 = arith.constant 0 : i32
    %dma_start3A_102 = tpu.memref_slice %arg18[%dma_start3A_100, %dma_start3A_101] : memref<10240x128xf32, #tpu.memory_space<vmem_shared>> -> memref<10240x128xf32, #tpu.memory_space<vmem_shared>>
    tpu.enqueue_indirect_dma source(%arg13 : memref<80x128xf32, #tpu.memory_space<vmem>>) target(%dma_start3A_102 : memref<10240x128xf32, #tpu.memory_space<vmem_shared>>) offsets(%arg10 : memref<80xi32, #tpu.memory_space<vmem>>) semaphore(%arg29 : memref<!tpu.dma_semaphore, #tpu.memory_space<semaphore_mem>>) {add = true}
    %dma_start3A_103 = arith.constant 0 : i32
    %dma_start3A_104 = tpu.memref_slice %arg19[%dma_start3A_103] : memref<10240xf32, #tpu.memory_space<vmem_shared>> -> memref<10240xf32, #tpu.memory_space<vmem_shared>>
    tpu.enqueue_indirect_dma source(%arg16 : memref<80xf32, #tpu.memory_space<vmem>>) target(%dma_start3A_104 : memref<10240xf32, #tpu.memory_space<vmem_shared>>) offsets(%arg10 : memref<80xi32, #tpu.memory_space<vmem>>) semaphore(%arg32 : memref<!tpu.dma_semaphore, #tpu.memory_space<semaphore_mem>>) {add = true}
    %add3A_105 = arith.constant 160 : i32
    %add3A_106 = arith.addi %mul3A_56, %add3A_105 : i32
    %dma_start3A_107 = tpu.memref_slice %arg3[%add3A_106] : memref<320000xi32, #tpu.memory_space<hbm>> -> memref<80xi32, #tpu.memory_space<hbm>>
    %dma_start3A_108 = tpu.memref_slice %arg3[%add3A_106] : memref<320000xi32, #tpu.memory_space<hbm>> -> memref<80xi32, #tpu.memory_space<hbm>>
    tpu.enqueue_dma source(%dma_start3A_108 : memref<80xi32, #tpu.memory_space<hbm>>) target(%arg12 : memref<80xi32, #tpu.memory_space<vmem>>) target_semaphore(%arg25 : memref<!tpu.dma_semaphore, #tpu.memory_space<semaphore_mem>>)
    %add3A_109 = arith.constant 160 : i32
    %add3A_110 = arith.addi %mul3A_56, %add3A_109 : i32
    %dma_wait3A_111 = tpu.memref_slice %arg2[%add3A_110] : memref<320000xi32, #tpu.memory_space<hbm>> -> memref<80xi32, #tpu.memory_space<hbm>>
    %dma_wait3A_112 = tpu.memref_slice %arg2[%add3A_110] : memref<320000xi32, #tpu.memory_space<hbm>> -> memref<80xi32, #tpu.memory_space<hbm>>
    tpu.wait_dma2 semaphore(%arg22 : memref<!tpu.dma_semaphore, #tpu.memory_space<semaphore_mem>>) src(%dma_wait3A_112 : memref<80xi32, #tpu.memory_space<hbm>>) dst(%arg9 : memref<80xi32, #tpu.memory_space<vmem>>)
    %dma_start3A_113 = arith.constant 0 : i32
    %dma_start3A_114 = arith.constant 0 : i32
    %dma_start3A_115 = tpu.memref_slice %arg4[%dma_start3A_113, %dma_start3A_114] : memref<10000x128xf32, #tpu.memory_space<hbm>> -> memref<10000x128xf32, #tpu.memory_space<hbm>>
    tpu.enqueue_indirect_dma source(%dma_start3A_115 : memref<10000x128xf32, #tpu.memory_space<hbm>>) target(%arg15 : memref<80x128xf32, #tpu.memory_space<vmem>>) offsets(%arg9 : memref<80xi32, #tpu.memory_space<vmem>>) semaphore(%arg28 : memref<!tpu.dma_semaphore, #tpu.memory_space<semaphore_mem>>)
    %scan3A_116 = arith.constant 0 : i32
    %scan3A_117 = arith.constant 0 : i32
    %scan3A_118 = arith.constant 41 : i32
    %scan3A_119 = arith.addi %scan3A_117, %scan3A_118 : i32
    %scan3A_120 = arith.constant 1 : i32
    %scan3A_121 = scf.for %scan3A_154 = %scan3A_117 to %scan3A_119 step %scan3A_120 iter_args(%scan3A_155 = %scan3A_116) -> (i32)  : i32 {
      %mul3A_156 = arith.constant 3 : i32
      %mul3A_157 = arith.muli %mul3A_156, %scan3A_154 : i32
      %add3A_158 = arith.constant 1 : i32
      %add3A_159 = arith.addi %mul3A_157, %add3A_158 : i32
      %dma_wait3A_160 = arith.constant 0 : i32
      %dma_wait3A_161 = arith.constant 0 : i32
      %dma_wait3A_162 = tpu.memref_slice %arg4[%dma_wait3A_160, %dma_wait3A_161] : memref<10000x128xf32, #tpu.memory_space<hbm>> -> memref<10000x128xf32, #tpu.memory_space<hbm>>
      tpu.wait_indirect_dma semaphore(%arg27 : memref<!tpu.dma_semaphore, #tpu.memory_space<semaphore_mem>>) src(%dma_wait3A_162 : memref<10000x128xf32, #tpu.memory_space<hbm>>) dst(%arg14 : memref<80x128xf32, #tpu.memory_space<vmem>>)
      %add3A_163 = arith.constant 3 : i32
      %add3A_164 = arith.addi %add3A_159, %add3A_163 : i32
      %le3A = arith.constant 124 : i32
      %le3A_165 = arith.cmpi sle, %add3A_164, %le3A : i32
      %convert_element_type3A = arith.extui %le3A_165 : i1 to i32
      %cond3A = arith.constant 0 : i32
      %cond3A_166 = arith.cmpi ne, %convert_element_type3A, %cond3A : i32
      scf.if %cond3A_166 {
        %add3A_258 = arith.constant 3 : i32
        %add3A_259 = arith.addi %add3A_159, %add3A_258 : i32
        %mul3A_260 = arith.constant 80 : i32
        %mul3A_261 = arith.muli %add3A_259, %mul3A_260 : i32
        %add3A_262 = arith.addi %mul3A_56, %mul3A_261 : i32
        %dma_start3A_263 = tpu.memref_slice %arg2[%add3A_262] : memref<320000xi32, #tpu.memory_space<hbm>> -> memref<80xi32, #tpu.memory_space<hbm>>
        %dma_start3A_264 = tpu.memref_slice %arg2[%add3A_262] : memref<320000xi32, #tpu.memory_space<hbm>> -> memref<80xi32, #tpu.memory_space<hbm>>
        tpu.enqueue_dma source(%dma_start3A_264 : memref<80xi32, #tpu.memory_space<hbm>>) target(%arg8 : memref<80xi32, #tpu.memory_space<vmem>>) target_semaphore(%arg21 : memref<!tpu.dma_semaphore, #tpu.memory_space<semaphore_mem>>)
      } else {
      }
      %mul3A_167 = arith.constant 80 : i32
      %mul3A_168 = arith.muli %add3A_159, %mul3A_167 : i32
      %add3A_169 = arith.addi %mul3A_56, %mul3A_168 : i32
      %dma_wait3A_170 = tpu.memref_slice %arg3[%add3A_169] : memref<320000xi32, #tpu.memory_space<hbm>> -> memref<80xi32, #tpu.memory_space<hbm>>
      %dma_wait3A_171 = tpu.memref_slice %arg3[%add3A_169] : memref<320000xi32, #tpu.memory_space<hbm>> -> memref<80xi32, #tpu.memory_space<hbm>>
      tpu.wait_dma2 semaphore(%arg24 : memref<!tpu.dma_semaphore, #tpu.memory_space<semaphore_mem>>) src(%dma_wait3A_171 : memref<80xi32, #tpu.memory_space<hbm>>) dst(%arg11 : memref<80xi32, #tpu.memory_space<vmem>>)
      %dma_start3A_172 = arith.constant 0 : i32
      %dma_start3A_173 = arith.constant 0 : i32
      %dma_start3A_174 = tpu.memref_slice %arg18[%dma_start3A_172, %dma_start3A_173] : memref<10240x128xf32, #tpu.memory_space<vmem_shared>> -> memref<10240x128xf32, #tpu.memory_space<vmem_shared>>
      tpu.enqueue_indirect_dma source(%arg14 : memref<80x128xf32, #tpu.memory_space<vmem>>) target(%dma_start3A_174 : memref<10240x128xf32, #tpu.memory_space<vmem_shared>>) offsets(%arg11 : memref<80xi32, #tpu.memory_space<vmem>>) semaphore(%arg30 : memref<!tpu.dma_semaphore, #tpu.memory_space<semaphore_mem>>) {add = true}
      %dma_start3A_175 = arith.constant 0 : i32
      %dma_start3A_176 = tpu.memref_slice %arg19[%dma_start3A_175] : memref<10240xf32, #tpu.memory_space<vmem_shared>> -> memref<10240xf32, #tpu.memory_space<vmem_shared>>
      tpu.enqueue_indirect_dma source(%arg16 : memref<80xf32, #tpu.memory_space<vmem>>) target(%dma_start3A_176 : memref<10240xf32, #tpu.memory_space<vmem_shared>>) offsets(%arg11 : memref<80xi32, #tpu.memory_space<vmem>>) semaphore(%arg32 : memref<!tpu.dma_semaphore, #tpu.memory_space<semaphore_mem>>) {add = true}
      %dma_wait3A_177 = arith.constant 0 : i32
      %dma_wait3A_178 = arith.constant 0 : i32
      %dma_wait3A_179 = tpu.memref_slice %arg18[%dma_wait3A_177, %dma_wait3A_178] : memref<10240x128xf32, #tpu.memory_space<vmem_shared>> -> memref<10240x128xf32, #tpu.memory_space<vmem_shared>>
      tpu.wait_indirect_dma semaphore(%arg29 : memref<!tpu.dma_semaphore, #tpu.memory_space<semaphore_mem>>) src(%arg13 : memref<80x128xf32, #tpu.memory_space<vmem>>) dst(%dma_wait3A_179 : memref<10240x128xf32, #tpu.memory_space<vmem_shared>>)
      %dma_wait3A_180 = arith.constant 0 : i32
      %dma_wait3A_181 = tpu.memref_slice %arg19[%dma_wait3A_180] : memref<10240xf32, #tpu.memory_space<vmem_shared>> -> memref<10240xf32, #tpu.memory_space<vmem_shared>>
      tpu.wait_indirect_dma semaphore(%arg32 : memref<!tpu.dma_semaphore, #tpu.memory_space<semaphore_mem>>) src(%arg16 : memref<80xf32, #tpu.memory_space<vmem>>) dst(%dma_wait3A_181 : memref<10240xf32, #tpu.memory_space<vmem_shared>>)
      %add3A_182 = arith.constant 2 : i32
      %add3A_183 = arith.addi %add3A_159, %add3A_182 : i32
      %le3A_184 = arith.constant 124 : i32
      %le3A_185 = arith.cmpi sle, %add3A_183, %le3A_184 : i32
      %convert_element_type3A_186 = arith.extui %le3A_185 : i1 to i32
      %cond3A_187 = arith.constant 0 : i32
      %cond3A_188 = arith.cmpi ne, %convert_element_type3A_186, %cond3A_187 : i32
      scf.if %cond3A_188 {
        %add3A_258 = arith.constant 2 : i32
        %add3A_259 = arith.addi %add3A_159, %add3A_258 : i32
        %mul3A_260 = arith.constant 80 : i32
        %mul3A_261 = arith.muli %add3A_259, %mul3A_260 : i32
        %add3A_262 = arith.addi %mul3A_56, %mul3A_261 : i32
        %dma_start3A_263 = tpu.memref_slice %arg3[%add3A_262] : memref<320000xi32, #tpu.memory_space<hbm>> -> memref<80xi32, #tpu.memory_space<hbm>>
        %dma_start3A_264 = tpu.memref_slice %arg3[%add3A_262] : memref<320000xi32, #tpu.memory_space<hbm>> -> memref<80xi32, #tpu.memory_space<hbm>>
        tpu.enqueue_dma source(%dma_start3A_264 : memref<80xi32, #tpu.memory_space<hbm>>) target(%arg10 : memref<80xi32, #tpu.memory_space<vmem>>) target_semaphore(%arg23 : memref<!tpu.dma_semaphore, #tpu.memory_space<semaphore_mem>>)
        %add3A_265 = arith.constant 2 : i32
        %add3A_266 = arith.addi %add3A_159, %add3A_265 : i32
        %mul3A_267 = arith.constant 80 : i32
        %mul3A_268 = arith.muli %add3A_266, %mul3A_267 : i32
        %add3A_269 = arith.addi %mul3A_56, %mul3A_268 : i32
        %dma_wait3A_270 = tpu.memref_slice %arg2[%add3A_269] : memref<320000xi32, #tpu.memory_space<hbm>> -> memref<80xi32, #tpu.memory_space<hbm>>
        %dma_wait3A_271 = tpu.memref_slice %arg2[%add3A_269] : memref<320000xi32, #tpu.memory_space<hbm>> -> memref<80xi32, #tpu.memory_space<hbm>>
        tpu.wait_dma2 semaphore(%arg20 : memref<!tpu.dma_semaphore, #tpu.memory_space<semaphore_mem>>) src(%dma_wait3A_271 : memref<80xi32, #tpu.memory_space<hbm>>) dst(%arg7 : memref<80xi32, #tpu.memory_space<vmem>>)
        %dma_start3A_272 = arith.constant 0 : i32
        %dma_start3A_273 = arith.constant 0 : i32
        %dma_start3A_274 = tpu.memref_slice %arg4[%dma_start3A_272, %dma_start3A_273] : memref<10000x128xf32, #tpu.memory_space<hbm>> -> memref<10000x128xf32, #tpu.memory_space<hbm>>
        tpu.enqueue_indirect_dma source(%dma_start3A_274 : memref<10000x128xf32, #tpu.memory_space<hbm>>) target(%arg13 : memref<80x128xf32, #tpu.memory_space<vmem>>) offsets(%arg7 : memref<80xi32, #tpu.memory_space<vmem>>) semaphore(%arg26 : memref<!tpu.dma_semaphore, #tpu.memory_space<semaphore_mem>>)
      } else {
      }
      %add3A_189 = arith.constant 1 : i32
      %add3A_190 = arith.addi %add3A_159, %add3A_189 : i32
      %dma_wait3A_191 = arith.constant 0 : i32
      %dma_wait3A_192 = arith.constant 0 : i32
      %dma_wait3A_193 = tpu.memref_slice %arg4[%dma_wait3A_191, %dma_wait3A_192] : memref<10000x128xf32, #tpu.memory_space<hbm>> -> memref<10000x128xf32, #tpu.memory_space<hbm>>
      tpu.wait_indirect_dma semaphore(%arg28 : memref<!tpu.dma_semaphore, #tpu.memory_space<semaphore_mem>>) src(%dma_wait3A_193 : memref<10000x128xf32, #tpu.memory_space<hbm>>) dst(%arg15 : memref<80x128xf32, #tpu.memory_space<vmem>>)
      %add3A_194 = arith.constant 3 : i32
      %add3A_195 = arith.addi %add3A_190, %add3A_194 : i32
      %le3A_196 = arith.constant 124 : i32
      %le3A_197 = arith.cmpi sle, %add3A_195, %le3A_196 : i32
      %convert_element_type3A_198 = arith.extui %le3A_197 : i1 to i32
      %cond3A_199 = arith.constant 0 : i32
      %cond3A_200 = arith.cmpi ne, %convert_element_type3A_198, %cond3A_199 : i32
      scf.if %cond3A_200 {
        %add3A_258 = arith.constant 3 : i32
        %add3A_259 = arith.addi %add3A_190, %add3A_258 : i32
        %mul3A_260 = arith.constant 80 : i32
        %mul3A_261 = arith.muli %add3A_259, %mul3A_260 : i32
        %add3A_262 = arith.addi %mul3A_56, %mul3A_261 : i32
        %dma_start3A_263 = tpu.memref_slice %arg2[%add3A_262] : memref<320000xi32, #tpu.memory_space<hbm>> -> memref<80xi32, #tpu.memory_space<hbm>>
        %dma_start3A_264 = tpu.memref_slice %arg2[%add3A_262] : memref<320000xi32, #tpu.memory_space<hbm>> -> memref<80xi32, #tpu.memory_space<hbm>>
        tpu.enqueue_dma source(%dma_start3A_264 : memref<80xi32, #tpu.memory_space<hbm>>) target(%arg9 : memref<80xi32, #tpu.memory_space<vmem>>) target_semaphore(%arg22 : memref<!tpu.dma_semaphore, #tpu.memory_space<semaphore_mem>>)
      } else {
      }
      %mul3A_201 = arith.constant 80 : i32
      %mul3A_202 = arith.muli %add3A_190, %mul3A_201 : i32
      %add3A_203 = arith.addi %mul3A_56, %mul3A_202 : i32
      %dma_wait3A_204 = tpu.memref_slice %arg3[%add3A_203] : memref<320000xi32, #tpu.memory_space<hbm>> -> memref<80xi32, #tpu.memory_space<hbm>>
      %dma_wait3A_205 = tpu.memref_slice %arg3[%add3A_203] : memref<320000xi32, #tpu.memory_space<hbm>> -> memref<80xi32, #tpu.memory_space<hbm>>
      tpu.wait_dma2 semaphore(%arg25 : memref<!tpu.dma_semaphore, #tpu.memory_space<semaphore_mem>>) src(%dma_wait3A_205 : memref<80xi32, #tpu.memory_space<hbm>>) dst(%arg12 : memref<80xi32, #tpu.memory_space<vmem>>)
      %dma_start3A_206 = arith.constant 0 : i32
      %dma_start3A_207 = arith.constant 0 : i32
      %dma_start3A_208 = tpu.memref_slice %arg18[%dma_start3A_206, %dma_start3A_207] : memref<10240x128xf32, #tpu.memory_space<vmem_shared>> -> memref<10240x128xf32, #tpu.memory_space<vmem_shared>>
      tpu.enqueue_indirect_dma source(%arg15 : memref<80x128xf32, #tpu.memory_space<vmem>>) target(%dma_start3A_208 : memref<10240x128xf32, #tpu.memory_space<vmem_shared>>) offsets(%arg12 : memref<80xi32, #tpu.memory_space<vmem>>) semaphore(%arg31 : memref<!tpu.dma_semaphore, #tpu.memory_space<semaphore_mem>>) {add = true}
      %dma_start3A_209 = arith.constant 0 : i32
      %dma_start3A_210 = tpu.memref_slice %arg19[%dma_start3A_209] : memref<10240xf32, #tpu.memory_space<vmem_shared>> -> memref<10240xf32, #tpu.memory_space<vmem_shared>>
      tpu.enqueue_indirect_dma source(%arg16 : memref<80xf32, #tpu.memory_space<vmem>>) target(%dma_start3A_210 : memref<10240xf32, #tpu.memory_space<vmem_shared>>) offsets(%arg12 : memref<80xi32, #tpu.memory_space<vmem>>) semaphore(%arg32 : memref<!tpu.dma_semaphore, #tpu.memory_space<semaphore_mem>>) {add = true}
      %dma_wait3A_211 = arith.constant 0 : i32
      %dma_wait3A_212 = arith.constant 0 : i32
      %dma_wait3A_213 = tpu.memref_slice %arg18[%dma_wait3A_211, %dma_wait3A_212] : memref<10240x128xf32, #tpu.memory_space<vmem_shared>> -> memref<10240x128xf32, #tpu.memory_space<vmem_shared>>
      tpu.wait_indirect_dma semaphore(%arg30 : memref<!tpu.dma_semaphore, #tpu.memory_space<semaphore_mem>>) src(%arg14 : memref<80x128xf32, #tpu.memory_space<vmem>>) dst(%dma_wait3A_213 : memref<10240x128xf32, #tpu.memory_space<vmem_shared>>)
      %dma_wait3A_214 = arith.constant 0 : i32
      %dma_wait3A_215 = tpu.memref_slice %arg19[%dma_wait3A_214] : memref<10240xf32, #tpu.memory_space<vmem_shared>> -> memref<10240xf32, #tpu.memory_space<vmem_shared>>
      tpu.wait_indirect_dma semaphore(%arg32 : memref<!tpu.dma_semaphore, #tpu.memory_space<semaphore_mem>>) src(%arg16 : memref<80xf32, #tpu.memory_space<vmem>>) dst(%dma_wait3A_215 : memref<10240xf32, #tpu.memory_space<vmem_shared>>)
      %add3A_216 = arith.constant 2 : i32
      %add3A_217 = arith.addi %add3A_190, %add3A_216 : i32
      %le3A_218 = arith.constant 124 : i32
      %le3A_219 = arith.cmpi sle, %add3A_217, %le3A_218 : i32
      %convert_element_type3A_220 = arith.extui %le3A_219 : i1 to i32
      %cond3A_221 = arith.constant 0 : i32
      %cond3A_222 = arith.cmpi ne, %convert_element_type3A_220, %cond3A_221 : i32
      scf.if %cond3A_222 {
        %add3A_258 = arith.constant 2 : i32
        %add3A_259 = arith.addi %add3A_190, %add3A_258 : i32
        %mul3A_260 = arith.constant 80 : i32
        %mul3A_261 = arith.muli %add3A_259, %mul3A_260 : i32
        %add3A_262 = arith.addi %mul3A_56, %mul3A_261 : i32
        %dma_start3A_263 = tpu.memref_slice %arg3[%add3A_262] : memref<320000xi32, #tpu.memory_space<hbm>> -> memref<80xi32, #tpu.memory_space<hbm>>
        %dma_start3A_264 = tpu.memref_slice %arg3[%add3A_262] : memref<320000xi32, #tpu.memory_space<hbm>> -> memref<80xi32, #tpu.memory_space<hbm>>
        tpu.enqueue_dma source(%dma_start3A_264 : memref<80xi32, #tpu.memory_space<hbm>>) target(%arg11 : memref<80xi32, #tpu.memory_space<vmem>>) target_semaphore(%arg24 : memref<!tpu.dma_semaphore, #tpu.memory_space<semaphore_mem>>)
        %add3A_265 = arith.constant 2 : i32
        %add3A_266 = arith.addi %add3A_190, %add3A_265 : i32
        %mul3A_267 = arith.constant 80 : i32
        %mul3A_268 = arith.muli %add3A_266, %mul3A_267 : i32
        %add3A_269 = arith.addi %mul3A_56, %mul3A_268 : i32
        %dma_wait3A_270 = tpu.memref_slice %arg2[%add3A_269] : memref<320000xi32, #tpu.memory_space<hbm>> -> memref<80xi32, #tpu.memory_space<hbm>>
        %dma_wait3A_271 = tpu.memref_slice %arg2[%add3A_269] : memref<320000xi32, #tpu.memory_space<hbm>> -> memref<80xi32, #tpu.memory_space<hbm>>
        tpu.wait_dma2 semaphore(%arg21 : memref<!tpu.dma_semaphore, #tpu.memory_space<semaphore_mem>>) src(%dma_wait3A_271 : memref<80xi32, #tpu.memory_space<hbm>>) dst(%arg8 : memref<80xi32, #tpu.memory_space<vmem>>)
        %dma_start3A_272 = arith.constant 0 : i32
        %dma_start3A_273 = arith.constant 0 : i32
        %dma_start3A_274 = tpu.memref_slice %arg4[%dma_start3A_272, %dma_start3A_273] : memref<10000x128xf32, #tpu.memory_space<hbm>> -> memref<10000x128xf32, #tpu.memory_space<hbm>>
        tpu.enqueue_indirect_dma source(%dma_start3A_274 : memref<10000x128xf32, #tpu.memory_space<hbm>>) target(%arg14 : memref<80x128xf32, #tpu.memory_space<vmem>>) offsets(%arg8 : memref<80xi32, #tpu.memory_space<vmem>>) semaphore(%arg27 : memref<!tpu.dma_semaphore, #tpu.memory_space<semaphore_mem>>)
      } else {
      }
      %add3A_223 = arith.constant 2 : i32
      %add3A_224 = arith.addi %add3A_159, %add3A_223 : i32
      %dma_wait3A_225 = arith.constant 0 : i32
      %dma_wait3A_226 = arith.constant 0 : i32
      %dma_wait3A_227 = tpu.memref_slice %arg4[%dma_wait3A_225, %dma_wait3A_226] : memref<10000x128xf32, #tpu.memory_space<hbm>> -> memref<10000x128xf32, #tpu.memory_space<hbm>>
      tpu.wait_indirect_dma semaphore(%arg26 : memref<!tpu.dma_semaphore, #tpu.memory_space<semaphore_mem>>) src(%dma_wait3A_227 : memref<10000x128xf32, #tpu.memory_space<hbm>>) dst(%arg13 : memref<80x128xf32, #tpu.memory_space<vmem>>)
      %add3A_228 = arith.constant 3 : i32
      %add3A_229 = arith.addi %add3A_224, %add3A_228 : i32
      %le3A_230 = arith.constant 124 : i32
      %le3A_231 = arith.cmpi sle, %add3A_229, %le3A_230 : i32
      %convert_element_type3A_232 = arith.extui %le3A_231 : i1 to i32
      %cond3A_233 = arith.constant 0 : i32
      %cond3A_234 = arith.cmpi ne, %convert_element_type3A_232, %cond3A_233 : i32
      scf.if %cond3A_234 {
        %add3A_258 = arith.constant 3 : i32
        %add3A_259 = arith.addi %add3A_224, %add3A_258 : i32
        %mul3A_260 = arith.constant 80 : i32
        %mul3A_261 = arith.muli %add3A_259, %mul3A_260 : i32
        %add3A_262 = arith.addi %mul3A_56, %mul3A_261 : i32
        %dma_start3A_263 = tpu.memref_slice %arg2[%add3A_262] : memref<320000xi32, #tpu.memory_space<hbm>> -> memref<80xi32, #tpu.memory_space<hbm>>
        %dma_start3A_264 = tpu.memref_slice %arg2[%add3A_262] : memref<320000xi32, #tpu.memory_space<hbm>> -> memref<80xi32, #tpu.memory_space<hbm>>
        tpu.enqueue_dma source(%dma_start3A_264 : memref<80xi32, #tpu.memory_space<hbm>>) target(%arg7 : memref<80xi32, #tpu.memory_space<vmem>>) target_semaphore(%arg20 : memref<!tpu.dma_semaphore, #tpu.memory_space<semaphore_mem>>)
      } else {
      }
      %mul3A_235 = arith.constant 80 : i32
      %mul3A_236 = arith.muli %add3A_224, %mul3A_235 : i32
      %add3A_237 = arith.addi %mul3A_56, %mul3A_236 : i32
      %dma_wait3A_238 = tpu.memref_slice %arg3[%add3A_237] : memref<320000xi32, #tpu.memory_space<hbm>> -> memref<80xi32, #tpu.memory_space<hbm>>
      %dma_wait3A_239 = tpu.memref_slice %arg3[%add3A_237] : memref<320000xi32, #tpu.memory_space<hbm>> -> memref<80xi32, #tpu.memory_space<hbm>>
      tpu.wait_dma2 semaphore(%arg23 : memref<!tpu.dma_semaphore, #tpu.memory_space<semaphore_mem>>) src(%dma_wait3A_239 : memref<80xi32, #tpu.memory_space<hbm>>) dst(%arg10 : memref<80xi32, #tpu.memory_space<vmem>>)
      %dma_start3A_240 = arith.constant 0 : i32
      %dma_start3A_241 = arith.constant 0 : i32
      %dma_start3A_242 = tpu.memref_slice %arg18[%dma_start3A_240, %dma_start3A_241] : memref<10240x128xf32, #tpu.memory_space<vmem_shared>> -> memref<10240x128xf32, #tpu.memory_space<vmem_shared>>
      tpu.enqueue_indirect_dma source(%arg13 : memref<80x128xf32, #tpu.memory_space<vmem>>) target(%dma_start3A_242 : memref<10240x128xf32, #tpu.memory_space<vmem_shared>>) offsets(%arg10 : memref<80xi32, #tpu.memory_space<vmem>>) semaphore(%arg29 : memref<!tpu.dma_semaphore, #tpu.memory_space<semaphore_mem>>) {add = true}
      %dma_start3A_243 = arith.constant 0 : i32
      %dma_start3A_244 = tpu.memref_slice %arg19[%dma_start3A_243] : memref<10240xf32, #tpu.memory_space<vmem_shared>> -> memref<10240xf32, #tpu.memory_space<vmem_shared>>
      tpu.enqueue_indirect_dma source(%arg16 : memref<80xf32, #tpu.memory_space<vmem>>) target(%dma_start3A_244 : memref<10240xf32, #tpu.memory_space<vmem_shared>>) offsets(%arg10 : memref<80xi32, #tpu.memory_space<vmem>>) semaphore(%arg32 : memref<!tpu.dma_semaphore, #tpu.memory_space<semaphore_mem>>) {add = true}
      %dma_wait3A_245 = arith.constant 0 : i32
      %dma_wait3A_246 = arith.constant 0 : i32
      %dma_wait3A_247 = tpu.memref_slice %arg18[%dma_wait3A_245, %dma_wait3A_246] : memref<10240x128xf32, #tpu.memory_space<vmem_shared>> -> memref<10240x128xf32, #tpu.memory_space<vmem_shared>>
      tpu.wait_indirect_dma semaphore(%arg31 : memref<!tpu.dma_semaphore, #tpu.memory_space<semaphore_mem>>) src(%arg15 : memref<80x128xf32, #tpu.memory_space<vmem>>) dst(%dma_wait3A_247 : memref<10240x128xf32, #tpu.memory_space<vmem_shared>>)
      %dma_wait3A_248 = arith.constant 0 : i32
      %dma_wait3A_249 = tpu.memref_slice %arg19[%dma_wait3A_248] : memref<10240xf32, #tpu.memory_space<vmem_shared>> -> memref<10240xf32, #tpu.memory_space<vmem_shared>>
      tpu.wait_indirect_dma semaphore(%arg32 : memref<!tpu.dma_semaphore, #tpu.memory_space<semaphore_mem>>) src(%arg16 : memref<80xf32, #tpu.memory_space<vmem>>) dst(%dma_wait3A_249 : memref<10240xf32, #tpu.memory_space<vmem_shared>>)
      %add3A_250 = arith.constant 2 : i32
      %add3A_251 = arith.addi %add3A_224, %add3A_250 : i32
      %le3A_252 = arith.constant 124 : i32
      %le3A_253 = arith.cmpi sle, %add3A_251, %le3A_252 : i32
      %convert_element_type3A_254 = arith.extui %le3A_253 : i1 to i32
      %cond3A_255 = arith.constant 0 : i32
      %cond3A_256 = arith.cmpi ne, %convert_element_type3A_254, %cond3A_255 : i32
      scf.if %cond3A_256 {
        %add3A_258 = arith.constant 2 : i32
        %add3A_259 = arith.addi %add3A_224, %add3A_258 : i32
        %mul3A_260 = arith.constant 80 : i32
        %mul3A_261 = arith.muli %add3A_259, %mul3A_260 : i32
        %add3A_262 = arith.addi %mul3A_56, %mul3A_261 : i32
        %dma_start3A_263 = tpu.memref_slice %arg3[%add3A_262] : memref<320000xi32, #tpu.memory_space<hbm>> -> memref<80xi32, #tpu.memory_space<hbm>>
        %dma_start3A_264 = tpu.memref_slice %arg3[%add3A_262] : memref<320000xi32, #tpu.memory_space<hbm>> -> memref<80xi32, #tpu.memory_space<hbm>>
        tpu.enqueue_dma source(%dma_start3A_264 : memref<80xi32, #tpu.memory_space<hbm>>) target(%arg12 : memref<80xi32, #tpu.memory_space<vmem>>) target_semaphore(%arg25 : memref<!tpu.dma_semaphore, #tpu.memory_space<semaphore_mem>>)
        %add3A_265 = arith.constant 2 : i32
        %add3A_266 = arith.addi %add3A_224, %add3A_265 : i32
        %mul3A_267 = arith.constant 80 : i32
        %mul3A_268 = arith.muli %add3A_266, %mul3A_267 : i32
        %add3A_269 = arith.addi %mul3A_56, %mul3A_268 : i32
        %dma_wait3A_270 = tpu.memref_slice %arg2[%add3A_269] : memref<320000xi32, #tpu.memory_space<hbm>> -> memref<80xi32, #tpu.memory_space<hbm>>
        %dma_wait3A_271 = tpu.memref_slice %arg2[%add3A_269] : memref<320000xi32, #tpu.memory_space<hbm>> -> memref<80xi32, #tpu.memory_space<hbm>>
        tpu.wait_dma2 semaphore(%arg22 : memref<!tpu.dma_semaphore, #tpu.memory_space<semaphore_mem>>) src(%dma_wait3A_271 : memref<80xi32, #tpu.memory_space<hbm>>) dst(%arg9 : memref<80xi32, #tpu.memory_space<vmem>>)
        %dma_start3A_272 = arith.constant 0 : i32
        %dma_start3A_273 = arith.constant 0 : i32
        %dma_start3A_274 = tpu.memref_slice %arg4[%dma_start3A_272, %dma_start3A_273] : memref<10000x128xf32, #tpu.memory_space<hbm>> -> memref<10000x128xf32, #tpu.memory_space<hbm>>
        tpu.enqueue_indirect_dma source(%dma_start3A_274 : memref<10000x128xf32, #tpu.memory_space<hbm>>) target(%arg15 : memref<80x128xf32, #tpu.memory_space<vmem>>) offsets(%arg9 : memref<80xi32, #tpu.memory_space<vmem>>) semaphore(%arg28 : memref<!tpu.dma_semaphore, #tpu.memory_space<semaphore_mem>>)
      } else {
      }
      %scan3A_257 = arith.constant 0 : i32
      scf.yield %scan3A_257 : i32
    }
    %scan3A_122 = arith.constant 41 : i32
    %dma_wait3A_123 = arith.constant 0 : i32
    %dma_wait3A_124 = arith.constant 0 : i32
    %dma_wait3A_125 = tpu.memref_slice %arg4[%dma_wait3A_123, %dma_wait3A_124] : memref<10000x128xf32, #tpu.memory_space<hbm>> -> memref<10000x128xf32, #tpu.memory_space<hbm>>
    tpu.wait_indirect_dma semaphore(%arg27 : memref<!tpu.dma_semaphore, #tpu.memory_space<semaphore_mem>>) src(%dma_wait3A_125 : memref<10000x128xf32, #tpu.memory_space<hbm>>) dst(%arg14 : memref<80x128xf32, #tpu.memory_space<vmem>>)
    %add3A_126 = arith.constant 9920 : i32
    %add3A_127 = arith.addi %mul3A_56, %add3A_126 : i32
    %dma_wait3A_128 = tpu.memref_slice %arg3[%add3A_127] : memref<320000xi32, #tpu.memory_space<hbm>> -> memref<80xi32, #tpu.memory_space<hbm>>
    %dma_wait3A_129 = tpu.memref_slice %arg3[%add3A_127] : memref<320000xi32, #tpu.memory_space<hbm>> -> memref<80xi32, #tpu.memory_space<hbm>>
    tpu.wait_dma2 semaphore(%arg24 : memref<!tpu.dma_semaphore, #tpu.memory_space<semaphore_mem>>) src(%dma_wait3A_129 : memref<80xi32, #tpu.memory_space<hbm>>) dst(%arg11 : memref<80xi32, #tpu.memory_space<vmem>>)
    %dma_start3A_130 = arith.constant 0 : i32
    %dma_start3A_131 = arith.constant 0 : i32
    %dma_start3A_132 = tpu.memref_slice %arg18[%dma_start3A_130, %dma_start3A_131] : memref<10240x128xf32, #tpu.memory_space<vmem_shared>> -> memref<10240x128xf32, #tpu.memory_space<vmem_shared>>
    tpu.enqueue_indirect_dma source(%arg14 : memref<80x128xf32, #tpu.memory_space<vmem>>) target(%dma_start3A_132 : memref<10240x128xf32, #tpu.memory_space<vmem_shared>>) offsets(%arg11 : memref<80xi32, #tpu.memory_space<vmem>>) semaphore(%arg30 : memref<!tpu.dma_semaphore, #tpu.memory_space<semaphore_mem>>) {add = true}
    %dma_start3A_133 = arith.constant 0 : i32
    %dma_start3A_134 = tpu.memref_slice %arg19[%dma_start3A_133] : memref<10240xf32, #tpu.memory_space<vmem_shared>> -> memref<10240xf32, #tpu.memory_space<vmem_shared>>
    tpu.enqueue_indirect_dma source(%arg16 : memref<80xf32, #tpu.memory_space<vmem>>) target(%dma_start3A_134 : memref<10240xf32, #tpu.memory_space<vmem_shared>>) offsets(%arg11 : memref<80xi32, #tpu.memory_space<vmem>>) semaphore(%arg32 : memref<!tpu.dma_semaphore, #tpu.memory_space<semaphore_mem>>) {add = true}
    %dma_wait3A_135 = arith.constant 0 : i32
    %dma_wait3A_136 = arith.constant 0 : i32
    %dma_wait3A_137 = tpu.memref_slice %arg18[%dma_wait3A_135, %dma_wait3A_136] : memref<10240x128xf32, #tpu.memory_space<vmem_shared>> -> memref<10240x128xf32, #tpu.memory_space<vmem_shared>>
    tpu.wait_indirect_dma semaphore(%arg29 : memref<!tpu.dma_semaphore, #tpu.memory_space<semaphore_mem>>) src(%arg13 : memref<80x128xf32, #tpu.memory_space<vmem>>) dst(%dma_wait3A_137 : memref<10240x128xf32, #tpu.memory_space<vmem_shared>>)
    %dma_wait3A_138 = arith.constant 0 : i32
    %dma_wait3A_139 = tpu.memref_slice %arg19[%dma_wait3A_138] : memref<10240xf32, #tpu.memory_space<vmem_shared>> -> memref<10240xf32, #tpu.memory_space<vmem_shared>>
    tpu.wait_indirect_dma semaphore(%arg32 : memref<!tpu.dma_semaphore, #tpu.memory_space<semaphore_mem>>) src(%arg16 : memref<80xf32, #tpu.memory_space<vmem>>) dst(%dma_wait3A_139 : memref<10240xf32, #tpu.memory_space<vmem_shared>>)
    %dma_wait3A_140 = arith.constant 0 : i32
    %dma_wait3A_141 = arith.constant 0 : i32
    %dma_wait3A_142 = tpu.memref_slice %arg18[%dma_wait3A_140, %dma_wait3A_141] : memref<10240x128xf32, #tpu.memory_space<vmem_shared>> -> memref<10240x128xf32, #tpu.memory_space<vmem_shared>>
    tpu.wait_indirect_dma semaphore(%arg30 : memref<!tpu.dma_semaphore, #tpu.memory_space<semaphore_mem>>) src(%arg14 : memref<80x128xf32, #tpu.memory_space<vmem>>) dst(%dma_wait3A_142 : memref<10240x128xf32, #tpu.memory_space<vmem_shared>>)
    %dma_wait3A_143 = arith.constant 0 : i32
    %dma_wait3A_144 = tpu.memref_slice %arg19[%dma_wait3A_143] : memref<10240xf32, #tpu.memory_space<vmem_shared>> -> memref<10240xf32, #tpu.memory_space<vmem_shared>>
    tpu.wait_indirect_dma semaphore(%arg32 : memref<!tpu.dma_semaphore, #tpu.memory_space<semaphore_mem>>) src(%arg16 : memref<80xf32, #tpu.memory_space<vmem>>) dst(%dma_wait3A_144 : memref<10240xf32, #tpu.memory_space<vmem_shared>>)
    %barrier3A_145 = arith.constant 0 : index
    tpu.barrier barrier_id(%barrier3A_145)
    %mul3A_146 = arith.constant 640 : i32
    %mul3A_147 = arith.muli %arg1, %mul3A_146 : i32
    %mul3A_148 = arith.constant 640 : i32
    %mul3A_149 = arith.muli %arg1, %mul3A_148 : i32
    "tpu.region"() ({
      %run_scoped3A = tpu.sem_alloc : memref<!tpu.dma_semaphore, #tpu.memory_space<semaphore_mem>>
      %dma_start3A_154 = arith.constant 0 : i32
      %dma_start3A_155 = tpu.memref_slice %arg5[%arg0, %mul3A_149, %dma_start3A_154] : memref<2x10240x128xf32, #tpu.memory_space<hbm>> -> memref<1x640x128xf32, #tpu.memory_space<hbm>>
      %dma_start3A_156 = tpu.memref_squeeze %dma_start3A_155 : memref<1x640x128xf32, #tpu.memory_space<hbm>> -> memref<640x128xf32, #tpu.memory_space<hbm>>
      %dma_start3A_157 = arith.constant 0 : i32
      %dma_start3A_158 = tpu.memref_slice %arg18[%mul3A_147, %dma_start3A_157] : memref<10240x128xf32, #tpu.memory_space<vmem_shared>> -> memref<640x128xf32, #tpu.memory_space<vmem_shared>>
      tpu.enqueue_dma source(%dma_start3A_158 : memref<640x128xf32, #tpu.memory_space<vmem_shared>>) target(%dma_start3A_156 : memref<640x128xf32, #tpu.memory_space<hbm>>) target_semaphore(%run_scoped3A : memref<!tpu.dma_semaphore, #tpu.memory_space<semaphore_mem>>)
      %dma_wait3A_159 = arith.constant 0 : i32
      %dma_wait3A_160 = tpu.memref_slice %arg5[%arg0, %mul3A_149, %dma_wait3A_159] : memref<2x10240x128xf32, #tpu.memory_space<hbm>> -> memref<1x640x128xf32, #tpu.memory_space<hbm>>
      %dma_wait3A_161 = tpu.memref_squeeze %dma_wait3A_160 : memref<1x640x128xf32, #tpu.memory_space<hbm>> -> memref<640x128xf32, #tpu.memory_space<hbm>>
      %dma_wait3A_162 = arith.constant 0 : i32
      %dma_wait3A_163 = tpu.memref_slice %arg18[%mul3A_147, %dma_wait3A_162] : memref<10240x128xf32, #tpu.memory_space<vmem_shared>> -> memref<640x128xf32, #tpu.memory_space<vmem_shared>>
      tpu.wait_dma2 semaphore(%run_scoped3A : memref<!tpu.dma_semaphore, #tpu.memory_space<semaphore_mem>>) src(%dma_wait3A_163 : memref<640x128xf32, #tpu.memory_space<vmem_shared>>) dst(%dma_wait3A_161 : memref<640x128xf32, #tpu.memory_space<hbm>>)
      tpu.yield
    }) : () -> ()
    %mul3A_150 = arith.constant 640 : i32
    %mul3A_151 = arith.muli %arg1, %mul3A_150 : i32
    %mul3A_152 = arith.constant 640 : i32
    %mul3A_153 = arith.muli %arg1, %mul3A_152 : i32
    "tpu.region"() ({
      %run_scoped3A = tpu.sem_alloc : memref<!tpu.dma_semaphore, #tpu.memory_space<semaphore_mem>>
      %dma_start3A_154 = tpu.memref_slice %arg6[%arg0, %mul3A_153] : memref<2x10240xf32, #tpu.memory_space<hbm>> -> memref<1x640xf32, #tpu.memory_space<hbm>>
      %dma_start3A_155 = tpu.memref_squeeze %dma_start3A_154 : memref<1x640xf32, #tpu.memory_space<hbm>> -> memref<640xf32, #tpu.memory_space<hbm>>
      %dma_start3A_156 = tpu.memref_slice %arg19[%mul3A_151] : memref<10240xf32, #tpu.memory_space<vmem_shared>> -> memref<640xf32, #tpu.memory_space<vmem_shared>>
      tpu.enqueue_dma source(%dma_start3A_156 : memref<640xf32, #tpu.memory_space<vmem_shared>>) target(%dma_start3A_155 : memref<640xf32, #tpu.memory_space<hbm>>) target_semaphore(%run_scoped3A : memref<!tpu.dma_semaphore, #tpu.memory_space<semaphore_mem>>)
      %dma_wait3A_157 = tpu.memref_slice %arg6[%arg0, %mul3A_153] : memref<2x10240xf32, #tpu.memory_space<hbm>> -> memref<1x640xf32, #tpu.memory_space<hbm>>
      %dma_wait3A_158 = tpu.memref_squeeze %dma_wait3A_157 : memref<1x640xf32, #tpu.memory_space<hbm>> -> memref<640xf32, #tpu.memory_space<hbm>>
      %dma_wait3A_159 = tpu.memref_slice %arg19[%mul3A_151] : memref<10240xf32, #tpu.memory_space<vmem_shared>> -> memref<640xf32, #tpu.memory_space<vmem_shared>>
      tpu.wait_dma2 semaphore(%run_scoped3A : memref<!tpu.dma_semaphore, #tpu.memory_space<semaphore_mem>>) src(%dma_wait3A_159 : memref<640xf32, #tpu.memory_space<vmem_shared>>) dst(%dma_wait3A_158 : memref<640xf32, #tpu.memory_space<hbm>>)
      tpu.yield
    }) : () -> ()
    return
  }
}

#map = affine_map<(d0, d1) -> (0)>
#map1 = affine_map<(d0, d1) -> (0, 0)>
#map2 = affine_map<(d0, d1) -> (0, 0, 0)>
module attributes {stable_mosaic.version = 14 : i64} {
  func.func @body(%arg0: i32, %arg1: i32, %arg2: memref<320000xi32, #tpu.memory_space<hbm>>, %arg3: memref<320000xi32, #tpu.memory_space<hbm>>, %arg4: memref<10240x128xf32, #tpu.memory_space<hbm>>, %arg5: memref<2x10240x128xf32, #tpu.memory_space<hbm>>, %arg6: memref<80xi32, #tpu.memory_space<vmem>>, %arg7: memref<80xi32, #tpu.memory_space<vmem>>, %arg8: memref<80xi32, #tpu.memory_space<vmem>>, %arg9: memref<80xi32, #tpu.memory_space<vmem>>, %arg10: memref<80xi32, #tpu.memory_space<vmem>>, %arg11: memref<80xi32, #tpu.memory_space<vmem>>, %arg12: memref<80x128xf32, #tpu.memory_space<vmem>>, %arg13: memref<80x128xf32, #tpu.memory_space<vmem>>, %arg14: memref<80x128xf32, #tpu.memory_space<vmem>>, %arg15: memref<80xf32, #tpu.memory_space<vmem>>, %arg16: memref<640xf32, #tpu.memory_space<vmem>>, %arg17: memref<10240x128xf32, #tpu.memory_space<vmem_shared>>, %arg18: memref<10240xf32, #tpu.memory_space<vmem_shared>>, %arg19: memref<!tpu.dma_semaphore, #tpu.memory_space<semaphore_mem>>, %arg20: memref<!tpu.dma_semaphore, #tpu.memory_space<semaphore_mem>>, %arg21: memref<!tpu.dma_semaphore, #tpu.memory_space<semaphore_mem>>, %arg22: memref<!tpu.dma_semaphore, #tpu.memory_space<semaphore_mem>>, %arg23: memref<!tpu.dma_semaphore, #tpu.memory_space<semaphore_mem>>, %arg24: memref<!tpu.dma_semaphore, #tpu.memory_space<semaphore_mem>>, %arg25: memref<!tpu.dma_semaphore, #tpu.memory_space<semaphore_mem>>, %arg26: memref<!tpu.dma_semaphore, #tpu.memory_space<semaphore_mem>>, %arg27: memref<!tpu.dma_semaphore, #tpu.memory_space<semaphore_mem>>, %arg28: memref<!tpu.dma_semaphore, #tpu.memory_space<semaphore_mem>>, %arg29: memref<!tpu.dma_semaphore, #tpu.memory_space<semaphore_mem>>, %arg30: memref<!tpu.dma_semaphore, #tpu.memory_space<semaphore_mem>>, %arg31: memref<!tpu.dma_semaphore, #tpu.memory_space<semaphore_mem>>) attributes {dimension_semantics = [#tpu.dimension_semantics<core_parallel>, #tpu.dimension_semantics<subcore_parallel>], iteration_bounds = array<i64: 2, 16>, scalar_prefetch = 0 : i64, scratch_operands = 26 : i64, tpu.core_type = #tpu.core_type<sc_vector_subcore>, window_params = [{transform_indices = #map}, {transform_indices = #map}, {transform_indices = #map1}, {transform_indices = #map2}]} {
    %mul3A = arith.constant 2 : i32
    %mul3A_0 = arith.muli %arg1, %mul3A : i32
    %add3A = arith.addi %mul3A_0, %arg0 : i32
    %scan3A = arith.constant 0 : i32
    %scan3A_1 = arith.constant 0 : i32
    %scan3A_2 = arith.constant 80 : i32
    %scan3A_3 = arith.addi %scan3A_1, %scan3A_2 : i32
    %scan3A_4 = arith.constant 1 : i32
    %scan3A_5 = scf.for %scan3A_126 = %scan3A_1 to %scan3A_3 step %scan3A_4 iter_args(%scan3A_127 = %scan3A) -> (i32)  : i32 {
      %broadcast_in_dim3A = arith.constant 0.000000e+00 : f32
      %broadcast_in_dim3A_128 = vector.broadcast %broadcast_in_dim3A : f32 to vector<16xf32>
      %swap3A = arith.index_cast %scan3A_126 : i32 to index
      %swap3A_129 = arith.constant 0 : index
      %swap3A_130 = tpu.vector_load %arg12[%swap3A, %swap3A_129] {strides = array<i32>} : memref<80x128xf32, #tpu.memory_space<vmem>>, vector<1x16xf32>,
      %swap3A_131 = vector.shape_cast %swap3A_130 : vector<1x16xf32> to vector<16xf32>
      %swap3A_132 = vector.shape_cast %broadcast_in_dim3A_128 : vector<16xf32> to vector<1x16xf32>
      tpu.vector_store %arg12[%swap3A, %swap3A_129], %swap3A_132 {strides = array<i32>} : memref<80x128xf32, #tpu.memory_space<vmem>>, vector<1x16xf32>,
      %broadcast_in_dim3A_133 = arith.constant 0.000000e+00 : f32
      %broadcast_in_dim3A_134 = vector.broadcast %broadcast_in_dim3A_133 : f32 to vector<16xf32>
      %swap3A_135 = arith.index_cast %scan3A_126 : i32 to index
      %swap3A_136 = arith.constant 16 : index
      %swap3A_137 = tpu.vector_load %arg12[%swap3A_135, %swap3A_136] {strides = array<i32>} : memref<80x128xf32, #tpu.memory_space<vmem>>, vector<1x16xf32>,
      %swap3A_138 = vector.shape_cast %swap3A_137 : vector<1x16xf32> to vector<16xf32>
      %swap3A_139 = vector.shape_cast %broadcast_in_dim3A_134 : vector<16xf32> to vector<1x16xf32>
      tpu.vector_store %arg12[%swap3A_135, %swap3A_136], %swap3A_139 {strides = array<i32>} : memref<80x128xf32, #tpu.memory_space<vmem>>, vector<1x16xf32>,
      %broadcast_in_dim3A_140 = arith.constant 0.000000e+00 : f32
      %broadcast_in_dim3A_141 = vector.broadcast %broadcast_in_dim3A_140 : f32 to vector<16xf32>
      %swap3A_142 = arith.index_cast %scan3A_126 : i32 to index
      %swap3A_143 = arith.constant 32 : index
      %swap3A_144 = tpu.vector_load %arg12[%swap3A_142, %swap3A_143] {strides = array<i32>} : memref<80x128xf32, #tpu.memory_space<vmem>>, vector<1x16xf32>,
      %swap3A_145 = vector.shape_cast %swap3A_144 : vector<1x16xf32> to vector<16xf32>
      %swap3A_146 = vector.shape_cast %broadcast_in_dim3A_141 : vector<16xf32> to vector<1x16xf32>
      tpu.vector_store %arg12[%swap3A_142, %swap3A_143], %swap3A_146 {strides = array<i32>} : memref<80x128xf32, #tpu.memory_space<vmem>>, vector<1x16xf32>,
      %broadcast_in_dim3A_147 = arith.constant 0.000000e+00 : f32
      %broadcast_in_dim3A_148 = vector.broadcast %broadcast_in_dim3A_147 : f32 to vector<16xf32>
      %swap3A_149 = arith.index_cast %scan3A_126 : i32 to index
      %swap3A_150 = arith.constant 48 : index
      %swap3A_151 = tpu.vector_load %arg12[%swap3A_149, %swap3A_150] {strides = array<i32>} : memref<80x128xf32, #tpu.memory_space<vmem>>, vector<1x16xf32>,
      %swap3A_152 = vector.shape_cast %swap3A_151 : vector<1x16xf32> to vector<16xf32>
      %swap3A_153 = vector.shape_cast %broadcast_in_dim3A_148 : vector<16xf32> to vector<1x16xf32>
      tpu.vector_store %arg12[%swap3A_149, %swap3A_150], %swap3A_153 {strides = array<i32>} : memref<80x128xf32, #tpu.memory_space<vmem>>, vector<1x16xf32>,
      %broadcast_in_dim3A_154 = arith.constant 0.000000e+00 : f32
      %broadcast_in_dim3A_155 = vector.broadcast %broadcast_in_dim3A_154 : f32 to vector<16xf32>
      %swap3A_156 = arith.index_cast %scan3A_126 : i32 to index
      %swap3A_157 = arith.constant 64 : index
      %swap3A_158 = tpu.vector_load %arg12[%swap3A_156, %swap3A_157] {strides = array<i32>} : memref<80x128xf32, #tpu.memory_space<vmem>>, vector<1x16xf32>,
      %swap3A_159 = vector.shape_cast %swap3A_158 : vector<1x16xf32> to vector<16xf32>
      %swap3A_160 = vector.shape_cast %broadcast_in_dim3A_155 : vector<16xf32> to vector<1x16xf32>
      tpu.vector_store %arg12[%swap3A_156, %swap3A_157], %swap3A_160 {strides = array<i32>} : memref<80x128xf32, #tpu.memory_space<vmem>>, vector<1x16xf32>,
      %broadcast_in_dim3A_161 = arith.constant 0.000000e+00 : f32
      %broadcast_in_dim3A_162 = vector.broadcast %broadcast_in_dim3A_161 : f32 to vector<16xf32>
      %swap3A_163 = arith.index_cast %scan3A_126 : i32 to index
      %swap3A_164 = arith.constant 80 : index
      %swap3A_165 = tpu.vector_load %arg12[%swap3A_163, %swap3A_164] {strides = array<i32>} : memref<80x128xf32, #tpu.memory_space<vmem>>, vector<1x16xf32>,
      %swap3A_166 = vector.shape_cast %swap3A_165 : vector<1x16xf32> to vector<16xf32>
      %swap3A_167 = vector.shape_cast %broadcast_in_dim3A_162 : vector<16xf32> to vector<1x16xf32>
      tpu.vector_store %arg12[%swap3A_163, %swap3A_164], %swap3A_167 {strides = array<i32>} : memref<80x128xf32, #tpu.memory_space<vmem>>, vector<1x16xf32>,
      %broadcast_in_dim3A_168 = arith.constant 0.000000e+00 : f32
      %broadcast_in_dim3A_169 = vector.broadcast %broadcast_in_dim3A_168 : f32 to vector<16xf32>
      %swap3A_170 = arith.index_cast %scan3A_126 : i32 to index
      %swap3A_171 = arith.constant 96 : index
      %swap3A_172 = tpu.vector_load %arg12[%swap3A_170, %swap3A_171] {strides = array<i32>} : memref<80x128xf32, #tpu.memory_space<vmem>>, vector<1x16xf32>,
      %swap3A_173 = vector.shape_cast %swap3A_172 : vector<1x16xf32> to vector<16xf32>
      %swap3A_174 = vector.shape_cast %broadcast_in_dim3A_169 : vector<16xf32> to vector<1x16xf32>
      tpu.vector_store %arg12[%swap3A_170, %swap3A_171], %swap3A_174 {strides = array<i32>} : memref<80x128xf32, #tpu.memory_space<vmem>>, vector<1x16xf32>,
      %broadcast_in_dim3A_175 = arith.constant 0.000000e+00 : f32
      %broadcast_in_dim3A_176 = vector.broadcast %broadcast_in_dim3A_175 : f32 to vector<16xf32>
      %swap3A_177 = arith.index_cast %scan3A_126 : i32 to index
      %swap3A_178 = arith.constant 112 : index
      %swap3A_179 = tpu.vector_load %arg12[%swap3A_177, %swap3A_178] {strides = array<i32>} : memref<80x128xf32, #tpu.memory_space<vmem>>, vector<1x16xf32>,
      %swap3A_180 = vector.shape_cast %swap3A_179 : vector<1x16xf32> to vector<16xf32>
      %swap3A_181 = vector.shape_cast %broadcast_in_dim3A_176 : vector<16xf32> to vector<1x16xf32>
      tpu.vector_store %arg12[%swap3A_177, %swap3A_178], %swap3A_181 {strides = array<i32>} : memref<80x128xf32, #tpu.memory_space<vmem>>, vector<1x16xf32>,
      %scan3A_182 = arith.constant 0 : i32
      scf.yield %scan3A_182 : i32
    }
    %scan3A_6 = arith.constant 80 : i32
    %mul3A_7 = arith.constant 640 : i32
    %mul3A_8 = arith.muli %arg1, %mul3A_7 : i32
    %add3A_9 = arith.constant 0 : i32
    %add3A_10 = arith.addi %mul3A_8, %add3A_9 : i32
    "tpu.region"() ({
      %run_scoped3A = tpu.sem_alloc : memref<!tpu.dma_semaphore, #tpu.memory_space<semaphore_mem>>
      %dma_start3A_126 = arith.constant 0 : i32
      %dma_start3A_127 = tpu.memref_slice %arg17[%add3A_10, %dma_start3A_126] : memref<10240x128xf32, #tpu.memory_space<vmem_shared>> -> memref<80x128xf32, #tpu.memory_space<vmem_shared>>
      %dma_start3A_128 = arith.constant 0 : i32
      %dma_start3A_129 = tpu.memref_slice %arg17[%add3A_10, %dma_start3A_128] : memref<10240x128xf32, #tpu.memory_space<vmem_shared>> -> memref<80x128xf32, #tpu.memory_space<vmem_shared>>
      tpu.enqueue_dma source(%arg12 : memref<80x128xf32, #tpu.memory_space<vmem>>) target(%dma_start3A_129 : memref<80x128xf32, #tpu.memory_space<vmem_shared>>) target_semaphore(%run_scoped3A : memref<!tpu.dma_semaphore, #tpu.memory_space<semaphore_mem>>)
      %dma_wait3A_130 = arith.constant 0 : i32
      %dma_wait3A_131 = tpu.memref_slice %arg17[%add3A_10, %dma_wait3A_130] : memref<10240x128xf32, #tpu.memory_space<vmem_shared>> -> memref<80x128xf32, #tpu.memory_space<vmem_shared>>
      %dma_wait3A_132 = arith.constant 0 : i32
      %dma_wait3A_133 = tpu.memref_slice %arg17[%add3A_10, %dma_wait3A_132] : memref<10240x128xf32, #tpu.memory_space<vmem_shared>> -> memref<80x128xf32, #tpu.memory_space<vmem_shared>>
      tpu.wait_dma2 semaphore(%run_scoped3A : memref<!tpu.dma_semaphore, #tpu.memory_space<semaphore_mem>>) src(%arg12 : memref<80x128xf32, #tpu.memory_space<vmem>>) dst(%dma_wait3A_133 : memref<80x128xf32, #tpu.memory_space<vmem_shared>>)
      tpu.yield
    }) : () -> ()
    %mul3A_11 = arith.constant 640 : i32
    %mul3A_12 = arith.muli %arg1, %mul3A_11 : i32
    %add3A_13 = arith.constant 80 : i32
    %add3A_14 = arith.addi %mul3A_12, %add3A_13 : i32
    "tpu.region"() ({
      %run_scoped3A = tpu.sem_alloc : memref<!tpu.dma_semaphore, #tpu.memory_space<semaphore_mem>>
      %dma_start3A_126 = arith.constant 0 : i32
      %dma_start3A_127 = tpu.memref_slice %arg17[%add3A_14, %dma_start3A_126] : memref<10240x128xf32, #tpu.memory_space<vmem_shared>> -> memref<80x128xf32, #tpu.memory_space<vmem_shared>>
      %dma_start3A_128 = arith.constant 0 : i32
      %dma_start3A_129 = tpu.memref_slice %arg17[%add3A_14, %dma_start3A_128] : memref<10240x128xf32, #tpu.memory_space<vmem_shared>> -> memref<80x128xf32, #tpu.memory_space<vmem_shared>>
      tpu.enqueue_dma source(%arg12 : memref<80x128xf32, #tpu.memory_space<vmem>>) target(%dma_start3A_129 : memref<80x128xf32, #tpu.memory_space<vmem_shared>>) target_semaphore(%run_scoped3A : memref<!tpu.dma_semaphore, #tpu.memory_space<semaphore_mem>>)
      %dma_wait3A_130 = arith.constant 0 : i32
      %dma_wait3A_131 = tpu.memref_slice %arg17[%add3A_14, %dma_wait3A_130] : memref<10240x128xf32, #tpu.memory_space<vmem_shared>> -> memref<80x128xf32, #tpu.memory_space<vmem_shared>>
      %dma_wait3A_132 = arith.constant 0 : i32
      %dma_wait3A_133 = tpu.memref_slice %arg17[%add3A_14, %dma_wait3A_132] : memref<10240x128xf32, #tpu.memory_space<vmem_shared>> -> memref<80x128xf32, #tpu.memory_space<vmem_shared>>
      tpu.wait_dma2 semaphore(%run_scoped3A : memref<!tpu.dma_semaphore, #tpu.memory_space<semaphore_mem>>) src(%arg12 : memref<80x128xf32, #tpu.memory_space<vmem>>) dst(%dma_wait3A_133 : memref<80x128xf32, #tpu.memory_space<vmem_shared>>)
      tpu.yield
    }) : () -> ()
    %mul3A_15 = arith.constant 640 : i32
    %mul3A_16 = arith.muli %arg1, %mul3A_15 : i32
    %add3A_17 = arith.constant 160 : i32
    %add3A_18 = arith.addi %mul3A_16, %add3A_17 : i32
    "tpu.region"() ({
      %run_scoped3A = tpu.sem_alloc : memref<!tpu.dma_semaphore, #tpu.memory_space<semaphore_mem>>
      %dma_start3A_126 = arith.constant 0 : i32
      %dma_start3A_127 = tpu.memref_slice %arg17[%add3A_18, %dma_start3A_126] : memref<10240x128xf32, #tpu.memory_space<vmem_shared>> -> memref<80x128xf32, #tpu.memory_space<vmem_shared>>
      %dma_start3A_128 = arith.constant 0 : i32
      %dma_start3A_129 = tpu.memref_slice %arg17[%add3A_18, %dma_start3A_128] : memref<10240x128xf32, #tpu.memory_space<vmem_shared>> -> memref<80x128xf32, #tpu.memory_space<vmem_shared>>
      tpu.enqueue_dma source(%arg12 : memref<80x128xf32, #tpu.memory_space<vmem>>) target(%dma_start3A_129 : memref<80x128xf32, #tpu.memory_space<vmem_shared>>) target_semaphore(%run_scoped3A : memref<!tpu.dma_semaphore, #tpu.memory_space<semaphore_mem>>)
      %dma_wait3A_130 = arith.constant 0 : i32
      %dma_wait3A_131 = tpu.memref_slice %arg17[%add3A_18, %dma_wait3A_130] : memref<10240x128xf32, #tpu.memory_space<vmem_shared>> -> memref<80x128xf32, #tpu.memory_space<vmem_shared>>
      %dma_wait3A_132 = arith.constant 0 : i32
      %dma_wait3A_133 = tpu.memref_slice %arg17[%add3A_18, %dma_wait3A_132] : memref<10240x128xf32, #tpu.memory_space<vmem_shared>> -> memref<80x128xf32, #tpu.memory_space<vmem_shared>>
      tpu.wait_dma2 semaphore(%run_scoped3A : memref<!tpu.dma_semaphore, #tpu.memory_space<semaphore_mem>>) src(%arg12 : memref<80x128xf32, #tpu.memory_space<vmem>>) dst(%dma_wait3A_133 : memref<80x128xf32, #tpu.memory_space<vmem_shared>>)
      tpu.yield
    }) : () -> ()
    %mul3A_19 = arith.constant 640 : i32
    %mul3A_20 = arith.muli %arg1, %mul3A_19 : i32
    %add3A_21 = arith.constant 240 : i32
    %add3A_22 = arith.addi %mul3A_20, %add3A_21 : i32
    "tpu.region"() ({
      %run_scoped3A = tpu.sem_alloc : memref<!tpu.dma_semaphore, #tpu.memory_space<semaphore_mem>>
      %dma_start3A_126 = arith.constant 0 : i32
      %dma_start3A_127 = tpu.memref_slice %arg17[%add3A_22, %dma_start3A_126] : memref<10240x128xf32, #tpu.memory_space<vmem_shared>> -> memref<80x128xf32, #tpu.memory_space<vmem_shared>>
      %dma_start3A_128 = arith.constant 0 : i32
      %dma_start3A_129 = tpu.memref_slice %arg17[%add3A_22, %dma_start3A_128] : memref<10240x128xf32, #tpu.memory_space<vmem_shared>> -> memref<80x128xf32, #tpu.memory_space<vmem_shared>>
      tpu.enqueue_dma source(%arg12 : memref<80x128xf32, #tpu.memory_space<vmem>>) target(%dma_start3A_129 : memref<80x128xf32, #tpu.memory_space<vmem_shared>>) target_semaphore(%run_scoped3A : memref<!tpu.dma_semaphore, #tpu.memory_space<semaphore_mem>>)
      %dma_wait3A_130 = arith.constant 0 : i32
      %dma_wait3A_131 = tpu.memref_slice %arg17[%add3A_22, %dma_wait3A_130] : memref<10240x128xf32, #tpu.memory_space<vmem_shared>> -> memref<80x128xf32, #tpu.memory_space<vmem_shared>>
      %dma_wait3A_132 = arith.constant 0 : i32
      %dma_wait3A_133 = tpu.memref_slice %arg17[%add3A_22, %dma_wait3A_132] : memref<10240x128xf32, #tpu.memory_space<vmem_shared>> -> memref<80x128xf32, #tpu.memory_space<vmem_shared>>
      tpu.wait_dma2 semaphore(%run_scoped3A : memref<!tpu.dma_semaphore, #tpu.memory_space<semaphore_mem>>) src(%arg12 : memref<80x128xf32, #tpu.memory_space<vmem>>) dst(%dma_wait3A_133 : memref<80x128xf32, #tpu.memory_space<vmem_shared>>)
      tpu.yield
    }) : () -> ()
    %mul3A_23 = arith.constant 640 : i32
    %mul3A_24 = arith.muli %arg1, %mul3A_23 : i32
    %add3A_25 = arith.constant 320 : i32
    %add3A_26 = arith.addi %mul3A_24, %add3A_25 : i32
    "tpu.region"() ({
      %run_scoped3A = tpu.sem_alloc : memref<!tpu.dma_semaphore, #tpu.memory_space<semaphore_mem>>
      %dma_start3A_126 = arith.constant 0 : i32
      %dma_start3A_127 = tpu.memref_slice %arg17[%add3A_26, %dma_start3A_126] : memref<10240x128xf32, #tpu.memory_space<vmem_shared>> -> memref<80x128xf32, #tpu.memory_space<vmem_shared>>
      %dma_start3A_128 = arith.constant 0 : i32
      %dma_start3A_129 = tpu.memref_slice %arg17[%add3A_26, %dma_start3A_128] : memref<10240x128xf32, #tpu.memory_space<vmem_shared>> -> memref<80x128xf32, #tpu.memory_space<vmem_shared>>
      tpu.enqueue_dma source(%arg12 : memref<80x128xf32, #tpu.memory_space<vmem>>) target(%dma_start3A_129 : memref<80x128xf32, #tpu.memory_space<vmem_shared>>) target_semaphore(%run_scoped3A : memref<!tpu.dma_semaphore, #tpu.memory_space<semaphore_mem>>)
      %dma_wait3A_130 = arith.constant 0 : i32
      %dma_wait3A_131 = tpu.memref_slice %arg17[%add3A_26, %dma_wait3A_130] : memref<10240x128xf32, #tpu.memory_space<vmem_shared>> -> memref<80x128xf32, #tpu.memory_space<vmem_shared>>
      %dma_wait3A_132 = arith.constant 0 : i32
      %dma_wait3A_133 = tpu.memref_slice %arg17[%add3A_26, %dma_wait3A_132] : memref<10240x128xf32, #tpu.memory_space<vmem_shared>> -> memref<80x128xf32, #tpu.memory_space<vmem_shared>>
      tpu.wait_dma2 semaphore(%run_scoped3A : memref<!tpu.dma_semaphore, #tpu.memory_space<semaphore_mem>>) src(%arg12 : memref<80x128xf32, #tpu.memory_space<vmem>>) dst(%dma_wait3A_133 : memref<80x128xf32, #tpu.memory_space<vmem_shared>>)
      tpu.yield
    }) : () -> ()
    %mul3A_27 = arith.constant 640 : i32
    %mul3A_28 = arith.muli %arg1, %mul3A_27 : i32
    %add3A_29 = arith.constant 400 : i32
    %add3A_30 = arith.addi %mul3A_28, %add3A_29 : i32
    "tpu.region"() ({
      %run_scoped3A = tpu.sem_alloc : memref<!tpu.dma_semaphore, #tpu.memory_space<semaphore_mem>>
      %dma_start3A_126 = arith.constant 0 : i32
      %dma_start3A_127 = tpu.memref_slice %arg17[%add3A_30, %dma_start3A_126] : memref<10240x128xf32, #tpu.memory_space<vmem_shared>> -> memref<80x128xf32, #tpu.memory_space<vmem_shared>>
      %dma_start3A_128 = arith.constant 0 : i32
      %dma_start3A_129 = tpu.memref_slice %arg17[%add3A_30, %dma_start3A_128] : memref<10240x128xf32, #tpu.memory_space<vmem_shared>> -> memref<80x128xf32, #tpu.memory_space<vmem_shared>>
      tpu.enqueue_dma source(%arg12 : memref<80x128xf32, #tpu.memory_space<vmem>>) target(%dma_start3A_129 : memref<80x128xf32, #tpu.memory_space<vmem_shared>>) target_semaphore(%run_scoped3A : memref<!tpu.dma_semaphore, #tpu.memory_space<semaphore_mem>>)
      %dma_wait3A_130 = arith.constant 0 : i32
      %dma_wait3A_131 = tpu.memref_slice %arg17[%add3A_30, %dma_wait3A_130] : memref<10240x128xf32, #tpu.memory_space<vmem_shared>> -> memref<80x128xf32, #tpu.memory_space<vmem_shared>>
      %dma_wait3A_132 = arith.constant 0 : i32
      %dma_wait3A_133 = tpu.memref_slice %arg17[%add3A_30, %dma_wait3A_132] : memref<10240x128xf32, #tpu.memory_space<vmem_shared>> -> memref<80x128xf32, #tpu.memory_space<vmem_shared>>
      tpu.wait_dma2 semaphore(%run_scoped3A : memref<!tpu.dma_semaphore, #tpu.memory_space<semaphore_mem>>) src(%arg12 : memref<80x128xf32, #tpu.memory_space<vmem>>) dst(%dma_wait3A_133 : memref<80x128xf32, #tpu.memory_space<vmem_shared>>)
      tpu.yield
    }) : () -> ()
    %mul3A_31 = arith.constant 640 : i32
    %mul3A_32 = arith.muli %arg1, %mul3A_31 : i32
    %add3A_33 = arith.constant 480 : i32
    %add3A_34 = arith.addi %mul3A_32, %add3A_33 : i32
    "tpu.region"() ({
      %run_scoped3A = tpu.sem_alloc : memref<!tpu.dma_semaphore, #tpu.memory_space<semaphore_mem>>
      %dma_start3A_126 = arith.constant 0 : i32
      %dma_start3A_127 = tpu.memref_slice %arg17[%add3A_34, %dma_start3A_126] : memref<10240x128xf32, #tpu.memory_space<vmem_shared>> -> memref<80x128xf32, #tpu.memory_space<vmem_shared>>
      %dma_start3A_128 = arith.constant 0 : i32
      %dma_start3A_129 = tpu.memref_slice %arg17[%add3A_34, %dma_start3A_128] : memref<10240x128xf32, #tpu.memory_space<vmem_shared>> -> memref<80x128xf32, #tpu.memory_space<vmem_shared>>
      tpu.enqueue_dma source(%arg12 : memref<80x128xf32, #tpu.memory_space<vmem>>) target(%dma_start3A_129 : memref<80x128xf32, #tpu.memory_space<vmem_shared>>) target_semaphore(%run_scoped3A : memref<!tpu.dma_semaphore, #tpu.memory_space<semaphore_mem>>)
      %dma_wait3A_130 = arith.constant 0 : i32
      %dma_wait3A_131 = tpu.memref_slice %arg17[%add3A_34, %dma_wait3A_130] : memref<10240x128xf32, #tpu.memory_space<vmem_shared>> -> memref<80x128xf32, #tpu.memory_space<vmem_shared>>
      %dma_wait3A_132 = arith.constant 0 : i32
      %dma_wait3A_133 = tpu.memref_slice %arg17[%add3A_34, %dma_wait3A_132] : memref<10240x128xf32, #tpu.memory_space<vmem_shared>> -> memref<80x128xf32, #tpu.memory_space<vmem_shared>>
      tpu.wait_dma2 semaphore(%run_scoped3A : memref<!tpu.dma_semaphore, #tpu.memory_space<semaphore_mem>>) src(%arg12 : memref<80x128xf32, #tpu.memory_space<vmem>>) dst(%dma_wait3A_133 : memref<80x128xf32, #tpu.memory_space<vmem_shared>>)
      tpu.yield
    }) : () -> ()
    %mul3A_35 = arith.constant 640 : i32
    %mul3A_36 = arith.muli %arg1, %mul3A_35 : i32
    %add3A_37 = arith.constant 560 : i32
    %add3A_38 = arith.addi %mul3A_36, %add3A_37 : i32
    "tpu.region"() ({
      %run_scoped3A = tpu.sem_alloc : memref<!tpu.dma_semaphore, #tpu.memory_space<semaphore_mem>>
      %dma_start3A_126 = arith.constant 0 : i32
      %dma_start3A_127 = tpu.memref_slice %arg17[%add3A_38, %dma_start3A_126] : memref<10240x128xf32, #tpu.memory_space<vmem_shared>> -> memref<80x128xf32, #tpu.memory_space<vmem_shared>>
      %dma_start3A_128 = arith.constant 0 : i32
      %dma_start3A_129 = tpu.memref_slice %arg17[%add3A_38, %dma_start3A_128] : memref<10240x128xf32, #tpu.memory_space<vmem_shared>> -> memref<80x128xf32, #tpu.memory_space<vmem_shared>>
      tpu.enqueue_dma source(%arg12 : memref<80x128xf32, #tpu.memory_space<vmem>>) target(%dma_start3A_129 : memref<80x128xf32, #tpu.memory_space<vmem_shared>>) target_semaphore(%run_scoped3A : memref<!tpu.dma_semaphore, #tpu.memory_space<semaphore_mem>>)
      %dma_wait3A_130 = arith.constant 0 : i32
      %dma_wait3A_131 = tpu.memref_slice %arg17[%add3A_38, %dma_wait3A_130] : memref<10240x128xf32, #tpu.memory_space<vmem_shared>> -> memref<80x128xf32, #tpu.memory_space<vmem_shared>>
      %dma_wait3A_132 = arith.constant 0 : i32
      %dma_wait3A_133 = tpu.memref_slice %arg17[%add3A_38, %dma_wait3A_132] : memref<10240x128xf32, #tpu.memory_space<vmem_shared>> -> memref<80x128xf32, #tpu.memory_space<vmem_shared>>
      tpu.wait_dma2 semaphore(%run_scoped3A : memref<!tpu.dma_semaphore, #tpu.memory_space<semaphore_mem>>) src(%arg12 : memref<80x128xf32, #tpu.memory_space<vmem>>) dst(%dma_wait3A_133 : memref<80x128xf32, #tpu.memory_space<vmem_shared>>)
      tpu.yield
    }) : () -> ()
    %barrier3A = arith.constant 0 : index
    tpu.barrier barrier_id(%barrier3A)
    %mul3A_39 = arith.constant 10000 : i32
    %mul3A_40 = arith.muli %add3A, %mul3A_39 : i32
    %add3A_41 = arith.constant 0 : i32
    %add3A_42 = arith.addi %mul3A_40, %add3A_41 : i32
    %dma_start3A = tpu.memref_slice %arg2[%add3A_42] : memref<320000xi32, #tpu.memory_space<hbm>> -> memref<80xi32, #tpu.memory_space<hbm>>
    %dma_start3A_43 = tpu.memref_slice %arg2[%add3A_42] : memref<320000xi32, #tpu.memory_space<hbm>> -> memref<80xi32, #tpu.memory_space<hbm>>
    tpu.enqueue_dma source(%dma_start3A_43 : memref<80xi32, #tpu.memory_space<hbm>>) target(%arg6 : memref<80xi32, #tpu.memory_space<vmem>>) target_semaphore(%arg19 : memref<!tpu.dma_semaphore, #tpu.memory_space<semaphore_mem>>)
    %add3A_44 = arith.constant 0 : i32
    %add3A_45 = arith.addi %mul3A_40, %add3A_44 : i32
    %dma_start3A_46 = tpu.memref_slice %arg3[%add3A_45] : memref<320000xi32, #tpu.memory_space<hbm>> -> memref<80xi32, #tpu.memory_space<hbm>>
    %dma_start3A_47 = tpu.memref_slice %arg3[%add3A_45] : memref<320000xi32, #tpu.memory_space<hbm>> -> memref<80xi32, #tpu.memory_space<hbm>>
    tpu.enqueue_dma source(%dma_start3A_47 : memref<80xi32, #tpu.memory_space<hbm>>) target(%arg9 : memref<80xi32, #tpu.memory_space<vmem>>) target_semaphore(%arg22 : memref<!tpu.dma_semaphore, #tpu.memory_space<semaphore_mem>>)
    %add3A_48 = arith.constant 80 : i32
    %add3A_49 = arith.addi %mul3A_40, %add3A_48 : i32
    %dma_start3A_50 = tpu.memref_slice %arg2[%add3A_49] : memref<320000xi32, #tpu.memory_space<hbm>> -> memref<80xi32, #tpu.memory_space<hbm>>
    %dma_start3A_51 = tpu.memref_slice %arg2[%add3A_49] : memref<320000xi32, #tpu.memory_space<hbm>> -> memref<80xi32, #tpu.memory_space<hbm>>
    tpu.enqueue_dma source(%dma_start3A_51 : memref<80xi32, #tpu.memory_space<hbm>>) target(%arg7 : memref<80xi32, #tpu.memory_space<vmem>>) target_semaphore(%arg20 : memref<!tpu.dma_semaphore, #tpu.memory_space<semaphore_mem>>)
    %add3A_52 = arith.constant 80 : i32
    %add3A_53 = arith.addi %mul3A_40, %add3A_52 : i32
    %dma_start3A_54 = tpu.memref_slice %arg3[%add3A_53] : memref<320000xi32, #tpu.memory_space<hbm>> -> memref<80xi32, #tpu.memory_space<hbm>>
    %dma_start3A_55 = tpu.memref_slice %arg3[%add3A_53] : memref<320000xi32, #tpu.memory_space<hbm>> -> memref<80xi32, #tpu.memory_space<hbm>>
    tpu.enqueue_dma source(%dma_start3A_55 : memref<80xi32, #tpu.memory_space<hbm>>) target(%arg10 : memref<80xi32, #tpu.memory_space<vmem>>) target_semaphore(%arg23 : memref<!tpu.dma_semaphore, #tpu.memory_space<semaphore_mem>>)
    %add3A_56 = arith.constant 160 : i32
    %add3A_57 = arith.addi %mul3A_40, %add3A_56 : i32
    %dma_start3A_58 = tpu.memref_slice %arg2[%add3A_57] : memref<320000xi32, #tpu.memory_space<hbm>> -> memref<80xi32, #tpu.memory_space<hbm>>
    %dma_start3A_59 = tpu.memref_slice %arg2[%add3A_57] : memref<320000xi32, #tpu.memory_space<hbm>> -> memref<80xi32, #tpu.memory_space<hbm>>
    tpu.enqueue_dma source(%dma_start3A_59 : memref<80xi32, #tpu.memory_space<hbm>>) target(%arg8 : memref<80xi32, #tpu.memory_space<vmem>>) target_semaphore(%arg21 : memref<!tpu.dma_semaphore, #tpu.memory_space<semaphore_mem>>)
    %add3A_60 = arith.constant 0 : i32
    %add3A_61 = arith.addi %mul3A_40, %add3A_60 : i32
    %dma_wait3A = tpu.memref_slice %arg2[%add3A_61] : memref<320000xi32, #tpu.memory_space<hbm>> -> memref<80xi32, #tpu.memory_space<hbm>>
    %dma_wait3A_62 = tpu.memref_slice %arg2[%add3A_61] : memref<320000xi32, #tpu.memory_space<hbm>> -> memref<80xi32, #tpu.memory_space<hbm>>
    tpu.wait_dma2 semaphore(%arg19 : memref<!tpu.dma_semaphore, #tpu.memory_space<semaphore_mem>>) src(%dma_wait3A_62 : memref<80xi32, #tpu.memory_space<hbm>>) dst(%arg6 : memref<80xi32, #tpu.memory_space<vmem>>)
    %dma_start3A_63 = arith.constant 0 : i32
    %dma_start3A_64 = arith.constant 0 : i32
    %dma_start3A_65 = tpu.memref_slice %arg4[%dma_start3A_63, %dma_start3A_64] : memref<10240x128xf32, #tpu.memory_space<hbm>> -> memref<10240x128xf32, #tpu.memory_space<hbm>>
    tpu.enqueue_indirect_dma source(%dma_start3A_65 : memref<10240x128xf32, #tpu.memory_space<hbm>>) target(%arg12 : memref<80x128xf32, #tpu.memory_space<vmem>>) offsets(%arg6 : memref<80xi32, #tpu.memory_space<vmem>>) semaphore(%arg25 : memref<!tpu.dma_semaphore, #tpu.memory_space<semaphore_mem>>)
    %add3A_66 = arith.constant 80 : i32
    %add3A_67 = arith.addi %mul3A_40, %add3A_66 : i32
    %dma_wait3A_68 = tpu.memref_slice %arg2[%add3A_67] : memref<320000xi32, #tpu.memory_space<hbm>> -> memref<80xi32, #tpu.memory_space<hbm>>
    %dma_wait3A_69 = tpu.memref_slice %arg2[%add3A_67] : memref<320000xi32, #tpu.memory_space<hbm>> -> memref<80xi32, #tpu.memory_space<hbm>>
    tpu.wait_dma2 semaphore(%arg20 : memref<!tpu.dma_semaphore, #tpu.memory_space<semaphore_mem>>) src(%dma_wait3A_69 : memref<80xi32, #tpu.memory_space<hbm>>) dst(%arg7 : memref<80xi32, #tpu.memory_space<vmem>>)
    %dma_start3A_70 = arith.constant 0 : i32
    %dma_start3A_71 = arith.constant 0 : i32
    %dma_start3A_72 = tpu.memref_slice %arg4[%dma_start3A_70, %dma_start3A_71] : memref<10240x128xf32, #tpu.memory_space<hbm>> -> memref<10240x128xf32, #tpu.memory_space<hbm>>
    tpu.enqueue_indirect_dma source(%dma_start3A_72 : memref<10240x128xf32, #tpu.memory_space<hbm>>) target(%arg13 : memref<80x128xf32, #tpu.memory_space<vmem>>) offsets(%arg7 : memref<80xi32, #tpu.memory_space<vmem>>) semaphore(%arg26 : memref<!tpu.dma_semaphore, #tpu.memory_space<semaphore_mem>>)
    %dma_wait3A_73 = arith.constant 0 : i32
    %dma_wait3A_74 = arith.constant 0 : i32
    %dma_wait3A_75 = tpu.memref_slice %arg4[%dma_wait3A_73, %dma_wait3A_74] : memref<10240x128xf32, #tpu.memory_space<hbm>> -> memref<10240x128xf32, #tpu.memory_space<hbm>>
    tpu.wait_indirect_dma semaphore(%arg25 : memref<!tpu.dma_semaphore, #tpu.memory_space<semaphore_mem>>) src(%dma_wait3A_75 : memref<10240x128xf32, #tpu.memory_space<hbm>>) dst(%arg12 : memref<80x128xf32, #tpu.memory_space<vmem>>)
    %add3A_76 = arith.constant 240 : i32
    %add3A_77 = arith.addi %mul3A_40, %add3A_76 : i32
    %dma_start3A_78 = tpu.memref_slice %arg2[%add3A_77] : memref<320000xi32, #tpu.memory_space<hbm>> -> memref<80xi32, #tpu.memory_space<hbm>>
    %dma_start3A_79 = tpu.memref_slice %arg2[%add3A_77] : memref<320000xi32, #tpu.memory_space<hbm>> -> memref<80xi32, #tpu.memory_space<hbm>>
    tpu.enqueue_dma source(%dma_start3A_79 : memref<80xi32, #tpu.memory_space<hbm>>) target(%arg6 : memref<80xi32, #tpu.memory_space<vmem>>) target_semaphore(%arg19 : memref<!tpu.dma_semaphore, #tpu.memory_space<semaphore_mem>>)
    %add3A_80 = arith.constant 0 : i32
    %add3A_81 = arith.addi %mul3A_40, %add3A_80 : i32
    %dma_wait3A_82 = tpu.memref_slice %arg3[%add3A_81] : memref<320000xi32, #tpu.memory_space<hbm>> -> memref<80xi32, #tpu.memory_space<hbm>>
    %dma_wait3A_83 = tpu.memref_slice %arg3[%add3A_81] : memref<320000xi32, #tpu.memory_space<hbm>> -> memref<80xi32, #tpu.memory_space<hbm>>
    tpu.wait_dma2 semaphore(%arg22 : memref<!tpu.dma_semaphore, #tpu.memory_space<semaphore_mem>>) src(%dma_wait3A_83 : memref<80xi32, #tpu.memory_space<hbm>>) dst(%arg9 : memref<80xi32, #tpu.memory_space<vmem>>)
    %dma_start3A_84 = arith.constant 0 : i32
    %dma_start3A_85 = arith.constant 0 : i32
    %dma_start3A_86 = tpu.memref_slice %arg17[%dma_start3A_84, %dma_start3A_85] : memref<10240x128xf32, #tpu.memory_space<vmem_shared>> -> memref<10240x128xf32, #tpu.memory_space<vmem_shared>>
    tpu.enqueue_indirect_dma source(%arg12 : memref<80x128xf32, #tpu.memory_space<vmem>>) target(%dma_start3A_86 : memref<10240x128xf32, #tpu.memory_space<vmem_shared>>) offsets(%arg9 : memref<80xi32, #tpu.memory_space<vmem>>) semaphore(%arg28 : memref<!tpu.dma_semaphore, #tpu.memory_space<semaphore_mem>>) {add = true}
    %add3A_87 = arith.constant 160 : i32
    %add3A_88 = arith.addi %mul3A_40, %add3A_87 : i32
    %dma_start3A_89 = tpu.memref_slice %arg3[%add3A_88] : memref<320000xi32, #tpu.memory_space<hbm>> -> memref<80xi32, #tpu.memory_space<hbm>>
    %dma_start3A_90 = tpu.memref_slice %arg3[%add3A_88] : memref<320000xi32, #tpu.memory_space<hbm>> -> memref<80xi32, #tpu.memory_space<hbm>>
    tpu.enqueue_dma source(%dma_start3A_90 : memref<80xi32, #tpu.memory_space<hbm>>) target(%arg11 : memref<80xi32, #tpu.memory_space<vmem>>) target_semaphore(%arg24 : memref<!tpu.dma_semaphore, #tpu.memory_space<semaphore_mem>>)
    %add3A_91 = arith.constant 160 : i32
    %add3A_92 = arith.addi %mul3A_40, %add3A_91 : i32
    %dma_wait3A_93 = tpu.memref_slice %arg2[%add3A_92] : memref<320000xi32, #tpu.memory_space<hbm>> -> memref<80xi32, #tpu.memory_space<hbm>>
    %dma_wait3A_94 = tpu.memref_slice %arg2[%add3A_92] : memref<320000xi32, #tpu.memory_space<hbm>> -> memref<80xi32, #tpu.memory_space<hbm>>
    tpu.wait_dma2 semaphore(%arg21 : memref<!tpu.dma_semaphore, #tpu.memory_space<semaphore_mem>>) src(%dma_wait3A_94 : memref<80xi32, #tpu.memory_space<hbm>>) dst(%arg8 : memref<80xi32, #tpu.memory_space<vmem>>)
    %dma_start3A_95 = arith.constant 0 : i32
    %dma_start3A_96 = arith.constant 0 : i32
    %dma_start3A_97 = tpu.memref_slice %arg4[%dma_start3A_95, %dma_start3A_96] : memref<10240x128xf32, #tpu.memory_space<hbm>> -> memref<10240x128xf32, #tpu.memory_space<hbm>>
    tpu.enqueue_indirect_dma source(%dma_start3A_97 : memref<10240x128xf32, #tpu.memory_space<hbm>>) target(%arg14 : memref<80x128xf32, #tpu.memory_space<vmem>>) offsets(%arg8 : memref<80xi32, #tpu.memory_space<vmem>>) semaphore(%arg27 : memref<!tpu.dma_semaphore, #tpu.memory_space<semaphore_mem>>)
    %scan3A_98 = arith.constant 0 : i32
    %scan3A_99 = arith.constant 0 : i32
    %scan3A_100 = arith.constant 41 : i32
    %scan3A_101 = arith.addi %scan3A_99, %scan3A_100 : i32
    %scan3A_102 = arith.constant 1 : i32
    %scan3A_103 = scf.for %scan3A_126 = %scan3A_99 to %scan3A_101 step %scan3A_102 iter_args(%scan3A_127 = %scan3A_98) -> (i32)  : i32 {
      %mul3A_128 = arith.constant 3 : i32
      %mul3A_129 = arith.muli %mul3A_128, %scan3A_126 : i32
      %add3A_130 = arith.constant 1 : i32
      %add3A_131 = arith.addi %mul3A_129, %add3A_130 : i32
      %dma_wait3A_132 = arith.constant 0 : i32
      %dma_wait3A_133 = arith.constant 0 : i32
      %dma_wait3A_134 = tpu.memref_slice %arg4[%dma_wait3A_132, %dma_wait3A_133] : memref<10240x128xf32, #tpu.memory_space<hbm>> -> memref<10240x128xf32, #tpu.memory_space<hbm>>
      tpu.wait_indirect_dma semaphore(%arg26 : memref<!tpu.dma_semaphore, #tpu.memory_space<semaphore_mem>>) src(%dma_wait3A_134 : memref<10240x128xf32, #tpu.memory_space<hbm>>) dst(%arg13 : memref<80x128xf32, #tpu.memory_space<vmem>>)
      %add3A_135 = arith.constant 3 : i32
      %add3A_136 = arith.addi %add3A_131, %add3A_135 : i32
      %le3A = arith.constant 124 : i32
      %le3A_137 = arith.cmpi sle, %add3A_136, %le3A : i32
      %convert_element_type3A = arith.extui %le3A_137 : i1 to i32
      %cond3A = arith.constant 0 : i32
      %cond3A_138 = arith.cmpi ne, %convert_element_type3A, %cond3A : i32
      scf.if %cond3A_138 {
        %add3A_218 = arith.constant 3 : i32
        %add3A_219 = arith.addi %add3A_131, %add3A_218 : i32
        %mul3A_220 = arith.constant 80 : i32
        %mul3A_221 = arith.muli %add3A_219, %mul3A_220 : i32
        %add3A_222 = arith.addi %mul3A_40, %mul3A_221 : i32
        %dma_start3A_223 = tpu.memref_slice %arg2[%add3A_222] : memref<320000xi32, #tpu.memory_space<hbm>> -> memref<80xi32, #tpu.memory_space<hbm>>
        %dma_start3A_224 = tpu.memref_slice %arg2[%add3A_222] : memref<320000xi32, #tpu.memory_space<hbm>> -> memref<80xi32, #tpu.memory_space<hbm>>
        tpu.enqueue_dma source(%dma_start3A_224 : memref<80xi32, #tpu.memory_space<hbm>>) target(%arg7 : memref<80xi32, #tpu.memory_space<vmem>>) target_semaphore(%arg20 : memref<!tpu.dma_semaphore, #tpu.memory_space<semaphore_mem>>)
      } else {
      }
      %mul3A_139 = arith.constant 80 : i32
      %mul3A_140 = arith.muli %add3A_131, %mul3A_139 : i32
      %add3A_141 = arith.addi %mul3A_40, %mul3A_140 : i32
      %dma_wait3A_142 = tpu.memref_slice %arg3[%add3A_141] : memref<320000xi32, #tpu.memory_space<hbm>> -> memref<80xi32, #tpu.memory_space<hbm>>
      %dma_wait3A_143 = tpu.memref_slice %arg3[%add3A_141] : memref<320000xi32, #tpu.memory_space<hbm>> -> memref<80xi32, #tpu.memory_space<hbm>>
      tpu.wait_dma2 semaphore(%arg23 : memref<!tpu.dma_semaphore, #tpu.memory_space<semaphore_mem>>) src(%dma_wait3A_143 : memref<80xi32, #tpu.memory_space<hbm>>) dst(%arg10 : memref<80xi32, #tpu.memory_space<vmem>>)
      %dma_start3A_144 = arith.constant 0 : i32
      %dma_start3A_145 = arith.constant 0 : i32
      %dma_start3A_146 = tpu.memref_slice %arg17[%dma_start3A_144, %dma_start3A_145] : memref<10240x128xf32, #tpu.memory_space<vmem_shared>> -> memref<10240x128xf32, #tpu.memory_space<vmem_shared>>
      tpu.enqueue_indirect_dma source(%arg13 : memref<80x128xf32, #tpu.memory_space<vmem>>) target(%dma_start3A_146 : memref<10240x128xf32, #tpu.memory_space<vmem_shared>>) offsets(%arg10 : memref<80xi32, #tpu.memory_space<vmem>>) semaphore(%arg29 : memref<!tpu.dma_semaphore, #tpu.memory_space<semaphore_mem>>) {add = true}
      %dma_wait3A_147 = arith.constant 0 : i32
      %dma_wait3A_148 = arith.constant 0 : i32
      %dma_wait3A_149 = tpu.memref_slice %arg17[%dma_wait3A_147, %dma_wait3A_148] : memref<10240x128xf32, #tpu.memory_space<vmem_shared>> -> memref<10240x128xf32, #tpu.memory_space<vmem_shared>>
      tpu.wait_indirect_dma semaphore(%arg28 : memref<!tpu.dma_semaphore, #tpu.memory_space<semaphore_mem>>) src(%arg12 : memref<80x128xf32, #tpu.memory_space<vmem>>) dst(%dma_wait3A_149 : memref<10240x128xf32, #tpu.memory_space<vmem_shared>>)
      %add3A_150 = arith.constant 2 : i32
      %add3A_151 = arith.addi %add3A_131, %add3A_150 : i32
      %le3A_152 = arith.constant 124 : i32
      %le3A_153 = arith.cmpi sle, %add3A_151, %le3A_152 : i32
      %convert_element_type3A_154 = arith.extui %le3A_153 : i1 to i32
      %cond3A_155 = arith.constant 0 : i32
      %cond3A_156 = arith.cmpi ne, %convert_element_type3A_154, %cond3A_155 : i32
      scf.if %cond3A_156 {
        %add3A_218 = arith.constant 2 : i32
        %add3A_219 = arith.addi %add3A_131, %add3A_218 : i32
        %mul3A_220 = arith.constant 80 : i32
        %mul3A_221 = arith.muli %add3A_219, %mul3A_220 : i32
        %add3A_222 = arith.addi %mul3A_40, %mul3A_221 : i32
        %dma_start3A_223 = tpu.memref_slice %arg3[%add3A_222] : memref<320000xi32, #tpu.memory_space<hbm>> -> memref<80xi32, #tpu.memory_space<hbm>>
        %dma_start3A_224 = tpu.memref_slice %arg3[%add3A_222] : memref<320000xi32, #tpu.memory_space<hbm>> -> memref<80xi32, #tpu.memory_space<hbm>>
        tpu.enqueue_dma source(%dma_start3A_224 : memref<80xi32, #tpu.memory_space<hbm>>) target(%arg9 : memref<80xi32, #tpu.memory_space<vmem>>) target_semaphore(%arg22 : memref<!tpu.dma_semaphore, #tpu.memory_space<semaphore_mem>>)
        %add3A_225 = arith.constant 2 : i32
        %add3A_226 = arith.addi %add3A_131, %add3A_225 : i32
        %mul3A_227 = arith.constant 80 : i32
        %mul3A_228 = arith.muli %add3A_226, %mul3A_227 : i32
        %add3A_229 = arith.addi %mul3A_40, %mul3A_228 : i32
        %dma_wait3A_230 = tpu.memref_slice %arg2[%add3A_229] : memref<320000xi32, #tpu.memory_space<hbm>> -> memref<80xi32, #tpu.memory_space<hbm>>
        %dma_wait3A_231 = tpu.memref_slice %arg2[%add3A_229] : memref<320000xi32, #tpu.memory_space<hbm>> -> memref<80xi32, #tpu.memory_space<hbm>>
        tpu.wait_dma2 semaphore(%arg19 : memref<!tpu.dma_semaphore, #tpu.memory_space<semaphore_mem>>) src(%dma_wait3A_231 : memref<80xi32, #tpu.memory_space<hbm>>) dst(%arg6 : memref<80xi32, #tpu.memory_space<vmem>>)
        %dma_start3A_232 = arith.constant 0 : i32
        %dma_start3A_233 = arith.constant 0 : i32
        %dma_start3A_234 = tpu.memref_slice %arg4[%dma_start3A_232, %dma_start3A_233] : memref<10240x128xf32, #tpu.memory_space<hbm>> -> memref<10240x128xf32, #tpu.memory_space<hbm>>
        tpu.enqueue_indirect_dma source(%dma_start3A_234 : memref<10240x128xf32, #tpu.memory_space<hbm>>) target(%arg12 : memref<80x128xf32, #tpu.memory_space<vmem>>) offsets(%arg6 : memref<80xi32, #tpu.memory_space<vmem>>) semaphore(%arg25 : memref<!tpu.dma_semaphore, #tpu.memory_space<semaphore_mem>>)
      } else {
      }
      %add3A_157 = arith.constant 1 : i32
      %add3A_158 = arith.addi %add3A_131, %add3A_157 : i32
      %dma_wait3A_159 = arith.constant 0 : i32
      %dma_wait3A_160 = arith.constant 0 : i32
      %dma_wait3A_161 = tpu.memref_slice %arg4[%dma_wait3A_159, %dma_wait3A_160] : memref<10240x128xf32, #tpu.memory_space<hbm>> -> memref<10240x128xf32, #tpu.memory_space<hbm>>
      tpu.wait_indirect_dma semaphore(%arg27 : memref<!tpu.dma_semaphore, #tpu.memory_space<semaphore_mem>>) src(%dma_wait3A_161 : memref<10240x128xf32, #tpu.memory_space<hbm>>) dst(%arg14 : memref<80x128xf32, #tpu.memory_space<vmem>>)
      %add3A_162 = arith.constant 3 : i32
      %add3A_163 = arith.addi %add3A_158, %add3A_162 : i32
      %le3A_164 = arith.constant 124 : i32
      %le3A_165 = arith.cmpi sle, %add3A_163, %le3A_164 : i32
      %convert_element_type3A_166 = arith.extui %le3A_165 : i1 to i32
      %cond3A_167 = arith.constant 0 : i32
      %cond3A_168 = arith.cmpi ne, %convert_element_type3A_166, %cond3A_167 : i32
      scf.if %cond3A_168 {
        %add3A_218 = arith.constant 3 : i32
        %add3A_219 = arith.addi %add3A_158, %add3A_218 : i32
        %mul3A_220 = arith.constant 80 : i32
        %mul3A_221 = arith.muli %add3A_219, %mul3A_220 : i32
        %add3A_222 = arith.addi %mul3A_40, %mul3A_221 : i32
        %dma_start3A_223 = tpu.memref_slice %arg2[%add3A_222] : memref<320000xi32, #tpu.memory_space<hbm>> -> memref<80xi32, #tpu.memory_space<hbm>>
        %dma_start3A_224 = tpu.memref_slice %arg2[%add3A_222] : memref<320000xi32, #tpu.memory_space<hbm>> -> memref<80xi32, #tpu.memory_space<hbm>>
        tpu.enqueue_dma source(%dma_start3A_224 : memref<80xi32, #tpu.memory_space<hbm>>) target(%arg8 : memref<80xi32, #tpu.memory_space<vmem>>) target_semaphore(%arg21 : memref<!tpu.dma_semaphore, #tpu.memory_space<semaphore_mem>>)
      } else {
      }
      %mul3A_169 = arith.constant 80 : i32
      %mul3A_170 = arith.muli %add3A_158, %mul3A_169 : i32
      %add3A_171 = arith.addi %mul3A_40, %mul3A_170 : i32
      %dma_wait3A_172 = tpu.memref_slice %arg3[%add3A_171] : memref<320000xi32, #tpu.memory_space<hbm>> -> memref<80xi32, #tpu.memory_space<hbm>>
      %dma_wait3A_173 = tpu.memref_slice %arg3[%add3A_171] : memref<320000xi32, #tpu.memory_space<hbm>> -> memref<80xi32, #tpu.memory_space<hbm>>
      tpu.wait_dma2 semaphore(%arg24 : memref<!tpu.dma_semaphore, #tpu.memory_space<semaphore_mem>>) src(%dma_wait3A_173 : memref<80xi32, #tpu.memory_space<hbm>>) dst(%arg11 : memref<80xi32, #tpu.memory_space<vmem>>)
      %dma_start3A_174 = arith.constant 0 : i32
      %dma_start3A_175 = arith.constant 0 : i32
      %dma_start3A_176 = tpu.memref_slice %arg17[%dma_start3A_174, %dma_start3A_175] : memref<10240x128xf32, #tpu.memory_space<vmem_shared>> -> memref<10240x128xf32, #tpu.memory_space<vmem_shared>>
      tpu.enqueue_indirect_dma source(%arg14 : memref<80x128xf32, #tpu.memory_space<vmem>>) target(%dma_start3A_176 : memref<10240x128xf32, #tpu.memory_space<vmem_shared>>) offsets(%arg11 : memref<80xi32, #tpu.memory_space<vmem>>) semaphore(%arg30 : memref<!tpu.dma_semaphore, #tpu.memory_space<semaphore_mem>>) {add = true}
      %dma_wait3A_177 = arith.constant 0 : i32
      %dma_wait3A_178 = arith.constant 0 : i32
      %dma_wait3A_179 = tpu.memref_slice %arg17[%dma_wait3A_177, %dma_wait3A_178] : memref<10240x128xf32, #tpu.memory_space<vmem_shared>> -> memref<10240x128xf32, #tpu.memory_space<vmem_shared>>
      tpu.wait_indirect_dma semaphore(%arg29 : memref<!tpu.dma_semaphore, #tpu.memory_space<semaphore_mem>>) src(%arg13 : memref<80x128xf32, #tpu.memory_space<vmem>>) dst(%dma_wait3A_179 : memref<10240x128xf32, #tpu.memory_space<vmem_shared>>)
      %add3A_180 = arith.constant 2 : i32
      %add3A_181 = arith.addi %add3A_158, %add3A_180 : i32
      %le3A_182 = arith.constant 124 : i32
      %le3A_183 = arith.cmpi sle, %add3A_181, %le3A_182 : i32
      %convert_element_type3A_184 = arith.extui %le3A_183 : i1 to i32
      %cond3A_185 = arith.constant 0 : i32
      %cond3A_186 = arith.cmpi ne, %convert_element_type3A_184, %cond3A_185 : i32
      scf.if %cond3A_186 {
        %add3A_218 = arith.constant 2 : i32
        %add3A_219 = arith.addi %add3A_158, %add3A_218 : i32
        %mul3A_220 = arith.constant 80 : i32
        %mul3A_221 = arith.muli %add3A_219, %mul3A_220 : i32
        %add3A_222 = arith.addi %mul3A_40, %mul3A_221 : i32
        %dma_start3A_223 = tpu.memref_slice %arg3[%add3A_222] : memref<320000xi32, #tpu.memory_space<hbm>> -> memref<80xi32, #tpu.memory_space<hbm>>
        %dma_start3A_224 = tpu.memref_slice %arg3[%add3A_222] : memref<320000xi32, #tpu.memory_space<hbm>> -> memref<80xi32, #tpu.memory_space<hbm>>
        tpu.enqueue_dma source(%dma_start3A_224 : memref<80xi32, #tpu.memory_space<hbm>>) target(%arg10 : memref<80xi32, #tpu.memory_space<vmem>>) target_semaphore(%arg23 : memref<!tpu.dma_semaphore, #tpu.memory_space<semaphore_mem>>)
        %add3A_225 = arith.constant 2 : i32
        %add3A_226 = arith.addi %add3A_158, %add3A_225 : i32
        %mul3A_227 = arith.constant 80 : i32
        %mul3A_228 = arith.muli %add3A_226, %mul3A_227 : i32
        %add3A_229 = arith.addi %mul3A_40, %mul3A_228 : i32
        %dma_wait3A_230 = tpu.memref_slice %arg2[%add3A_229] : memref<320000xi32, #tpu.memory_space<hbm>> -> memref<80xi32, #tpu.memory_space<hbm>>
        %dma_wait3A_231 = tpu.memref_slice %arg2[%add3A_229] : memref<320000xi32, #tpu.memory_space<hbm>> -> memref<80xi32, #tpu.memory_space<hbm>>
        tpu.wait_dma2 semaphore(%arg20 : memref<!tpu.dma_semaphore, #tpu.memory_space<semaphore_mem>>) src(%dma_wait3A_231 : memref<80xi32, #tpu.memory_space<hbm>>) dst(%arg7 : memref<80xi32, #tpu.memory_space<vmem>>)
        %dma_start3A_232 = arith.constant 0 : i32
        %dma_start3A_233 = arith.constant 0 : i32
        %dma_start3A_234 = tpu.memref_slice %arg4[%dma_start3A_232, %dma_start3A_233] : memref<10240x128xf32, #tpu.memory_space<hbm>> -> memref<10240x128xf32, #tpu.memory_space<hbm>>
        tpu.enqueue_indirect_dma source(%dma_start3A_234 : memref<10240x128xf32, #tpu.memory_space<hbm>>) target(%arg13 : memref<80x128xf32, #tpu.memory_space<vmem>>) offsets(%arg7 : memref<80xi32, #tpu.memory_space<vmem>>) semaphore(%arg26 : memref<!tpu.dma_semaphore, #tpu.memory_space<semaphore_mem>>)
      } else {
      }
      %add3A_187 = arith.constant 2 : i32
      %add3A_188 = arith.addi %add3A_131, %add3A_187 : i32
      %dma_wait3A_189 = arith.constant 0 : i32
      %dma_wait3A_190 = arith.constant 0 : i32
      %dma_wait3A_191 = tpu.memref_slice %arg4[%dma_wait3A_189, %dma_wait3A_190] : memref<10240x128xf32, #tpu.memory_space<hbm>> -> memref<10240x128xf32, #tpu.memory_space<hbm>>
      tpu.wait_indirect_dma semaphore(%arg25 : memref<!tpu.dma_semaphore, #tpu.memory_space<semaphore_mem>>) src(%dma_wait3A_191 : memref<10240x128xf32, #tpu.memory_space<hbm>>) dst(%arg12 : memref<80x128xf32, #tpu.memory_space<vmem>>)
      %add3A_192 = arith.constant 3 : i32
      %add3A_193 = arith.addi %add3A_188, %add3A_192 : i32
      %le3A_194 = arith.constant 124 : i32
      %le3A_195 = arith.cmpi sle, %add3A_193, %le3A_194 : i32
      %convert_element_type3A_196 = arith.extui %le3A_195 : i1 to i32
      %cond3A_197 = arith.constant 0 : i32
      %cond3A_198 = arith.cmpi ne, %convert_element_type3A_196, %cond3A_197 : i32
      scf.if %cond3A_198 {
        %add3A_218 = arith.constant 3 : i32
        %add3A_219 = arith.addi %add3A_188, %add3A_218 : i32
        %mul3A_220 = arith.constant 80 : i32
        %mul3A_221 = arith.muli %add3A_219, %mul3A_220 : i32
        %add3A_222 = arith.addi %mul3A_40, %mul3A_221 : i32
        %dma_start3A_223 = tpu.memref_slice %arg2[%add3A_222] : memref<320000xi32, #tpu.memory_space<hbm>> -> memref<80xi32, #tpu.memory_space<hbm>>
        %dma_start3A_224 = tpu.memref_slice %arg2[%add3A_222] : memref<320000xi32, #tpu.memory_space<hbm>> -> memref<80xi32, #tpu.memory_space<hbm>>
        tpu.enqueue_dma source(%dma_start3A_224 : memref<80xi32, #tpu.memory_space<hbm>>) target(%arg6 : memref<80xi32, #tpu.memory_space<vmem>>) target_semaphore(%arg19 : memref<!tpu.dma_semaphore, #tpu.memory_space<semaphore_mem>>)
      } else {
      }
      %mul3A_199 = arith.constant 80 : i32
      %mul3A_200 = arith.muli %add3A_188, %mul3A_199 : i32
      %add3A_201 = arith.addi %mul3A_40, %mul3A_200 : i32
      %dma_wait3A_202 = tpu.memref_slice %arg3[%add3A_201] : memref<320000xi32, #tpu.memory_space<hbm>> -> memref<80xi32, #tpu.memory_space<hbm>>
      %dma_wait3A_203 = tpu.memref_slice %arg3[%add3A_201] : memref<320000xi32, #tpu.memory_space<hbm>> -> memref<80xi32, #tpu.memory_space<hbm>>
      tpu.wait_dma2 semaphore(%arg22 : memref<!tpu.dma_semaphore, #tpu.memory_space<semaphore_mem>>) src(%dma_wait3A_203 : memref<80xi32, #tpu.memory_space<hbm>>) dst(%arg9 : memref<80xi32, #tpu.memory_space<vmem>>)
      %dma_start3A_204 = arith.constant 0 : i32
      %dma_start3A_205 = arith.constant 0 : i32
      %dma_start3A_206 = tpu.memref_slice %arg17[%dma_start3A_204, %dma_start3A_205] : memref<10240x128xf32, #tpu.memory_space<vmem_shared>> -> memref<10240x128xf32, #tpu.memory_space<vmem_shared>>
      tpu.enqueue_indirect_dma source(%arg12 : memref<80x128xf32, #tpu.memory_space<vmem>>) target(%dma_start3A_206 : memref<10240x128xf32, #tpu.memory_space<vmem_shared>>) offsets(%arg9 : memref<80xi32, #tpu.memory_space<vmem>>) semaphore(%arg28 : memref<!tpu.dma_semaphore, #tpu.memory_space<semaphore_mem>>) {add = true}
      %dma_wait3A_207 = arith.constant 0 : i32
      %dma_wait3A_208 = arith.constant 0 : i32
      %dma_wait3A_209 = tpu.memref_slice %arg17[%dma_wait3A_207, %dma_wait3A_208] : memref<10240x128xf32, #tpu.memory_space<vmem_shared>> -> memref<10240x128xf32, #tpu.memory_space<vmem_shared>>
      tpu.wait_indirect_dma semaphore(%arg30 : memref<!tpu.dma_semaphore, #tpu.memory_space<semaphore_mem>>) src(%arg14 : memref<80x128xf32, #tpu.memory_space<vmem>>) dst(%dma_wait3A_209 : memref<10240x128xf32, #tpu.memory_space<vmem_shared>>)
      %add3A_210 = arith.constant 2 : i32
      %add3A_211 = arith.addi %add3A_188, %add3A_210 : i32
      %le3A_212 = arith.constant 124 : i32
      %le3A_213 = arith.cmpi sle, %add3A_211, %le3A_212 : i32
      %convert_element_type3A_214 = arith.extui %le3A_213 : i1 to i32
      %cond3A_215 = arith.constant 0 : i32
      %cond3A_216 = arith.cmpi ne, %convert_element_type3A_214, %cond3A_215 : i32
      scf.if %cond3A_216 {
        %add3A_218 = arith.constant 2 : i32
        %add3A_219 = arith.addi %add3A_188, %add3A_218 : i32
        %mul3A_220 = arith.constant 80 : i32
        %mul3A_221 = arith.muli %add3A_219, %mul3A_220 : i32
        %add3A_222 = arith.addi %mul3A_40, %mul3A_221 : i32
        %dma_start3A_223 = tpu.memref_slice %arg3[%add3A_222] : memref<320000xi32, #tpu.memory_space<hbm>> -> memref<80xi32, #tpu.memory_space<hbm>>
        %dma_start3A_224 = tpu.memref_slice %arg3[%add3A_222] : memref<320000xi32, #tpu.memory_space<hbm>> -> memref<80xi32, #tpu.memory_space<hbm>>
        tpu.enqueue_dma source(%dma_start3A_224 : memref<80xi32, #tpu.memory_space<hbm>>) target(%arg11 : memref<80xi32, #tpu.memory_space<vmem>>) target_semaphore(%arg24 : memref<!tpu.dma_semaphore, #tpu.memory_space<semaphore_mem>>)
        %add3A_225 = arith.constant 2 : i32
        %add3A_226 = arith.addi %add3A_188, %add3A_225 : i32
        %mul3A_227 = arith.constant 80 : i32
        %mul3A_228 = arith.muli %add3A_226, %mul3A_227 : i32
        %add3A_229 = arith.addi %mul3A_40, %mul3A_228 : i32
        %dma_wait3A_230 = tpu.memref_slice %arg2[%add3A_229] : memref<320000xi32, #tpu.memory_space<hbm>> -> memref<80xi32, #tpu.memory_space<hbm>>
        %dma_wait3A_231 = tpu.memref_slice %arg2[%add3A_229] : memref<320000xi32, #tpu.memory_space<hbm>> -> memref<80xi32, #tpu.memory_space<hbm>>
        tpu.wait_dma2 semaphore(%arg21 : memref<!tpu.dma_semaphore, #tpu.memory_space<semaphore_mem>>) src(%dma_wait3A_231 : memref<80xi32, #tpu.memory_space<hbm>>) dst(%arg8 : memref<80xi32, #tpu.memory_space<vmem>>)
        %dma_start3A_232 = arith.constant 0 : i32
        %dma_start3A_233 = arith.constant 0 : i32
        %dma_start3A_234 = tpu.memref_slice %arg4[%dma_start3A_232, %dma_start3A_233] : memref<10240x128xf32, #tpu.memory_space<hbm>> -> memref<10240x128xf32, #tpu.memory_space<hbm>>
        tpu.enqueue_indirect_dma source(%dma_start3A_234 : memref<10240x128xf32, #tpu.memory_space<hbm>>) target(%arg14 : memref<80x128xf32, #tpu.memory_space<vmem>>) offsets(%arg8 : memref<80xi32, #tpu.memory_space<vmem>>) semaphore(%arg27 : memref<!tpu.dma_semaphore, #tpu.memory_space<semaphore_mem>>)
      } else {
      }
      %scan3A_217 = arith.constant 0 : i32
      scf.yield %scan3A_217 : i32
    }
    %scan3A_104 = arith.constant 41 : i32
    %dma_wait3A_105 = arith.constant 0 : i32
    %dma_wait3A_106 = arith.constant 0 : i32
    %dma_wait3A_107 = tpu.memref_slice %arg4[%dma_wait3A_105, %dma_wait3A_106] : memref<10240x128xf32, #tpu.memory_space<hbm>> -> memref<10240x128xf32, #tpu.memory_space<hbm>>
    tpu.wait_indirect_dma semaphore(%arg26 : memref<!tpu.dma_semaphore, #tpu.memory_space<semaphore_mem>>) src(%dma_wait3A_107 : memref<10240x128xf32, #tpu.memory_space<hbm>>) dst(%arg13 : memref<80x128xf32, #tpu.memory_space<vmem>>)
    %add3A_108 = arith.constant 9920 : i32
    %add3A_109 = arith.addi %mul3A_40, %add3A_108 : i32
    %dma_wait3A_110 = tpu.memref_slice %arg3[%add3A_109] : memref<320000xi32, #tpu.memory_space<hbm>> -> memref<80xi32, #tpu.memory_space<hbm>>
    %dma_wait3A_111 = tpu.memref_slice %arg3[%add3A_109] : memref<320000xi32, #tpu.memory_space<hbm>> -> memref<80xi32, #tpu.memory_space<hbm>>
    tpu.wait_dma2 semaphore(%arg23 : memref<!tpu.dma_semaphore, #tpu.memory_space<semaphore_mem>>) src(%dma_wait3A_111 : memref<80xi32, #tpu.memory_space<hbm>>) dst(%arg10 : memref<80xi32, #tpu.memory_space<vmem>>)
    %dma_start3A_112 = arith.constant 0 : i32
    %dma_start3A_113 = arith.constant 0 : i32
    %dma_start3A_114 = tpu.memref_slice %arg17[%dma_start3A_112, %dma_start3A_113] : memref<10240x128xf32, #tpu.memory_space<vmem_shared>> -> memref<10240x128xf32, #tpu.memory_space<vmem_shared>>
    tpu.enqueue_indirect_dma source(%arg13 : memref<80x128xf32, #tpu.memory_space<vmem>>) target(%dma_start3A_114 : memref<10240x128xf32, #tpu.memory_space<vmem_shared>>) offsets(%arg10 : memref<80xi32, #tpu.memory_space<vmem>>) semaphore(%arg29 : memref<!tpu.dma_semaphore, #tpu.memory_space<semaphore_mem>>) {add = true}
    %dma_wait3A_115 = arith.constant 0 : i32
    %dma_wait3A_116 = arith.constant 0 : i32
    %dma_wait3A_117 = tpu.memref_slice %arg17[%dma_wait3A_115, %dma_wait3A_116] : memref<10240x128xf32, #tpu.memory_space<vmem_shared>> -> memref<10240x128xf32, #tpu.memory_space<vmem_shared>>
    tpu.wait_indirect_dma semaphore(%arg28 : memref<!tpu.dma_semaphore, #tpu.memory_space<semaphore_mem>>) src(%arg12 : memref<80x128xf32, #tpu.memory_space<vmem>>) dst(%dma_wait3A_117 : memref<10240x128xf32, #tpu.memory_space<vmem_shared>>)
    %dma_wait3A_118 = arith.constant 0 : i32
    %dma_wait3A_119 = arith.constant 0 : i32
    %dma_wait3A_120 = tpu.memref_slice %arg17[%dma_wait3A_118, %dma_wait3A_119] : memref<10240x128xf32, #tpu.memory_space<vmem_shared>> -> memref<10240x128xf32, #tpu.memory_space<vmem_shared>>
    tpu.wait_indirect_dma semaphore(%arg29 : memref<!tpu.dma_semaphore, #tpu.memory_space<semaphore_mem>>) src(%arg13 : memref<80x128xf32, #tpu.memory_space<vmem>>) dst(%dma_wait3A_120 : memref<10240x128xf32, #tpu.memory_space<vmem_shared>>)
    %barrier3A_121 = arith.constant 0 : index
    tpu.barrier barrier_id(%barrier3A_121)
    %mul3A_122 = arith.constant 640 : i32
    %mul3A_123 = arith.muli %arg1, %mul3A_122 : i32
    %mul3A_124 = arith.constant 640 : i32
    %mul3A_125 = arith.muli %arg1, %mul3A_124 : i32
    "tpu.region"() ({
      %run_scoped3A = tpu.sem_alloc : memref<!tpu.dma_semaphore, #tpu.memory_space<semaphore_mem>>
      %dma_start3A_126 = arith.constant 0 : i32
      %dma_start3A_127 = tpu.memref_slice %arg5[%arg0, %mul3A_125, %dma_start3A_126] : memref<2x10240x128xf32, #tpu.memory_space<hbm>> -> memref<1x640x128xf32, #tpu.memory_space<hbm>>
      %dma_start3A_128 = tpu.memref_squeeze %dma_start3A_127 : memref<1x640x128xf32, #tpu.memory_space<hbm>> -> memref<640x128xf32, #tpu.memory_space<hbm>>
      %dma_start3A_129 = arith.constant 0 : i32
      %dma_start3A_130 = tpu.memref_slice %arg17[%mul3A_123, %dma_start3A_129] : memref<10240x128xf32, #tpu.memory_space<vmem_shared>> -> memref<640x128xf32, #tpu.memory_space<vmem_shared>>
      tpu.enqueue_dma source(%dma_start3A_130 : memref<640x128xf32, #tpu.memory_space<vmem_shared>>) target(%dma_start3A_128 : memref<640x128xf32, #tpu.memory_space<hbm>>) target_semaphore(%run_scoped3A : memref<!tpu.dma_semaphore, #tpu.memory_space<semaphore_mem>>)
      %dma_wait3A_131 = arith.constant 0 : i32
      %dma_wait3A_132 = tpu.memref_slice %arg5[%arg0, %mul3A_125, %dma_wait3A_131] : memref<2x10240x128xf32, #tpu.memory_space<hbm>> -> memref<1x640x128xf32, #tpu.memory_space<hbm>>
      %dma_wait3A_133 = tpu.memref_squeeze %dma_wait3A_132 : memref<1x640x128xf32, #tpu.memory_space<hbm>> -> memref<640x128xf32, #tpu.memory_space<hbm>>
      %dma_wait3A_134 = arith.constant 0 : i32
      %dma_wait3A_135 = tpu.memref_slice %arg17[%mul3A_123, %dma_wait3A_134] : memref<10240x128xf32, #tpu.memory_space<vmem_shared>> -> memref<640x128xf32, #tpu.memory_space<vmem_shared>>
      tpu.wait_dma2 semaphore(%run_scoped3A : memref<!tpu.dma_semaphore, #tpu.memory_space<semaphore_mem>>) src(%dma_wait3A_135 : memref<640x128xf32, #tpu.memory_space<vmem_shared>>) dst(%dma_wait3A_133 : memref<640x128xf32, #tpu.memory_space<hbm>>)
      tpu.yield
    }) : () -> ()
    return
  }
}

module attributes {stable_mosaic.version = 14 : i64} {
  func.func @_dense_r_body(%arg0: i32, %arg1: memref<512x128xf32, #tpu.memory_space<vmem>>, %arg2: memref<128x128xf32, #tpu.memory_space<vmem>>, %arg3: memref<1x128xf32, #tpu.memory_space<vmem>>, %arg4: memref<512x128xf32, #tpu.memory_space<vmem>>) attributes {dimension_semantics = [#tpu.dimension_semantics<arbitrary>], iteration_bounds = array<i64: 20>, scalar_prefetch = 0 : i64, scratch_operands = 0 : i64, tpu.core_type = #tpu.core_type<tc>, window_params = [{transform_indices = @transform_0, window_bounds = array<i64: 512, 128>}, {pipeline_mode = #tpu.pipeline_mode<synchronous>, transform_indices = @transform_1, window_bounds = array<i64: 128, 128>}, {pipeline_mode = #tpu.pipeline_mode<synchronous>, transform_indices = @transform_2, window_bounds = array<i64: 1, 128>}, {transform_indices = @transform_3, window_bounds = array<i64: 512, 128>}]} {
    %get3A = arith.constant 0 : index
    %get3A_0 = arith.constant 0 : index
    %get3A_1 = vector.load %arg1[%get3A, %get3A_0] : memref<512x128xf32, #tpu.memory_space<vmem>>, vector<512x128xf32>
    %get3A_2 = arith.constant 0 : index
    %get3A_3 = arith.constant 0 : index
    %get3A_4 = vector.load %arg2[%get3A_2, %get3A_3] : memref<128x128xf32, #tpu.memory_space<vmem>>, vector<128x128xf32>
    %dot_general3A = arith.constant dense<0.000000e+00> : vector<512x128xf32>
    %dot_general3A_5 = tpu.matmul %get3A_1, %get3A_4, %dot_general3A {dimension_numbers = #tpu.dot_dimension_numbers<[1], [0], [0], [1], [0, 0, 1, 1], [], []>, transpose_lhs_hint = false} : vector<512x128xf32>, vector<128x128xf32>, vector<512x128xf32> -> vector<512x128xf32>
    %get3A_6 = arith.constant 0 : index
    %get3A_7 = arith.constant 0 : index
    %get3A_8 = vector.load %arg3[%get3A_6, %get3A_7] : memref<1x128xf32, #tpu.memory_space<vmem>>, vector<1x128xf32>
    %add3A = vector.broadcast %get3A_8 : vector<1x128xf32> to vector<512x128xf32>
    %add3A_9 = arith.addf %dot_general3A_5, %add3A : vector<512x128xf32>
    %swap3A = arith.constant 0 : index
    %swap3A_10 = arith.constant 0 : index
    %swap3A_11 = vector.load %arg4[%swap3A, %swap3A_10] : memref<512x128xf32, #tpu.memory_space<vmem>>, vector<512x128xf32>
    tpu.vector_store %arg4[%swap3A, %swap3A_10], %add3A_9 {strides = array<i32>} : memref<512x128xf32, #tpu.memory_space<vmem>>, vector<512x128xf32>,
    return
  }
  func.func @transform_0(%arg0: i32) -> (i32, i32) {
    %c0_i32 = arith.constant 0 : i32
    %c0_i32_0 = arith.constant 0 : i32
    return %arg0, %c0_i32 : i32, i32
  }
  func.func @transform_1(%arg0: i32) -> (i32, i32) {
    %c0_i32 = arith.constant 0 : i32
    %c0_i32_0 = arith.constant 0 : i32
    %c0_i32_1 = arith.constant 0 : i32
    return %c0_i32, %c0_i32_0 : i32, i32
  }
  func.func @transform_2(%arg0: i32) -> (i32, i32) {
    %c0_i32 = arith.constant 0 : i32
    %c0_i32_0 = arith.constant 0 : i32
    %c0_i32_1 = arith.constant 0 : i32
    return %c0_i32, %c0_i32_0 : i32, i32
  }
  func.func @transform_3(%arg0: i32) -> (i32, i32) {
    %c0_i32 = arith.constant 0 : i32
    %c0_i32_0 = arith.constant 0 : i32
    return %arg0, %c0_i32 : i32, i32
  }
}

module attributes {stable_mosaic.version = 14 : i64} {
  func.func @body(%arg0: i32, %arg1: memref<2x512x128xf32, #tpu.memory_space<vmem>>, %arg2: memref<2x512xf32, #tpu.memory_space<vmem>>, %arg3: memref<512x128xf32, #tpu.memory_space<vmem>>, %arg4: memref<128x128xf32, #tpu.memory_space<vmem>>, %arg5: memref<512x128xf32, #tpu.memory_space<vmem>>) attributes {dimension_semantics = [#tpu.dimension_semantics<arbitrary>], iteration_bounds = array<i64: 20>, scalar_prefetch = 0 : i64, scratch_operands = 0 : i64, tpu.core_type = #tpu.core_type<tc>, window_params = [{transform_indices = @transform_0, window_bounds = array<i64: 2, 512, 128>}, {transform_indices = @transform_1, window_bounds = array<i64: 2, 512>}, {transform_indices = @transform_2, window_bounds = array<i64: 512, 128>}, {pipeline_mode = #tpu.pipeline_mode<synchronous>, transform_indices = @transform_3, window_bounds = array<i64: 128, 128>}, {transform_indices = @transform_4, window_bounds = array<i64: 512, 128>}]} {
    %get3A = arith.constant 0 : index
    %get3A_0 = arith.constant 0 : index
    %get3A_1 = vector.load %arg2[%get3A, %get3A_0] : memref<2x512xf32, #tpu.memory_space<vmem>>, vector<1x512xf32>
    %get3A_2 = vector.shape_cast %get3A_1 : vector<1x512xf32> to vector<512xf32>
    %get3A_3 = arith.constant 1 : index
    %get3A_4 = arith.constant 0 : index
    %get3A_5 = vector.load %arg2[%get3A_3, %get3A_4] : memref<2x512xf32, #tpu.memory_space<vmem>>, vector<1x512xf32>
    %get3A_6 = vector.shape_cast %get3A_5 : vector<1x512xf32> to vector<512xf32>
    %add3A = arith.addf %get3A_2, %get3A_6 : vector<512xf32>
    %jit3A = arith.constant 1.000000e+00 : f32
    %max3A = vector.broadcast %jit3A : f32 to vector<512xf32>
    %max3A_7 = arith.maximumf %max3A, %add3A : vector<512xf32>
    %div3A = arith.constant 1.000000e+00 : f32
    %div3A_8 = vector.broadcast %div3A : f32 to vector<512xf32>
    %div3A_9 = arith.divf %div3A_8, %max3A_7 : vector<512xf32>
    %get3A_10 = arith.constant 0 : index
    %get3A_11 = arith.constant 0 : index
    %get3A_12 = arith.constant 0 : index
    %get3A_13 = vector.load %arg1[%get3A_10, %get3A_11, %get3A_12] : memref<2x512x128xf32, #tpu.memory_space<vmem>>, vector<1x512x128xf32>
    %get3A_14 = vector.shape_cast %get3A_13 : vector<1x512x128xf32> to vector<512x128xf32>
    %get3A_15 = arith.constant 1 : index
    %get3A_16 = arith.constant 0 : index
    %get3A_17 = arith.constant 0 : index
    %get3A_18 = vector.load %arg1[%get3A_15, %get3A_16, %get3A_17] : memref<2x512x128xf32, #tpu.memory_space<vmem>>, vector<1x512x128xf32>
    %get3A_19 = vector.shape_cast %get3A_18 : vector<1x512x128xf32> to vector<512x128xf32>
    %add3A_20 = arith.addf %get3A_14, %get3A_19 : vector<512x128xf32>
    %broadcast_in_dim3A = vector.shape_cast %div3A_9 : vector<512xf32> to vector<512x1xf32>
    %mul3A = vector.broadcast %broadcast_in_dim3A : vector<512x1xf32> to vector<512x128xf32>
    %mul3A_21 = arith.mulf %add3A_20, %mul3A : vector<512x128xf32>
    %get3A_22 = arith.constant 0 : index
    %get3A_23 = arith.constant 0 : index
    %get3A_24 = vector.load %arg4[%get3A_22, %get3A_23] : memref<128x128xf32, #tpu.memory_space<vmem>>, vector<128x128xf32>
    %dot_general3A = arith.constant dense<0.000000e+00> : vector<512x128xf32>
    %dot_general3A_25 = tpu.matmul %mul3A_21, %get3A_24, %dot_general3A {dimension_numbers = #tpu.dot_dimension_numbers<[1], [0], [0], [1], [0, 0, 1, 1], [], []>, transpose_lhs_hint = false} : vector<512x128xf32>, vector<128x128xf32>, vector<512x128xf32> -> vector<512x128xf32>
    %get3A_26 = arith.constant 0 : index
    %get3A_27 = arith.constant 0 : index
    %get3A_28 = vector.load %arg3[%get3A_26, %get3A_27] : memref<512x128xf32, #tpu.memory_space<vmem>>, vector<512x128xf32>
    %add3A_29 = arith.addf %dot_general3A_25, %get3A_28 : vector<512x128xf32>
    %max3A_30 = arith.constant 0.000000e+00 : f32
    %max3A_31 = vector.broadcast %max3A_30 : f32 to vector<512x128xf32>
    %max3A_32 = arith.maximumf %add3A_29, %max3A_31 : vector<512x128xf32>
    %swap3A = arith.constant 0 : index
    %swap3A_33 = arith.constant 0 : index
    %swap3A_34 = vector.load %arg5[%swap3A, %swap3A_33] : memref<512x128xf32, #tpu.memory_space<vmem>>, vector<512x128xf32>
    tpu.vector_store %arg5[%swap3A, %swap3A_33], %max3A_32 {strides = array<i32>} : memref<512x128xf32, #tpu.memory_space<vmem>>, vector<512x128xf32>,
    return
  }
  func.func @transform_0(%arg0: i32) -> (i32, i32, i32) {
    %c0_i32 = arith.constant 0 : i32
    %c0_i32_0 = arith.constant 0 : i32
    %c0_i32_1 = arith.constant 0 : i32
    return %c0_i32, %arg0, %c0_i32_0 : i32, i32, i32
  }
  func.func @transform_1(%arg0: i32) -> (i32, i32) {
    %c0_i32 = arith.constant 0 : i32
    %c0_i32_0 = arith.constant 0 : i32
    return %c0_i32, %arg0 : i32, i32
  }
  func.func @transform_2(%arg0: i32) -> (i32, i32) {
    %c0_i32 = arith.constant 0 : i32
    %c0_i32_0 = arith.constant 0 : i32
    return %arg0, %c0_i32 : i32, i32
  }
  func.func @transform_3(%arg0: i32) -> (i32, i32) {
    %c0_i32 = arith.constant 0 : i32
    %c0_i32_0 = arith.constant 0 : i32
    %c0_i32_1 = arith.constant 0 : i32
    return %c0_i32, %c0_i32_0 : i32, i32
  }
  func.func @transform_4(%arg0: i32) -> (i32, i32) {
    %c0_i32 = arith.constant 0 : i32
    %c0_i32_0 = arith.constant 0 : i32
    return %arg0, %c0_i32 : i32, i32
  }
}

module attributes {stable_mosaic.version = 14 : i64} {
  func.func @body(%arg0: i32, %arg1: memref<2x512x128xf32, #tpu.memory_space<vmem>>, %arg2: memref<2x512xf32, #tpu.memory_space<vmem>>, %arg3: memref<512x128xf32, #tpu.memory_space<vmem>>, %arg4: memref<128x128xf32, #tpu.memory_space<vmem>>, %arg5: memref<512x128xf32, #tpu.memory_space<vmem>>) attributes {dimension_semantics = [#tpu.dimension_semantics<arbitrary>], iteration_bounds = array<i64: 20>, scalar_prefetch = 0 : i64, scratch_operands = 0 : i64, tpu.core_type = #tpu.core_type<tc>, window_params = [{transform_indices = @transform_0, window_bounds = array<i64: 2, 512, 128>}, {transform_indices = @transform_1, window_bounds = array<i64: 2, 512>}, {transform_indices = @transform_2, window_bounds = array<i64: 512, 128>}, {pipeline_mode = #tpu.pipeline_mode<synchronous>, transform_indices = @transform_3, window_bounds = array<i64: 128, 128>}, {transform_indices = @transform_4, window_bounds = array<i64: 512, 128>}]} {
    %get3A = arith.constant 0 : index
    %get3A_0 = arith.constant 0 : index
    %get3A_1 = vector.load %arg2[%get3A, %get3A_0] : memref<2x512xf32, #tpu.memory_space<vmem>>, vector<1x512xf32>
    %get3A_2 = vector.shape_cast %get3A_1 : vector<1x512xf32> to vector<512xf32>
    %get3A_3 = arith.constant 1 : index
    %get3A_4 = arith.constant 0 : index
    %get3A_5 = vector.load %arg2[%get3A_3, %get3A_4] : memref<2x512xf32, #tpu.memory_space<vmem>>, vector<1x512xf32>
    %get3A_6 = vector.shape_cast %get3A_5 : vector<1x512xf32> to vector<512xf32>
    %add3A = arith.addf %get3A_2, %get3A_6 : vector<512xf32>
    %jit3A = arith.constant 1.000000e+00 : f32
    %max3A = vector.broadcast %jit3A : f32 to vector<512xf32>
    %max3A_7 = arith.maximumf %max3A, %add3A : vector<512xf32>
    %div3A = arith.constant 1.000000e+00 : f32
    %div3A_8 = vector.broadcast %div3A : f32 to vector<512xf32>
    %div3A_9 = arith.divf %div3A_8, %max3A_7 : vector<512xf32>
    %get3A_10 = arith.constant 0 : index
    %get3A_11 = arith.constant 0 : index
    %get3A_12 = arith.constant 0 : index
    %get3A_13 = vector.load %arg1[%get3A_10, %get3A_11, %get3A_12] : memref<2x512x128xf32, #tpu.memory_space<vmem>>, vector<1x512x128xf32>
    %get3A_14 = vector.shape_cast %get3A_13 : vector<1x512x128xf32> to vector<512x128xf32>
    %get3A_15 = arith.constant 1 : index
    %get3A_16 = arith.constant 0 : index
    %get3A_17 = arith.constant 0 : index
    %get3A_18 = vector.load %arg1[%get3A_15, %get3A_16, %get3A_17] : memref<2x512x128xf32, #tpu.memory_space<vmem>>, vector<1x512x128xf32>
    %get3A_19 = vector.shape_cast %get3A_18 : vector<1x512x128xf32> to vector<512x128xf32>
    %add3A_20 = arith.addf %get3A_14, %get3A_19 : vector<512x128xf32>
    %broadcast_in_dim3A = vector.shape_cast %div3A_9 : vector<512xf32> to vector<512x1xf32>
    %mul3A = vector.broadcast %broadcast_in_dim3A : vector<512x1xf32> to vector<512x128xf32>
    %mul3A_21 = arith.mulf %add3A_20, %mul3A : vector<512x128xf32>
    %get3A_22 = arith.constant 0 : index
    %get3A_23 = arith.constant 0 : index
    %get3A_24 = vector.load %arg4[%get3A_22, %get3A_23] : memref<128x128xf32, #tpu.memory_space<vmem>>, vector<128x128xf32>
    %dot_general3A = arith.constant dense<0.000000e+00> : vector<512x128xf32>
    %dot_general3A_25 = tpu.matmul %mul3A_21, %get3A_24, %dot_general3A {dimension_numbers = #tpu.dot_dimension_numbers<[1], [0], [0], [1], [0, 0, 1, 1], [], []>, transpose_lhs_hint = false} : vector<512x128xf32>, vector<128x128xf32>, vector<512x128xf32> -> vector<512x128xf32>
    %get3A_26 = arith.constant 0 : index
    %get3A_27 = arith.constant 0 : index
    %get3A_28 = vector.load %arg3[%get3A_26, %get3A_27] : memref<512x128xf32, #tpu.memory_space<vmem>>, vector<512x128xf32>
    %add3A_29 = arith.addf %dot_general3A_25, %get3A_28 : vector<512x128xf32>
    %swap3A = arith.constant 0 : index
    %swap3A_30 = arith.constant 0 : index
    %swap3A_31 = vector.load %arg5[%swap3A, %swap3A_30] : memref<512x128xf32, #tpu.memory_space<vmem>>, vector<512x128xf32>
    tpu.vector_store %arg5[%swap3A, %swap3A_30], %add3A_29 {strides = array<i32>} : memref<512x128xf32, #tpu.memory_space<vmem>>, vector<512x128xf32>,
    return
  }
  func.func @transform_0(%arg0: i32) -> (i32, i32, i32) {
    %c0_i32 = arith.constant 0 : i32
    %c0_i32_0 = arith.constant 0 : i32
    %c0_i32_1 = arith.constant 0 : i32
    return %c0_i32, %arg0, %c0_i32_0 : i32, i32, i32
  }
  func.func @transform_1(%arg0: i32) -> (i32, i32) {
    %c0_i32 = arith.constant 0 : i32
    %c0_i32_0 = arith.constant 0 : i32
    return %c0_i32, %arg0 : i32, i32
  }
  func.func @transform_2(%arg0: i32) -> (i32, i32) {
    %c0_i32 = arith.constant 0 : i32
    %c0_i32_0 = arith.constant 0 : i32
    return %arg0, %c0_i32 : i32, i32
  }
  func.func @transform_3(%arg0: i32) -> (i32, i32) {
    %c0_i32 = arith.constant 0 : i32
    %c0_i32_0 = arith.constant 0 : i32
    %c0_i32_1 = arith.constant 0 : i32
    return %c0_i32, %c0_i32_0 : i32, i32
  }
  func.func @transform_4(%arg0: i32) -> (i32, i32) {
    %c0_i32 = arith.constant 0 : i32
    %c0_i32_0 = arith.constant 0 : i32
    return %arg0, %c0_i32 : i32, i32
  }
}

</mosaic_0001>

<sc_bundles>
// kernel: kernel.11.cloned.1.call-start
scs
__scs_entry_jumppad:
0x0: {  	(pc) =	sbr.rel $0x88, $3  }
0x1: {  	(tag) =	ssettag $0x0;
	lr =	simm.s32 $0x1  }
0x2: {  	[smem:$0x3F99] =	sst lr;
	_ =	strace $0xD0000000  }
0x3: {  	_ = 	snop  }
0x4: {  	_ = 	snop  }
0x5: {  	_ = 	snop  }
0x6: {  	_ = 	snop  }
0x7: {  	_ = 	snop  }
__scs_overlays_trampoline_lowered:
0x8: {  	[smem:$0x3FA8] =	sst s0  }
0x9: {  	[smem:$0x3FA9] =	sst s1  }
0xa: {  	[smem:$0x3FAA] =	sst s2  }
0xb: {  	[smem:$0x3FAB] =	sst s3  }
0xc: {  	[smem:$0x3FAC] =	sst s4  }
0xd: {  	[smem:$0x3FAD] =	sst s5  }
0xe: {  	[smem:$0x3FAE] =	sst s6  }
0xf: {  	[smem:$0x3FAF] =	sst s7  }
0x10: {  	[smem:$0x3FB0] =	sst s8  }
0x11: {  	[smem:$0x3FB1] =	sst s9;
	s0 =	simm.s32 @!p0 $0x0  }
0x12: {  	s1 =	sld [smem:$0x3F97];
	s0 =	simm.s32 @p0 $0x1  }
0x13: {  	[smem:$0x3FB2] =	sst s0;
	s0 =	simm.s32 @!p1 $0x0  }
0x14: {  	s2 =	sld [smem:$0x3F96];
	s0 =	simm.s32 @p1 $0x1  }
0x15: {  	[smem:$0x3FB3] =	sst s0;
	s0 =	simm.s32 @!p2 $0x0  }
0x16: {  	s3 =	sld [smem:$0x3FDB];
	s0 =	simm.s32 @p2 $0x1  }
0x17: {  	s4 =	simm.s32 $0x1BF5;
	[smem:$0x3FB5] =	sst s0  }
0x18: {  	s0 =	sld [smem:$0x3F98];
	_ =	swait.ge [sflag:s4], $0x0  }
0x19: {  	s7 =	sld [smem:$0x3F99]  }
0x1a: {  	s8 =	sadd.s32 $0xFFFFE003, lr  }
0x1b: {  	s9 =	sadd.s32 $0xFFFFFEF7, lr;
	s5 =	simm.s32 $0xFFFFFFFF;
	p2 =	slt.u32 s8, $0xFFFFF086  }
0x1c: {  	p1 =	slt.u32 s9, $0xF7A;
	s5 =	simm.s32 @!p2 $0x0  }
0x1d: {  	s5 =	simm.s32 @p1 $0x1;
	p0 =	seq.s32 s7, s2  }
0x1e: {  	s7 =	smul.u32 @!p0 $0xF7A, s2;
	p2 =	seq.s32 @!p0 s5, $0x0  }
0x1f: {  	s9 =	smul.u32 $0xF7A, s1;
	s8 =	simm.s32 @!p0 $0x1BF5;
	p2 =	por !p2, p0  }
0x20: {  	[sflag:s8] =	ssyncset.s32 @!p0 $0xFFFFF086;
	s6 =	sadd.s32 @!p0 s3, s7;
	s7 =	simm.s32 @!p0 $0x108  }
0x21: {  	s3 =	sadd.s32 s3, s9;
	s6 =	sadd.s32 @!p0 $0x88, s6;
	s7 =	simm.s32 @p2 $0x1082  }
0x22: {  	[simem:s7], [sflag:s8] =	dma.local @!p0 [hbm:s6], $0xF7A  }
0x23: {  	s9 =	sor.u32 $0xD0000000, s2;
	s6 =	simm.s32 $0x108;
	_ =	swait.ge @!p0 [sflag:s8], $0x0  }
0x24: {  	s3 =	sadd.s32 $0x88, s3;
	s6 =	simm.s32 @!p1 $0x1082;
	[sflag:s4] =	ssyncset.s32 $0xFFFFF086  }
0x25: {  	[simem:s6], [sflag:s4] =	dma.local [hbm:s3], $0xF7A  }
0x26: {  	[smem:$0x3F99] =	sst s1;
	(tag) =	ssettag s2;
	_ =	strace s9  }
0x27: {  	s1 =	sld [smem:$0x3FA9]  }
0x28: {  	s2 =	sld [smem:$0x3FAA]  }
0x29: {  	s4 =	sld [smem:$0x3FAC]  }
0x2a: {  	p0 =	seq.s32 s5, $0x0;
	s5 =	sld [smem:$0x3FAD]  }
0x2b: {  	s6 =	sld [smem:$0x3FAE]  }
0x2c: {  	s7 =	sld [smem:$0x3FAF]  }
0x2d: {  	s3 =	simm.s32 $0x108;
	s8 =	sld [smem:$0x3FB0]  }
0x2e: {  	s3 =	simm.s32 @!p0 $0x1082;
	s9 =	sld [smem:$0x3FB1]  }
0x2f: {  	lr =	sadd.s32 s0, s3;
	s0 =	sld [smem:$0x3FA8]  }
0x30: {  	s3 =	sld [smem:$0x3FAB]  }
0x31: {  	[smem:$0x3FB4] =	sst s10  }
0x32: {  	s10 =	sld [smem:$0x3FB2];
	_ =	sdelay $0x3  }
0x33: {  	p0 =	seq.s32 s10, $0x1;
	s10 =	sld [smem:$0x3FB4];
	_ =	sdelay $0x3  }
0x34: {  	[smem:$0x3FB4] =	sst s10  }
0x35: {  	s10 =	sld [smem:$0x3FB3];
	_ =	sdelay $0x3  }
0x36: {  	p1 =	seq.s32 s10, $0x1;
	s10 =	sld [smem:$0x3FB4];
	_ =	sdelay $0x3  }
0x37: {  	[smem:$0x3FB4] =	sst s10  }
0x38: {  	s10 =	sld [smem:$0x3FB5]  }
0x39: {  	_ = 	snop;
	(pc) =	sbr.ind lr, $3  }
0x3a: {  	_ = 	snop  }
0x3b: {  	_ = 	snop  }
0x3c: {  	p2 =	seq.s32 s10, $0x1;
	s10 =	sld [smem:$0x3FB4]  }
0x3d: {  	_ =	shalt  }
0x3e: {  	_ =	shalt  }
0x3f: {  	_ =	shalt  }
0x40: {  	_ =	shalt  }
0x41: {  	_ =	shalt  }
0x42: {  	_ =	shalt  }
0x43: {  	_ =	shalt  }
0x44: {  	_ =	shalt  }
0x45: {  	_ =	shalt  }
0x46: {  	_ =	shalt  }
0x47: {  	_ =	shalt  }
0x48: {  	_ =	shalt  }
0x49: {  	_ =	shalt  }
0x4a: {  	_ =	shalt  }
0x4b: {  	_ =	shalt  }
0x4c: {  	_ =	shalt  }
0x4d: {  	_ =	shalt  }
0x4e: {  	_ =	shalt  }
0x4f: {  	_ =	shalt  }
0x50: {  	_ =	shalt  }
0x51: {  	_ =	shalt  }
0x52: {  	_ =	shalt  }
0x53: {  	_ =	shalt  }
0x54: {  	_ =	shalt  }
0x55: {  	_ =	shalt  }
0x56: {  	_ =	shalt  }
0x57: {  	_ =	shalt  }
0x58: {  	_ =	shalt  }
0x59: {  	_ =	shalt  }
0x5a: {  	_ =	shalt  }
0x5b: {  	_ =	shalt  }
0x5c: {  	_ =	shalt  }
0x5d: {  	_ =	shalt  }
0x5e: {  	_ =	shalt  }
0x5f: {  	_ =	shalt  }
0x60: {  	_ =	shalt  }
0x61: {  	_ =	shalt  }
0x62: {  	_ =	shalt  }
0x63: {  	_ =	shalt  }
0x64: {  	_ =	shalt  }
0x65: {  	_ =	shalt  }
0x66: {  	_ =	shalt  }
0x67: {  	_ =	shalt  }
0x68: {  	_ =	shalt  }
0x69: {  	_ =	shalt  }
0x6a: {  	_ =	shalt  }
0x6b: {  	_ =	shalt  }
0x6c: {  	_ =	shalt  }
0x6d: {  	_ =	shalt  }
0x6e: {  	_ =	shalt  }
0x6f: {  	_ =	shalt  }
0x70: {  	_ =	shalt  }
0x71: {  	_ =	shalt  }
0x72: {  	_ =	shalt  }
0x73: {  	_ =	shalt  }
0x74: {  	_ =	shalt  }
0x75: {  	_ =	shalt  }
0x76: {  	_ =	shalt  }
0x77: {  	_ =	shalt  }
0x78: {  	_ =	shalt  }
0x79: {  	_ =	shalt  }
0x7a: {  	_ =	shalt  }
0x7b: {  	_ =	shalt  }
0x7c: {  	_ =	shalt  }
0x7d: {  	_ =	shalt  }
0x7e: {  	_ =	shalt  }
0x7f: {  	_ =	shalt  }
0x80: {  	_ =	shalt  }
0x81: {  	_ =	shalt  }
0x82: {  	_ =	shalt  }
0x83: {  	_ =	shalt  }
0x84: {  	_ =	shalt  }
0x85: {  	_ =	shalt  }
0x86: {  	_ =	shalt  }
0x87: {  	_ =	shalt  }
.Lfunc_end0:
.L_simem_size_0:
called_computation.1_lowered:
.L_overlay_start_0:
0x88: {  	s2 =	sld [smem:$0x3FD9]  }
0x89: {  	s3 =	sld [smem:$0x3FFE];
	_ =	sdelay $0x1  }
0x8a: {  	s1 =	srdreg.scid  }
0x8b: {  	s0 =	sand.u32 $0x1, s1  }
0x8c: {  	s17 =	sshll.u32 s0, $0xA;
	s2 =	sadd.s32 s3, s2  }
0x8d: {  	s2 =	sadd.s32 s2, s17  }
0x8e: {  	[smem:$0x3FC0] =	sst s2  }
0x8f: {  	_ = 	snop  }
0x90: {  	s2 =	sld [smem:$0x3FD0];
	(tm) =	ssettm $0x1  }
0x91: {  	s18 =	sld [smem:$0x3FFB];
	_ =	sdelay $0x3  }
0x92: {  	_ =	strace s18  }
0x93: {  	s3 =	sld [smem:$0x3FFC];
	_ =	sdelay $0x3  }
0x94: {  	_ =	strace s3  }
0x95: {  	s3 =	sld [smem:$0x3FFD];
	_ =	sdelay $0x3  }
0x96: {  	_ =	strace s3  }
0x97: {  	_ =	strace $0x8FFFFFFF  }
0x98: {  	s19 =	sld [smem:$0x3FDB];
	_ =	sdelay $0x1  }
0x99: {  	s4 =	simm.s32 $_scs_section_size  }
0x9a: {  	s5 =	simm.s32 $_size__tile_overlayer_lowered;
	s6 =	simm.s32 $_tile_overlayer_lowered  }
0x9b: {  	s22 =	simm.s32 $0x1BFF;
	s21 =	sshll.u32 s6, $0x1;
	s3 =	sadd.s32 s4, s19  }
0x9c: {  	s7 =	simm.s32 $0x0;
	s20 =	sshll.u32 s5, $0x1;
	s5 =	sadd.s32 s21, s3  }
0x9d: {  	[timem:s7], [sflag:s22] =	dma.local [hbm:s5], s20  }
0x9e: {  	_ =	swait.ge [sflag:s22], s20  }
0x9f: {  	s4 =	ssub.s32 $0x0, s20;
	[sflag:s22] =	ssyncset.done $0x0  }
0xa0: {  	[sflag:s22] =	ssyncadd.s32 s4;
	_ =	sdelay $0x1  }
0xa1: {  	s23 =	simm.s32 $0x1B8B  }
0xa2: {  	_ =	swait.ge [sflag:s23], $0x1  }
0xa3: {  	[sflag:s23] =	ssyncset.done $0x0  }
0xa4: {  	s25 =	simm.s32 $0x1B8E;
	s24 =	sld [smem:$0x3FFE];
	[sflag:s23] =	ssyncadd.s32 $0xFFFFFFFF  }
0xa5: {  	s26 =	simm.s32 $execute0_lowered;
	[smem:$0x3FD2] =	sst s25  }
0xa6: {  	s5 =	sshll.u32 s26, $0x1;
	_ =	strace $0x80000049;
	[dreg:$0x1] =	wrdreg $0xFFFFFFFF  }
0xa7: {  	s28 =	simm.s32 $_size_execute0_lowered;
	s3 =	sadd.s32 s3, s5;
	[dreg:$0x0] =	wrdreg $0x0  }
0xa8: {  	s5 =	sshll.u32 s28, $0x1;
	[dreg:$0x2] =	wrdreg s3  }
0xa9: {  	[dreg:$0x3] =	wrdreg s5  }
0xaa: {  	[dreg:$0x4] =	wrdreg $0xC0  }
0xab: {  	_ =	task [dreg:s7], $0x5FFFF  }
0xac: {  	[dreg:$0x1] =	wrdreg $0xFFFFFFFF  }
0xad: {  	[dreg:$0x0] =	wrdreg $0x60  }
0xae: {  	[dreg:$0x2] =	wrdreg s24  }
0xaf: {  	[dreg:$0x3] =	wrdreg s2  }
0xb0: {  	[dreg:$0x4] =	wrdreg $0x7B000  }
0xb1: {  	[dreg:$0x5] =	wrdreg $0x9  }
0xb2: {  	_ =	task.clear_ibuf [dreg:s7], $0x6FFFF;
	_ =	strace $0x90000049  }
0xb3: {  	s29 =	simm.s32 $0x9;
	_ =	strace $0x8000004B  }
0xb4: {  	_ =	swait.ge [sflag:s29], $0x1  }
0xb5: {  	[sflag:s29] =	ssyncadd.s32 $0xFFFFFFFF  }
0xb6: {  	_ =	strace $0x9000004B  }
0xb7: {  	_ =	sfence  }
0xb8: {  	s30 =	sld [smem:$0x0];
	_ =	sdelay $0x2  }
0xb9: {  	s31 =	sshll.u32 s1, $0xD;
	s1 =	sshrl.u32 s1, $0x2  }
0xba: {  	s3 =	sand.u32 $0x4000, s31;
	s1 =	sadd.s32 s1, s30  }
0xbb: {  	s0 =	sor.u32 s3, s0;
	s1 =	sshll.u32 s1, $0x11  }
0xbc: {  	s0 =	sor.u32 s1, s0  }
0xbd: {  	s0 =	sadd.s32 $0x8F2B, s0  }
0xbe: {  	[sflag:s0] =	ssyncadd.remote.s32 $0x1  }
0xbf: {  	_ =	sfence.sel $0xFFFF  }
0xc0: {  	[dreg:$0x0] =	wrdreg $0xFFFFFFFF;
	(pc) =	sbr.abs _section_cstart, $3  }
0xc1: {  	[dreg:$0x1] =	wrdreg $0xFFFFFFFF  }
0xc2: {  	_ =	task.clear_ibuf [dreg:s7], $0x2FFFF;
	_ =	strace $0x9FFFFFFF  }
0xc3: {  	(tm) =	ssettm $0x7FFFFFFF  }
tec
execute0_lowered:
.L_overlay_start_1:
0x0: {  	(tag) =	ssettag $0x1  }
0x1: {  	s0 =	rddreg [dreg:$0x0]  }
0x2: {  	s11 =	rddreg [dreg:$0x1]  }
0x3: {  	s1 =	srdreg.scid;
	s3 =	rddreg [dreg:$0x2]  }
0x4: {  	s10 =	stileid.u32;
	s4 =	simm.s32 $0x0;
	s30 =	simm.s32 $0x300  }
0x5: {  	s28 =	simm.s32 $0x6;
	s29 =	simm.s32 $0xB;
	s5 =	smul.u32 $0x14000, s10  }
0x6: {  	s1 =	sand.u32 $0x1, s1;
	[smem:$0x7FF] =	sst s4;
	s7 =	smul.u32 $0x50000, s10  }
0x7: {  	s6 =	sadd.s32 $0x2400, s0;
	s8 =	sshll.u32 s10, $0x1;
	s24 =	smul.u32 $0x4E20, s10  }
0x8: {  	s2 =	smul.u32 $0x140000, s1;
	_ =	strace $0x8000004A;
	s17 =	ssub.s32 $0x2, s1  }
0x9: {  	s8 =	sor.u32 s1, s8;
	s1 =	smul.u32 $0x2710, s1;
	s9 =	sshrl.u32 s17, $0x1  }
0xa: {  	s7 =	sshrl.u32 s7, $0x2;
	s18 =	smul.u32 $0x2710, s8;
	s8 =	simm.s32 $0xD  }
0xb: {  	s2 =	sadd.s32 s5, s2;
	s5 =	sadd.s32 $0xC200, s0;
	s20 =	sadd.s32 s7, s3  }
0xc: {  	s1 =	sadd.s32 s1, s24;
	s19 =	sadd.s32 $0x2800, s20;
	[dreg:$0x4] =	wrdreg s20  }
0xd: {  	s2 =	sshrl.u32 s2, $0x3;
	s21 =	sadd.s32 $0x5000, s20;
	[dreg:$0x5] =	wrdreg s19  }
0xe: {  	s22 =	sadd.s32 $0x7800, s20;
	s23 =	sadd.s32 $0xA000, s20;
	[dreg:$0x6] =	wrdreg s21  }
0xf: {  	s7 =	sshrl.u32 s18, $0x3;
	s25 =	sadd.s32 $0xC800, s20;
	[dreg:$0x7] =	wrdreg s22  }
0x10: {  	s14 =	sadd.s32 $0x190, s1;
	s18 =	sadd.s32 $0x1E0, s1;
	[dreg:$0x8] =	wrdreg s23  }
0x11: {  	s0 =	sadd.s32 s2, s0;
	s2 =	ssub.s32 s17, s9;
	[dreg:$0x9] =	wrdreg s25  }
0x12: {  	s26 =	sadd.s32 $0xA, s7;
	s10 =	sadd.s32 s6, s7;
	s12 =	sadd.s32 s11, s7  }
0x13: {  	s19 =	sadd.s32 $0x140, s1;
	s1 =	sadd.s32 $0xF0, s1;
	[dreg:$0xb] =	wrdreg s12  }
0x14: {  	s7 =	sadd.s32 $0x14, s7;
	s23 =	sadd.s32 $0xF000, s20;
	[dreg:$0x13] =	wrdreg s1  }
0x15: {  	s16 =	sshrl.u32 s14, $0x3;
	s21 =	sshrl.u32 s18, $0x3;
	[dreg:$0x15] =	wrdreg s23  }
0x16: {  	s14 =	simm.s32 $0x7;
	s31 =	sadd.s32 s6, s26;
	[dreg:$0xa] =	wrdreg s10  }
0x17: {  	s18 =	simm.s32 $0x8;
	s9 =	sadd.s32 s11, s26;
	[dreg:$0xc] =	wrdreg s31  }
0x18: {  	s13 =	sadd.s32 s6, s7;
	s7 =	sadd.s32 s11, s7;
	[dreg:$0xd] =	wrdreg s9  }
0x19: {  	s0 =	sadd.s32 $0x5CC00, s0;
	s15 =	smax.u32 s2, $0x1;
	[dreg:$0xe] =	wrdreg s13  }
0x1a: {  	s17 =	sadd.s32 s16, s11;
	s22 =	sshrl.u32 s19, $0x3;
	[dreg:$0xf] =	wrdreg s7  }
0x1b: {  	s26 =	sadd.s32 $0x11800, s20;
	s1 =	simm.s32 $0x80;
	[dreg:$0x10] =	wrdreg s0  }
0x1c: {  	s12 =	simm.s32 $0x5300;
	s19 =	simm.s32 $0x5;
	[dreg:$0x11] =	wrdreg s15  }
0x1d: {  	[dreg:$0x12] =	wrdreg s17;
	s0 =	sadd.s32 s16, s6;
	s24 =	sadd.s32 s22, s6  }
0x1e: {  	s25 =	sadd.s32 s22, s11;
	[dreg:$0x16] =	wrdreg s26;
	s31 =	sadd.s32 $0x1E, s10  }
0x1f: {  	s7 =	simm.s32 $0x200;
	s9 =	simm.s32 $0x1;
	s10 =	simm.s32 $0x50  }
.Ltmp0:
0x20: {  	s11 =	simm.s32 $0x2;
	s13 =	simm.s32 $0x2B00;
	(pc) =	sbr.rel .LBB2_1-.Ltmp0, $4  }
0x21: {  	s15 =	simm.s32 $0x4;
	s16 =	simm.s32 $0x280;
	s17 =	simm.s32 $0x3  }
0x22: {  	s22 =	simm.s32 $0xA;
	s26 =	simm.s32 $0x9;
	[dreg:$0x18] =	wrdreg s0  }
0x23: {  	s0 =	sadd.s32 s21, s6;
	[dreg:$0x17] =	wrdreg s31;
	s6 =	simm.s32 $0xC  }
0x24: {  	v0 =	vimm.f32 $0.0e+00;
	s21 =	simm.s32 $0x0;
	[dreg:$0x14] =	wrdreg s0;
	s0 =	simm.s32 $0x180  }
.LBB2_6:
0x25: {  	_ =	swait.ge [sflag:s15], $0x50  }
0x26: {  	[sflag:s15] =	ssyncset.done $0x0  }
0x27: {  	[sflag:s15] =	ssyncadd.s32 $0xFFFFFFB0  }
0x28: {  	[spmem:s3] =	stream.indirect.scatter.add.f32 [tilespmem:s30], [sflag:$0xA], $0x80, s0, s10, $0xb8;
	[tilespmem:$0x1BB00] =	vst v63  }
0x29: {  	_ =	swait.ge [sflag:s6], $0x2800  }
0x2a: {  	[sflag:s6] =	ssyncset.done $0x0  }
0x2b: {  	[sflag:s6] =	ssyncadd.s32 $0xFFFFD800  }
0x2c: {  	_ =	swait.ge [sflag:s18], $0x2800  }
0x2d: {  	[sflag:s18] =	ssyncset.done $0x0  }
0x2e: {  	[sflag:s18] =	ssyncadd.s32 $0xFFFFD800  }
0x2f: {  	_ =	swait.ge [sflag:s19], $0x50  }
0x30: {  	[sflag:s19] =	ssyncset.done $0x0  }
0x31: {  	[sflag:s19] =	ssyncadd.s32 $0xFFFFFFB0  }
0x32: {  	[spmem:s3] =	stream.indirect.scatter.add.f32 [tilespmem:s13], [sflag:$0xB], $0x80, s7, s10, $0xb8;
	[tilespmem:$0x1BB00] =	vst v63  }
0x33: {  	_ =	swait.ge [sflag:s22], $0x2800  }
0x34: {  	[sflag:s22] =	ssyncset.done $0x0  }
0x35: {  	[sflag:s22] =	ssyncadd.s32 $0xFFFFD800  }
0x36: {  	_ =	swait.ge [sflag:s29], $0x2800  }
0x37: {  	[sflag:s29] =	ssyncset.done $0x0  }
0x38: {  	[sflag:s29] =	ssyncadd.s32 $0xFFFFD800  }
0x39: {  	s2 =	stileid.u32;
	[bflag:$0x0] =	sbarrier.arrive $0xFFFF  }
0x3a: {  	s2 =	sshll.u32 s2, $0x6;
	s20 =	rddreg [dreg:$0x4]  }
0x3b: {  	s2 =	sor.u32 $0x1C0D, s2;
	s23 =	rddreg [dreg:$0x10];
	s8 =	sshrl.u32 s20, $0x3  }
0x3c: {  	[hbm:s23], [sflag:s2] =	dma.local [spmem:s8], $0x2800  }
0x3d: {  	s8 =	simm.s32 $0xD  }
0x3e: {  	_ =	swait.ge [sflag:s8], $0x2800  }
0x3f: {  	s21 =	rddreg [dreg:$0x19]  }
0x40: {  	s31 =	rddreg [dreg:$0x11];
	s21 =	sadd.s32 $0x1, s21  }
0x41: {  	p0 =	sne.s32 s21, s31  }
.Ltmp1:
0x42: {  	_ = 	snop;
	(pc) =	sbr.rel @!p0 .LBB2_7-.Ltmp1, $3  }
0x43: {  	_ =	sdelay $0x1  }
0x44: {  	[sflag:s8] =	ssyncset.done $0x0  }
0x45: {  	[sflag:s8] =	ssyncadd.s32 $0xFFFFD800  }
.LBB2_1:
0x46: {  	[dreg:$0x19] =	wrdreg s21;
	s2 =	simm.s32 $0x0;
	s31 =	simm.s32 $0x200  }
.LBB2_2:
0x47: {  	p0 =	sne.s32 s31, $0x9E00;
	[tilespmem:s2+$0x370] =	vst v0  }
0x48: {  	[tilespmem:s2+$0x300] =	vst v0  }
0x49: {  	[tilespmem:s2+$0x310] =	vst v0  }
.Ltmp2:
0x4a: {  	[tilespmem:s2+$0x320] =	vst v0;
	(pc) =	sbr.rel @p0 .LBB2_2-.Ltmp2, $4  }
0x4b: {  	[tilespmem:s2+$0x330] =	vst v0  }
0x4c: {  	[tilespmem:s2+$0x340] =	vst v0  }
0x4d: {  	[tilespmem:s2+$0x350] =	vst v0  }
0x4e: {  	[tilespmem:s2+$0x360] =	vst v0;
	s2 =	sshra.s32 s31, $0x2;
	s31 =	sadd.s32 $0x200, s31  }
0x4f: {  	[tilespmem:s2+$0x370] =	vst v0  }
0x50: {  	[tilespmem:s2+$0x300] =	vst v0  }
0x51: {  	[tilespmem:s2+$0x310] =	vst v0  }
0x52: {  	[tilespmem:s2+$0x320] =	vst v0  }
0x53: {  	[tilespmem:s2+$0x330] =	vst v0  }
0x54: {  	[tilespmem:s2+$0x340] =	vst v0  }
0x55: {  	[tilespmem:s2+$0x350] =	vst v0  }
0x56: {  	[tilespmem:s2+$0x360] =	vst v0  }
0x57: {  	[spmem:s20] =	stream.linear.scatter [tilespmem:s30], [sflag:$0xD], $0x2800, $0x38;
	[tilespmem:$0x1BB00] =	vst v63  }
0x58: {  	_ =	swait.ge [sflag:s8], $0x2800  }
0x59: {  	[sflag:s8] =	ssyncset.done $0x0  }
0x5a: {  	s20 =	rddreg [dreg:$0x5];
	[sflag:s8] =	ssyncadd.s32 $0xFFFFD800  }
0x5b: {  	[spmem:s20] =	stream.linear.scatter [tilespmem:s30], [sflag:$0xD], $0x2800, $0x38;
	[tilespmem:$0x1BB00] =	vst v63  }
0x5c: {  	_ =	swait.ge [sflag:s8], $0x2800  }
0x5d: {  	[sflag:s8] =	ssyncset.done $0x0  }
0x5e: {  	s21 =	rddreg [dreg:$0x6];
	[sflag:s8] =	ssyncadd.s32 $0xFFFFD800  }
0x5f: {  	[spmem:s21] =	stream.linear.scatter [tilespmem:s30], [sflag:$0xD], $0x2800, $0x38;
	[tilespmem:$0x1BB00] =	vst v63  }
0x60: {  	_ =	swait.ge [sflag:s8], $0x2800  }
0x61: {  	[sflag:s8] =	ssyncset.done $0x0  }
0x62: {  	s23 =	rddreg [dreg:$0x7];
	[sflag:s8] =	ssyncadd.s32 $0xFFFFD800  }
0x63: {  	[spmem:s23] =	stream.linear.scatter [tilespmem:s30], [sflag:$0xD], $0x2800, $0x38;
	[tilespmem:$0x1BB00] =	vst v63  }
0x64: {  	_ =	swait.ge [sflag:s8], $0x2800  }
0x65: {  	[sflag:s8] =	ssyncset.done $0x0  }
0x66: {  	s20 =	rddreg [dreg:$0x8];
	[sflag:s8] =	ssyncadd.s32 $0xFFFFD800  }
0x67: {  	[spmem:s20] =	stream.linear.scatter [tilespmem:s30], [sflag:$0xD], $0x2800, $0x38;
	[tilespmem:$0x1BB00] =	vst v63  }
0x68: {  	_ =	swait.ge [sflag:s8], $0x2800  }
0x69: {  	[sflag:s8] =	ssyncset.done $0x0  }
0x6a: {  	s21 =	rddreg [dreg:$0x9];
	[sflag:s8] =	ssyncadd.s32 $0xFFFFD800  }
0x6b: {  	[spmem:s21] =	stream.linear.scatter [tilespmem:s30], [sflag:$0xD], $0x2800, $0x38;
	[tilespmem:$0x1BB00] =	vst v63  }
0x6c: {  	_ =	swait.ge [sflag:s8], $0x2800  }
0x6d: {  	[sflag:s8] =	ssyncset.done $0x0  }
0x6e: {  	s23 =	rddreg [dreg:$0x15];
	[sflag:s8] =	ssyncadd.s32 $0xFFFFD800  }
0x6f: {  	[spmem:s23] =	stream.linear.scatter [tilespmem:s30], [sflag:$0xD], $0x2800, $0x38;
	[tilespmem:$0x1BB00] =	vst v63  }
0x70: {  	_ =	swait.ge [sflag:s8], $0x2800  }
0x71: {  	[sflag:s8] =	ssyncset.done $0x0  }
0x72: {  	s20 =	rddreg [dreg:$0x16];
	[sflag:s8] =	ssyncadd.s32 $0xFFFFD800  }
0x73: {  	[spmem:s20] =	stream.linear.scatter [tilespmem:s30], [sflag:$0xD], $0x2800, $0x38;
	[tilespmem:$0x1BB00] =	vst v63  }
0x74: {  	_ =	swait.ge [sflag:s8], $0x2800  }
0x75: {  	[sflag:s8] =	ssyncset.done $0x0  }
0x76: {  	[sflag:s8] =	ssyncadd.s32 $0xFFFFD800  }
0x77: {  	[bflag:$0x0] =	sbarrier.arrive $0xFFFF  }
0x78: {  	s2 =	simm.s32 $0x0;
	s21 =	rddreg [dreg:$0xa]  }
0x79: {  	[tilespmem:s2], [sflag:$0x1] =	stream.linear.gather [hbm4b:s21+s2], $0x50, $0x38;
	[tilespmem:$0x1BB00] =	vst v63  }
0x7a: {  	s23 =	rddreg [dreg:$0xb]  }
0x7b: {  	[tilespmem:s0], [sflag:$0x4] =	stream.linear.gather [hbm4b:s23+s2], $0x50, $0x38;
	[tilespmem:$0x1BB00] =	vst v63  }
0x7c: {  	s20 =	rddreg [dreg:$0xc]  }
0x7d: {  	[tilespmem:s1], [sflag:$0x2] =	stream.linear.gather [hbm4b:s20+s2], $0x50, $0x38;
	[tilespmem:$0x1BB00] =	vst v63  }
0x7e: {  	s21 =	rddreg [dreg:$0xd]  }
0x7f: {  	[tilespmem:s7], [sflag:$0x5] =	stream.linear.gather [hbm4b:s21+s2], $0x50, $0x38;
	[tilespmem:$0x1BB00] =	vst v63  }
0x80: {  	s23 =	rddreg [dreg:$0xe];
	s20 =	simm.s32 $0x100  }
0x81: {  	[tilespmem:s20], [sflag:$0x3] =	stream.linear.gather [hbm4b:s23+s2], $0x50, $0x38;
	[tilespmem:$0x1BB00] =	vst v63  }
0x82: {  	_ =	swait.ge [sflag:s9], $0x50  }
0x83: {  	[sflag:s9] =	ssyncset.done $0x0  }
0x84: {  	[sflag:s9] =	ssyncadd.s32 $0xFFFFFFB0  }
0x85: {  	[tilespmem:s30], [sflag:$0x7] =	stream.indirect.gather [hbm4b:s5+s10], $0x80, s2, s10, $0xb8;
	[tilespmem:$0x1BB00] =	vst v63  }
0x86: {  	_ =	swait.ge [sflag:s11], $0x50  }
0x87: {  	[sflag:s11] =	ssyncset.done $0x0  }
0x88: {  	[sflag:s11] =	ssyncadd.s32 $0xFFFFFFB0  }
0x89: {  	[tilespmem:s13], [sflag:$0x8] =	stream.indirect.gather [hbm4b:s5+s10], $0x80, s1, s10, $0xb8;
	[tilespmem:$0x1BB00] =	vst v63  }
0x8a: {  	_ =	swait.ge [sflag:s14], $0x2800  }
0x8b: {  	[sflag:s14] =	ssyncset.done $0x0  }
0x8c: {  	s21 =	rddreg [dreg:$0x17];
	[sflag:s14] =	ssyncadd.s32 $0xFFFFD800  }
0x8d: {  	[tilespmem:s2], [sflag:$0x1] =	stream.linear.gather [hbm4b:s21+s2], $0x50, $0x38;
	[tilespmem:$0x1BB00] =	vst v63  }
0x8e: {  	_ =	swait.ge [sflag:s15], $0x50  }
0x8f: {  	[sflag:s15] =	ssyncset.done $0x0  }
0x90: {  	[sflag:s15] =	ssyncadd.s32 $0xFFFFFFB0  }
0x91: {  	[spmem:s3] =	stream.indirect.scatter.add.f32 [tilespmem:s30], [sflag:$0xA], $0x80, s0, s10, $0xb8;
	[tilespmem:$0x1BB00] =	vst v63  }
0x92: {  	s23 =	rddreg [dreg:$0xf]  }
0x93: {  	[tilespmem:s16], [sflag:$0x6] =	stream.linear.gather [hbm4b:s23+s2], $0x50, $0x38;
	[tilespmem:$0x1BB00] =	vst v63  }
0x94: {  	_ =	swait.ge [sflag:s17], $0x50  }
0x95: {  	[sflag:s17] =	ssyncset.done $0x0  }
0x96: {  	s21 =	simm.s32 $0x100;
	s31 =	rddreg [dreg:$0x13];
	[sflag:s17] =	ssyncadd.s32 $0xFFFFFFB0  }
0x97: {  	[tilespmem:s12], [sflag:$0x9] =	stream.indirect.gather [hbm4b:s5+s10], $0x80, s20, s10, $0xb8;
	[tilespmem:$0x1BB00] =	vst v63  }
.LBB2_4:
0x98: {  	_ =	swait.ge [sflag:s18], $0x2800  }
0x99: {  	[sflag:s18] =	ssyncset.done $0x0  }
0x9a: {  	s8 =	sadd.s32 s2, s24;
	[sflag:s18] =	ssyncadd.s32 $0xFFFFD800  }
0x9b: {  	[tilespmem:s1], [sflag:$0x2] =	stream.linear.gather [hbm4b:s8+s4], $0x50, $0x38;
	[tilespmem:$0x1BB00] =	vst v63  }
0x9c: {  	_ =	swait.ge [sflag:s19], $0x50  }
0x9d: {  	[sflag:s19] =	ssyncset.done $0x0  }
0x9e: {  	[sflag:s19] =	ssyncadd.s32 $0xFFFFFFB0  }
0x9f: {  	[spmem:s3] =	stream.indirect.scatter.add.f32 [tilespmem:s13], [sflag:$0xB], $0x80, s7, s10, $0xb8;
	[tilespmem:$0x1BB00] =	vst v63  }
0xa0: {  	_ =	swait.ge [sflag:s22], $0x2800  }
0xa1: {  	[sflag:s22] =	ssyncset.done $0x0  }
0xa2: {  	[sflag:s22] =	ssyncadd.s32 $0xFFFFD800  }
0xa3: {  	s23 =	sshrl.u32 s31, $0x3;
	s20 =	rddreg [dreg:$0x1]  }
0xa4: {  	s8 =	sadd.s32 s20, s23  }
0xa5: {  	[tilespmem:s0], [sflag:$0x4] =	stream.linear.gather [hbm4b:s8+s4], $0x50, $0x38;
	[tilespmem:$0x1BB00] =	vst v63  }
0xa6: {  	_ =	swait.ge [sflag:s9], $0x50  }
0xa7: {  	[sflag:s9] =	ssyncset.done $0x0  }
0xa8: {  	[sflag:s9] =	ssyncadd.s32 $0xFFFFFFB0  }
0xa9: {  	[tilespmem:s30], [sflag:$0x7] =	stream.indirect.gather [hbm4b:s5+s10], $0x80, s4, s10, $0xb8;
	[tilespmem:$0x1BB00] =	vst v63  }
0xaa: {  	p0 =	seq.s32 s2, $0x4B0;
	_ =	swait.ge [sflag:s26], $0x2800  }
0xab: {  	s20 =	simm.s32 @!p0 $0x0;
	[sflag:s26] =	ssyncset.done $0x0;
	s8 =	rddreg [dreg:$0x18]  }
0xac: {  	s23 =	simm.s32 @!p0 $0x100;
	[sflag:s26] =	ssyncadd.s32 $0xFFFFD800;
	s8 =	sadd.s32 @!p0 s2, s8  }
0xad: {  	[tilespmem:s23], [sflag:$0x3] =	stream.linear.gather @!p0 [hbm4b:s8+s20], $0x50, $0x38;
	[tilespmem:$0x1BB00] =	vst v63  }
0xae: {  	_ =	swait.ge [sflag:s28], $0x50  }
0xaf: {  	[sflag:s28] =	ssyncset.done $0x0  }
0xb0: {  	[sflag:s28] =	ssyncadd.s32 $0xFFFFFFB0  }
0xb1: {  	[spmem:s3] =	stream.indirect.scatter.add.f32 [tilespmem:s12], [sflag:$0xC], $0x80, s16, s10, $0xb8;
	[tilespmem:$0x1BB00] =	vst v63  }
0xb2: {  	_ =	swait.ge [sflag:s29], $0x2800  }
0xb3: {  	[sflag:s29] =	ssyncset.done $0x0  }
0xb4: {  	s23 =	sadd.s32 s2, s25;
	[sflag:s29] =	ssyncadd.s32 $0xFFFFD800  }
0xb5: {  	[tilespmem:s7], [sflag:$0x5] =	stream.linear.gather [hbm4b:s23+s4], $0x50, $0x38;
	[tilespmem:$0x1BB00] =	vst v63  }
0xb6: {  	_ =	swait.ge [sflag:s11], $0x50  }
0xb7: {  	[sflag:s11] =	ssyncset.done $0x0  }
.Ltmp3:
0xb8: {  	[sflag:s11] =	ssyncadd.s32 $0xFFFFFFB0;
	(pc) =	sbr.rel @p0 .LBB2_6-.Ltmp3, $4  }
0xb9: {  	[tilespmem:s13], [sflag:$0x8] =	stream.indirect.gather [hbm4b:s5+s10], $0x80, s1, s10, $0xb8;
	[tilespmem:$0x1BB00] =	vst v63  }
0xba: {  	_ =	swait.ge [sflag:s14], $0x2800  }
0xbb: {  	[sflag:s14] =	ssyncset.done $0x0  }
0xbc: {  	[sflag:s14] =	ssyncadd.s32 $0xFFFFD800  }
0xbd: {  	s8 =	rddreg [dreg:$0x14]  }
0xbe: {  	s8 =	sadd.s32 s2, s8  }
0xbf: {  	[tilespmem:s4], [sflag:$0x1] =	stream.linear.gather [hbm4b:s8+s4], $0x50, $0x38;
	[tilespmem:$0x1BB00] =	vst v63  }
0xc0: {  	_ =	swait.ge [sflag:s15], $0x50  }
0xc1: {  	[sflag:s15] =	ssyncset.done $0x0  }
0xc2: {  	[sflag:s15] =	ssyncadd.s32 $0xFFFFFFB0  }
0xc3: {  	[spmem:s3] =	stream.indirect.scatter.add.f32 [tilespmem:s30], [sflag:$0xA], $0x80, s0, s10, $0xb8;
	[tilespmem:$0x1BB00] =	vst v63  }
0xc4: {  	_ =	swait.ge [sflag:s6], $0x2800  }
0xc5: {  	[sflag:s6] =	ssyncset.done $0x0;
	s23 =	rddreg [dreg:$0x12]  }
0xc6: {  	[sflag:s6] =	ssyncadd.s32 $0xFFFFD800;
	s8 =	sadd.s32 s2, s23  }
0xc7: {  	[tilespmem:s16], [sflag:$0x6] =	stream.linear.gather [hbm4b:s8+s4], $0x50, $0x38;
	[tilespmem:$0x1BB00] =	vst v63  }
.Ltmp4:
0xc8: {  	_ = 	snop;
	(pc) =	sbr.rel .LBB2_4-.Ltmp4, $4  }
0xc9: {  	_ =	swait.ge [sflag:s17], $0x50  }
0xca: {  	[sflag:s17] =	ssyncset.done $0x0  }
0xcb: {  	s31 =	sadd.s32 $0xF0, s31;
	s2 =	sadd.s32 $0x1E, s2;
	[sflag:s17] =	ssyncadd.s32 $0xFFFFFFB0  }
0xcc: {  	[tilespmem:s12], [sflag:$0x9] =	stream.indirect.gather [hbm4b:s5+s10], $0x80, s21, s10, $0xb8;
	[tilespmem:$0x1BB00] =	vst v63  }
.LBB2_7:
0xcd: {  	_ =	sfence.sel $0x180000  }
0xce: {  	[bflag:$0x0] =	sbarrier.arrive $0xFFFF  }
0xcf: {  	_ =	strace $0x9000004A  }
0xd0: {  	s0 =	stileid.u32;
	[bflag:$0x2] =	sbarrier.arrive $0xFFFF  }
0xd1: {  	p0 =	sne.s32 s0, $0x0;
	s0 =	rddreg [dreg:$0x3]  }
0xd2: {  	s0 =	sadd.s32 @!p0 $0x100000, s0  }
0xd3: {  	[sflag:s0] =	ssyncadd.tile.s32 @!p0 $0x1;
	_ =	shalt  }
.Lfunc_end2:
_tile_overlayer_lowered:
.L_overlay_start_2:
0xd4: {  	(tag) =	ssettag $0x2  }
0xd5: {  	s0 =	rddreg [dreg:$0x0];
	s2 =	stileid.u32  }
0xd6: {  	s1 =	rddreg [dreg:$0x1];
	p0 =	sne.s32 s2, $0x0  }
0xd7: {  	s3 =	rddreg [dreg:$0x2];
	[bflag:$0x3] =	sbarrier.arrive $0xFFFF;
	s2 =	simm.s32 @!p0 $0x1C0D  }
0xd8: {  	[timem:s3], [sflag:s2] =	dma.local @!p0 [hbm:s0], s1  }
0xd9: {  	s0 =	simm.s32 @!p0 $0xD  }
0xda: {  	_ =	swait.ge @!p0 [sflag:s0], s1  }
0xdb: {  	s1 =	ssub.s32 @!p0 $0x0, s1;
	[sflag:s0] =	ssyncset.done @!p0 $0x0  }
0xdc: {  	[sflag:s0] =	ssyncadd.s32 @!p0 s1  }
0xdd: {  	[bflag:$0x3] =	sbarrier.arrive $0xFFFF  }
0xde: {  	_ =	shalt  }

// kernel: kernel.8.cloned.1.call-start
scs
__scs_entry_jumppad:
0x0: {  	(pc) =	sbr.rel $0x88, $3  }
0x1: {  	(tag) =	ssettag $0x0;
	lr =	simm.s32 $0x1  }
0x2: {  	[smem:$0x3F99] =	sst lr;
	_ =	strace $0xD0000000  }
0x3: {  	_ = 	snop  }
0x4: {  	_ = 	snop  }
0x5: {  	_ = 	snop  }
0x6: {  	_ = 	snop  }
0x7: {  	_ = 	snop  }
__scs_overlays_trampoline_lowered:
0x8: {  	[smem:$0x3FA8] =	sst s0  }
0x9: {  	[smem:$0x3FA9] =	sst s1  }
0xa: {  	[smem:$0x3FAA] =	sst s2  }
0xb: {  	[smem:$0x3FAB] =	sst s3  }
0xc: {  	[smem:$0x3FAC] =	sst s4  }
0xd: {  	[smem:$0x3FAD] =	sst s5  }
0xe: {  	[smem:$0x3FAE] =	sst s6  }
0xf: {  	[smem:$0x3FAF] =	sst s7  }
0x10: {  	[smem:$0x3FB0] =	sst s8  }
0x11: {  	[smem:$0x3FB1] =	sst s9;
	s0 =	simm.s32 @!p0 $0x0  }
0x12: {  	s1 =	sld [smem:$0x3F97];
	s0 =	simm.s32 @p0 $0x1  }
0x13: {  	[smem:$0x3FB2] =	sst s0;
	s0 =	simm.s32 @!p1 $0x0  }
0x14: {  	s2 =	sld [smem:$0x3F96];
	s0 =	simm.s32 @p1 $0x1  }
0x15: {  	[smem:$0x3FB3] =	sst s0;
	s0 =	simm.s32 @!p2 $0x0  }
0x16: {  	s3 =	sld [smem:$0x3FDB];
	s0 =	simm.s32 @p2 $0x1  }
0x17: {  	s4 =	simm.s32 $0x1BF5;
	[smem:$0x3FB5] =	sst s0  }
0x18: {  	s0 =	sld [smem:$0x3F98];
	_ =	swait.ge [sflag:s4], $0x0  }
0x19: {  	s7 =	sld [smem:$0x3F99]  }
0x1a: {  	s8 =	sadd.s32 $0xFFFFE003, lr  }
0x1b: {  	s9 =	sadd.s32 $0xFFFFFEF7, lr;
	s5 =	simm.s32 $0xFFFFFFFF;
	p2 =	slt.u32 s8, $0xFFFFF086  }
0x1c: {  	p1 =	slt.u32 s9, $0xF7A;
	s5 =	simm.s32 @!p2 $0x0  }
0x1d: {  	s5 =	simm.s32 @p1 $0x1;
	p0 =	seq.s32 s7, s2  }
0x1e: {  	s7 =	smul.u32 @!p0 $0xF7A, s2;
	p2 =	seq.s32 @!p0 s5, $0x0  }
0x1f: {  	s9 =	smul.u32 $0xF7A, s1;
	s8 =	simm.s32 @!p0 $0x1BF5;
	p2 =	por !p2, p0  }
0x20: {  	[sflag:s8] =	ssyncset.s32 @!p0 $0xFFFFF086;
	s6 =	sadd.s32 @!p0 s3, s7;
	s7 =	simm.s32 @!p0 $0x108  }
0x21: {  	s3 =	sadd.s32 s3, s9;
	s6 =	sadd.s32 @!p0 $0x88, s6;
	s7 =	simm.s32 @p2 $0x1082  }
0x22: {  	[simem:s7], [sflag:s8] =	dma.local @!p0 [hbm:s6], $0xF7A  }
0x23: {  	s9 =	sor.u32 $0xD0000000, s2;
	s6 =	simm.s32 $0x108;
	_ =	swait.ge @!p0 [sflag:s8], $0x0  }
0x24: {  	s3 =	sadd.s32 $0x88, s3;
	s6 =	simm.s32 @!p1 $0x1082;
	[sflag:s4] =	ssyncset.s32 $0xFFFFF086  }
0x25: {  	[simem:s6], [sflag:s4] =	dma.local [hbm:s3], $0xF7A  }
0x26: {  	[smem:$0x3F99] =	sst s1;
	(tag) =	ssettag s2;
	_ =	strace s9  }
0x27: {  	s1 =	sld [smem:$0x3FA9]  }
0x28: {  	s2 =	sld [smem:$0x3FAA]  }
0x29: {  	s4 =	sld [smem:$0x3FAC]  }
0x2a: {  	p0 =	seq.s32 s5, $0x0;
	s5 =	sld [smem:$0x3FAD]  }
0x2b: {  	s6 =	sld [smem:$0x3FAE]  }
0x2c: {  	s7 =	sld [smem:$0x3FAF]  }
0x2d: {  	s3 =	simm.s32 $0x108;
	s8 =	sld [smem:$0x3FB0]  }
0x2e: {  	s3 =	simm.s32 @!p0 $0x1082;
	s9 =	sld [smem:$0x3FB1]  }
0x2f: {  	lr =	sadd.s32 s0, s3;
	s0 =	sld [smem:$0x3FA8]  }
0x30: {  	s3 =	sld [smem:$0x3FAB]  }
0x31: {  	[smem:$0x3FB4] =	sst s10  }
0x32: {  	s10 =	sld [smem:$0x3FB2];
	_ =	sdelay $0x3  }
0x33: {  	p0 =	seq.s32 s10, $0x1;
	s10 =	sld [smem:$0x3FB4];
	_ =	sdelay $0x3  }
0x34: {  	[smem:$0x3FB4] =	sst s10  }
0x35: {  	s10 =	sld [smem:$0x3FB3];
	_ =	sdelay $0x3  }
0x36: {  	p1 =	seq.s32 s10, $0x1;
	s10 =	sld [smem:$0x3FB4];
	_ =	sdelay $0x3  }
0x37: {  	[smem:$0x3FB4] =	sst s10  }
0x38: {  	s10 =	sld [smem:$0x3FB5]  }
0x39: {  	_ = 	snop;
	(pc) =	sbr.ind lr, $3  }
0x3a: {  	_ = 	snop  }
0x3b: {  	_ = 	snop  }
0x3c: {  	p2 =	seq.s32 s10, $0x1;
	s10 =	sld [smem:$0x3FB4]  }
0x3d: {  	_ =	shalt  }
0x3e: {  	_ =	shalt  }
0x3f: {  	_ =	shalt  }
0x40: {  	_ =	shalt  }
0x41: {  	_ =	shalt  }
0x42: {  	_ =	shalt  }
0x43: {  	_ =	shalt  }
0x44: {  	_ =	shalt  }
0x45: {  	_ =	shalt  }
0x46: {  	_ =	shalt  }
0x47: {  	_ =	shalt  }
0x48: {  	_ =	shalt  }
0x49: {  	_ =	shalt  }
0x4a: {  	_ =	shalt  }
0x4b: {  	_ =	shalt  }
0x4c: {  	_ =	shalt  }
0x4d: {  	_ =	shalt  }
0x4e: {  	_ =	shalt  }
0x4f: {  	_ =	shalt  }
0x50: {  	_ =	shalt  }
0x51: {  	_ =	shalt  }
0x52: {  	_ =	shalt  }
0x53: {  	_ =	shalt  }
0x54: {  	_ =	shalt  }
0x55: {  	_ =	shalt  }
0x56: {  	_ =	shalt  }
0x57: {  	_ =	shalt  }
0x58: {  	_ =	shalt  }
0x59: {  	_ =	shalt  }
0x5a: {  	_ =	shalt  }
0x5b: {  	_ =	shalt  }
0x5c: {  	_ =	shalt  }
0x5d: {  	_ =	shalt  }
0x5e: {  	_ =	shalt  }
0x5f: {  	_ =	shalt  }
0x60: {  	_ =	shalt  }
0x61: {  	_ =	shalt  }
0x62: {  	_ =	shalt  }
0x63: {  	_ =	shalt  }
0x64: {  	_ =	shalt  }
0x65: {  	_ =	shalt  }
0x66: {  	_ =	shalt  }
0x67: {  	_ =	shalt  }
0x68: {  	_ =	shalt  }
0x69: {  	_ =	shalt  }
0x6a: {  	_ =	shalt  }
0x6b: {  	_ =	shalt  }
0x6c: {  	_ =	shalt  }
0x6d: {  	_ =	shalt  }
0x6e: {  	_ =	shalt  }
0x6f: {  	_ =	shalt  }
0x70: {  	_ =	shalt  }
0x71: {  	_ =	shalt  }
0x72: {  	_ =	shalt  }
0x73: {  	_ =	shalt  }
0x74: {  	_ =	shalt  }
0x75: {  	_ =	shalt  }
0x76: {  	_ =	shalt  }
0x77: {  	_ =	shalt  }
0x78: {  	_ =	shalt  }
0x79: {  	_ =	shalt  }
0x7a: {  	_ =	shalt  }
0x7b: {  	_ =	shalt  }
0x7c: {  	_ =	shalt  }
0x7d: {  	_ =	shalt  }
0x7e: {  	_ =	shalt  }
0x7f: {  	_ =	shalt  }
0x80: {  	_ =	shalt  }
0x81: {  	_ =	shalt  }
0x82: {  	_ =	shalt  }
0x83: {  	_ =	shalt  }
0x84: {  	_ =	shalt  }
0x85: {  	_ =	shalt  }
0x86: {  	_ =	shalt  }
0x87: {  	_ =	shalt  }
.Lfunc_end0:
.L_simem_size_0:
called_computation_lowered:
.L_overlay_start_0:
0x88: {  	s2 =	sld [smem:$0x3FD9]  }
0x89: {  	s3 =	sld [smem:$0x3FFE];
	_ =	sdelay $0x1  }
0x8a: {  	s1 =	srdreg.scid  }
0x8b: {  	s0 =	sand.u32 $0x1, s1  }
0x8c: {  	s17 =	sshll.u32 s0, $0xA;
	s2 =	sadd.s32 s3, s2  }
0x8d: {  	s2 =	sadd.s32 s2, s17  }
0x8e: {  	[smem:$0x3FC0] =	sst s2  }
0x8f: {  	_ = 	snop  }
0x90: {  	s2 =	sld [smem:$0x3FC9]  }
0x91: {  	s18 =	sld [smem:$0x3FD0];
	(tm) =	ssettm $0x1  }
0x92: {  	s4 =	sld [smem:$0x3FFB];
	_ =	sdelay $0x3  }
0x93: {  	_ =	strace s4  }
0x94: {  	s4 =	sld [smem:$0x3FFC];
	_ =	sdelay $0x3  }
0x95: {  	_ =	strace s4  }
0x96: {  	s4 =	sld [smem:$0x3FFD];
	_ =	sdelay $0x3  }
0x97: {  	_ =	strace s4  }
0x98: {  	_ =	strace $0x8FFFFFFF  }
0x99: {  	s19 =	sld [smem:$0x3FDB];
	_ =	sdelay $0x1  }
0x9a: {  	s5 =	simm.s32 $_scs_section_size  }
0x9b: {  	s6 =	simm.s32 $_size__tile_overlayer_lowered;
	s7 =	simm.s32 $_tile_overlayer_lowered  }
0x9c: {  	s22 =	simm.s32 $0x1BFF;
	s21 =	sshll.u32 s7, $0x1;
	s4 =	sadd.s32 s5, s19  }
0x9d: {  	s8 =	simm.s32 $0x0;
	s20 =	sshll.u32 s6, $0x1;
	s6 =	sadd.s32 s21, s4  }
0x9e: {  	[timem:s8], [sflag:s22] =	dma.local [hbm:s6], s20  }
0x9f: {  	_ =	swait.ge [sflag:s22], s20  }
0xa0: {  	s5 =	ssub.s32 $0x0, s20;
	[sflag:s22] =	ssyncset.done $0x0  }
0xa1: {  	[sflag:s22] =	ssyncadd.s32 s5;
	_ =	sdelay $0x1  }
0xa2: {  	s23 =	simm.s32 $0x1B8B  }
0xa3: {  	_ =	swait.ge [sflag:s23], $0x1  }
0xa4: {  	[sflag:s23] =	ssyncset.done $0x0  }
0xa5: {  	s25 =	simm.s32 $0x1B8E;
	s24 =	sld [smem:$0x3FFE];
	[sflag:s23] =	ssyncadd.s32 $0xFFFFFFFF  }
0xa6: {  	s26 =	simm.s32 $execute0_lowered;
	[smem:$0x3FD2] =	sst s25  }
0xa7: {  	s6 =	sshll.u32 s26, $0x1;
	_ =	strace $0x80000046;
	[dreg:$0x1] =	wrdreg $0xFFFFFFFF  }
0xa8: {  	s28 =	simm.s32 $_size_execute0_lowered;
	s4 =	sadd.s32 s4, s6;
	[dreg:$0x0] =	wrdreg $0x0  }
0xa9: {  	s6 =	sshll.u32 s28, $0x1;
	[dreg:$0x2] =	wrdreg s4  }
0xaa: {  	[dreg:$0x3] =	wrdreg s6  }
0xab: {  	[dreg:$0x4] =	wrdreg $0xC0  }
0xac: {  	_ =	task [dreg:s8], $0x5FFFF  }
0xad: {  	[dreg:$0x1] =	wrdreg $0xFFFFFFFF  }
0xae: {  	[dreg:$0x0] =	wrdreg $0x60  }
0xaf: {  	[dreg:$0x2] =	wrdreg s24  }
0xb0: {  	[dreg:$0x3] =	wrdreg s18  }
0xb1: {  	[dreg:$0x4] =	wrdreg s2  }
0xb2: {  	[dreg:$0x5] =	wrdreg $0x7E000  }
0xb3: {  	[dreg:$0x6] =	wrdreg $0x1BE000  }
0xb4: {  	[dreg:$0x7] =	wrdreg $0x9  }
0xb5: {  	_ =	task.clear_ibuf [dreg:s8], $0x8FFFF;
	_ =	strace $0x90000046  }
0xb6: {  	s29 =	simm.s32 $0x9;
	_ =	strace $0x80000048  }
0xb7: {  	_ =	swait.ge [sflag:s29], $0x1  }
0xb8: {  	[sflag:s29] =	ssyncadd.s32 $0xFFFFFFFF  }
0xb9: {  	_ =	strace $0x90000048  }
0xba: {  	_ =	sfence  }
0xbb: {  	s30 =	sld [smem:$0x0];
	_ =	sdelay $0x2  }
0xbc: {  	s31 =	sshll.u32 s1, $0xD;
	s1 =	sshrl.u32 s1, $0x2  }
0xbd: {  	s3 =	sand.u32 $0x4000, s31;
	s1 =	sadd.s32 s1, s30  }
0xbe: {  	s0 =	sor.u32 s3, s0;
	s1 =	sshll.u32 s1, $0x11  }
0xbf: {  	s0 =	sor.u32 s1, s0  }
0xc0: {  	s0 =	sadd.s32 $0x8F2B, s0  }
0xc1: {  	[sflag:s0] =	ssyncadd.remote.s32 $0x1  }
0xc2: {  	_ =	sfence.sel $0xFFFF  }
0xc3: {  	[dreg:$0x0] =	wrdreg $0xFFFFFFFF;
	(pc) =	sbr.abs _section_cstart, $3  }
0xc4: {  	[dreg:$0x1] =	wrdreg $0xFFFFFFFF  }
0xc5: {  	_ =	task.clear_ibuf [dreg:s8], $0x2FFFF;
	_ =	strace $0x9FFFFFFF  }
0xc6: {  	(tm) =	ssettm $0x7FFFFFFF  }
0xc7: {  	_ =	shalt  }
tec
execute0_lowered:
.L_overlay_start_1:
0x0: {  	(tag) =	ssettag $0x1  }
0x1: {  	s0 =	rddreg [dreg:$0x0]  }
0x2: {  	s13 =	rddreg [dreg:$0x1]  }
0x3: {  	s1 =	rddreg [dreg:$0x3];
	s14 =	stileid.u32  }
0x4: {  	s2 =	srdreg.scid;
	s7 =	smul.u32 $0x14000, s14  }
0x5: {  	s4 =	rddreg [dreg:$0x4];
	s8 =	smul.u32 $0x500, s14  }
0x6: {  	s6 =	simm.s32 $0x0;
	s28 =	simm.s32 $0x3;
	s16 =	smul.u32 $0x50000, s14  }
0x7: {  	s2 =	sand.u32 $0x1, s2;
	[smem:$0x7FF] =	sst s6;
	s11 =	smul.u32 $0xA00, s14  }
0x8: {  	s9 =	sadd.s32 $0x2400, s0;
	s10 =	sshll.u32 s14, $0x1;
	s22 =	smul.u32 $0x4E20, s14  }
0x9: {  	s3 =	smul.u32 $0x140000, s2;
	_ =	strace $0x80000047;
	s15 =	sshll.u32 s2, $0x7  }
0xa: {  	s17 =	ssub.s32 $0x2, s2;
	s10 =	sor.u32 s2, s10;
	s2 =	smul.u32 $0x2710, s2  }
0xb: {  	s12 =	sshrl.u32 s17, $0x1;
	s18 =	smul.u32 $0x2710, s10;
	s21 =	sshrl.u32 s11, $0x2  }
0xc: {  	s3 =	sadd.s32 s7, s3;
	s7 =	sor.u32 s15, s8;
	s8 =	sshrl.u32 s16, $0x2  }
0xd: {  	s5 =	sadd.s32 s21, s4;
	s2 =	sadd.s32 s2, s22;
	s3 =	sshrl.u32 s3, $0x3  }
0xe: {  	s7 =	sshrl.u32 s7, $0x3;
	s23 =	sadd.s32 s8, s1;
	s8 =	sshrl.u32 s18, $0x3  }
0xf: {  	s4 =	sadd.s32 $0x190, s2;
	s15 =	sadd.s32 $0x1E0, s2;
	[dreg:$0x9] =	wrdreg s5  }
0x10: {  	s3 =	sadd.s32 s3, s0;
	s19 =	sadd.s32 $0x2800, s23;
	[dreg:$0x6] =	wrdreg s23  }
0x11: {  	s0 =	sadd.s32 s7, s0;
	s20 =	sadd.s32 $0x5000, s23;
	[dreg:$0x7] =	wrdreg s19  }
0x12: {  	s7 =	ssub.s32 s17, s12;
	s25 =	sadd.s32 s13, s8;
	[dreg:$0x8] =	wrdreg s20  }
0x13: {  	s17 =	sadd.s32 $0x140, s2;
	s2 =	sadd.s32 $0xF0, s2;
	[dreg:$0xb] =	wrdreg s25  }
0x14: {  	s30 =	simm.s32 $0x8;
	s21 =	sadd.s32 $0xA000, s23;
	[dreg:$0x15] =	wrdreg s2  }
0x15: {  	s31 =	simm.s32 $0x5;
	s22 =	sadd.s32 $0xC800, s23;
	[dreg:$0x1a] =	wrdreg s21  }
0x16: {  	s24 =	sadd.s32 $0xA, s8;
	s12 =	sadd.s32 s9, s8;
	[dreg:$0x1b] =	wrdreg s22  }
0x17: {  	s29 =	simm.s32 $0x80;
	s26 =	sadd.s32 s9, s24;
	[dreg:$0xa] =	wrdreg s12  }
0x18: {  	s8 =	sadd.s32 $0x14, s8;
	s10 =	sadd.s32 s13, s24;
	[dreg:$0xc] =	wrdreg s26  }
0x19: {  	s16 =	sshrl.u32 s15, $0x3;
	s1 =	sadd.s32 s9, s8;
	[dreg:$0xd] =	wrdreg s10  }
0x1a: {  	s15 =	simm.s32 $0x1;
	s8 =	sadd.s32 s13, s8;
	[dreg:$0xe] =	wrdreg s1  }
0x1b: {  	s3 =	sadd.s32 $0xC200, s3;
	s0 =	sadd.s32 $0x5C200, s0;
	[dreg:$0xf] =	wrdreg s8  }
0x1c: {  	s11 =	smax.u32 s7, $0x1;
	s18 =	sshrl.u32 s17, $0x3;
	[dreg:$0x10] =	wrdreg s3  }
0x1d: {  	s20 =	sadd.s32 $0x7800, s23;
	s24 =	sadd.s32 $0xF000, s23;
	[dreg:$0x11] =	wrdreg s0  }
0x1e: {  	s25 =	sadd.s32 $0x11800, s23;
	s17 =	simm.s32 $0x2;
	[dreg:$0x12] =	wrdreg s11  }
0x1f: {  	s22 =	simm.s32 $0x7B00;
	s2 =	simm.s32 $0xA;
	[dreg:$0x19] =	wrdreg s20  }
0x20: {  	s7 =	simm.s32 $0x9;
	s10 =	sshrl.u32 s4, $0x3;
	[dreg:$0x1c] =	wrdreg s24  }
0x21: {  	s19 =	sadd.s32 s18, s9;
	[dreg:$0x1d] =	wrdreg s25;
	s26 =	sadd.s32 $0x1E, s12  }
0x22: {  	s3 =	simm.s32 $0x2B00;
	s11 =	simm.s32 $0x7;
	s25 =	simm.s32 $0x5300  }
0x23: {  	s8 =	simm.s32 $0xB;
	s1 =	simm.s32 $0x0;
	[dreg:$0x17] =	wrdreg s19  }
0x24: {  	s14 =	sadd.s32 s10, s13;
	s0 =	sadd.s32 s10, s9;
	[dreg:$0x1e] =	wrdreg s26  }
.Ltmp0:
0x25: {  	s19 =	simm.s32 $0x4;
	[dreg:$0x13] =	wrdreg s14;
	(pc) =	sbr.rel .LBB2_1-.Ltmp0, $4  }
0x26: {  	s26 =	simm.s32 $0x280;
	s10 =	simm.s32 $0xD;
	[dreg:$0x14] =	wrdreg s0  }
0x27: {  	s0 =	sadd.s32 s16, s9;
	s9 =	simm.s32 $0x180;
	s16 =	simm.s32 $0x50  }
0x28: {  	s14 =	simm.s32 $0xC;
	[dreg:$0x16] =	wrdreg s0;
	s0 =	sadd.s32 s18, s13  }
0x29: {  	v0 =	vimm.f32 $0.0e+00;
	v1 =	vimm.f32 $1.000000000e+00;
	s13 =	simm.s32 $0x200;
	[dreg:$0x18] =	wrdreg s0;
	s0 =	simm.s32 $0x6  }
.LBB2_6:
0x2a: {  	_ =	swait.ge [sflag:s30], $0x2800  }
0x2b: {  	[sflag:s30] =	ssyncset.done $0x0  }
0x2c: {  	[sflag:s30] =	ssyncadd.s32 $0xFFFFD800  }
0x2d: {  	_ =	swait.ge [sflag:s31], $0x50  }
0x2e: {  	[sflag:s31] =	ssyncset.done $0x0  }
0x2f: {  	[sflag:s31] =	ssyncadd.s32 $0xFFFFFFB0  }
0x30: {  	s1 =	rddreg [dreg:$0x3]  }
0x31: {  	[spmem:s1] =	stream.indirect.scatter.add.f32 [tilespmem:s3], [sflag:$0xB], $0x80, s13, s16, $0xb8;
	[tilespmem:$0x1C080] =	vst v63  }
0x32: {  	s5 =	rddreg [dreg:$0x4]  }
0x33: {  	[spmem:s5] =	stream.indirect.scatter.add.f32 [tilespmem:s22], [sflag:$0xD], $0x1, s13, s16, $0xb8;
	[tilespmem:$0x1C080] =	vst v63  }
0x34: {  	_ =	swait.ge [sflag:s2], $0x2800  }
0x35: {  	[sflag:s2] =	ssyncset.done $0x0  }
0x36: {  	[sflag:s2] =	ssyncadd.s32 $0xFFFFD800  }
0x37: {  	_ =	swait.ge [sflag:s10], $0x50  }
0x38: {  	[sflag:s10] =	ssyncset.done $0x0  }
0x39: {  	[sflag:s10] =	ssyncadd.s32 $0xFFFFFFB0  }
0x3a: {  	_ =	swait.ge [sflag:s8], $0x2800  }
0x3b: {  	[sflag:s8] =	ssyncset.done $0x0  }
0x3c: {  	[sflag:s8] =	ssyncadd.s32 $0xFFFFD800  }
0x3d: {  	_ =	swait.ge [sflag:s10], $0x50  }
0x3e: {  	[sflag:s10] =	ssyncset.done $0x0  }
0x3f: {  	[sflag:s10] =	ssyncadd.s32 $0xFFFFFFB0  }
0x40: {  	s20 =	stileid.u32;
	[bflag:$0x0] =	sbarrier.arrive $0xFFFF  }
0x41: {  	s20 =	sshll.u32 s20, $0x6;
	s23 =	rddreg [dreg:$0x6]  }
0x42: {  	s20 =	sor.u32 $0x1C0E, s20;
	s24 =	rddreg [dreg:$0x10];
	s21 =	sshrl.u32 s23, $0x3  }
0x43: {  	[hbm:s24], [sflag:s20] =	dma.local [spmem:s21], $0x2800  }
0x44: {  	s24 =	simm.s32 $0xE  }
0x45: {  	s18 =	simm.s32 $0x20;
	_ =	swait.ge [sflag:s24], $0x2800  }
0x46: {  	s4 =	simm.s32 $0x10;
	[sflag:s24] =	ssyncset.done $0x0;
	s5 =	rddreg [dreg:$0x9]  }
0x47: {  	s25 =	rddreg [dreg:$0x11];
	[sflag:s24] =	ssyncadd.s32 $0xFFFFD800;
	s12 =	sshrl.u32 s5, $0x3  }
0x48: {  	[hbm:s25@s18], [sflag:s20] =	dma.strided [spmem:s12@s4], $0x50, s15, $0x10   }
0x49: {  	_ =	swait.ge [sflag:s24], $0x50  }
0x4a: {  	s20 =	rddreg [dreg:$0x1f]  }
0x4b: {  	s21 =	rddreg [dreg:$0x12];
	s1 =	sadd.s32 $0x1, s20  }
0x4c: {  	p0 =	sne.s32 s1, s21  }
.Ltmp1:
0x4d: {  	_ = 	snop;
	(pc) =	sbr.rel @!p0 .LBB2_7-.Ltmp1, $3  }
0x4e: {  	_ =	sdelay $0x1  }
0x4f: {  	[sflag:s24] =	ssyncset.done $0x0  }
0x50: {  	s25 =	simm.s32 $0x5300;
	[sflag:s24] =	ssyncadd.s32 $0xFFFFFFB0  }
.LBB2_1:
0x51: {  	[dreg:$0x1f] =	wrdreg s1;
	s20 =	simm.s32 $0x0;
	s21 =	simm.s32 $0x200  }
.LBB2_2:
0x52: {  	p0 =	sne.s32 s21, $0x9E00;
	[tilespmem:s20+$0x370] =	vst v0  }
0x53: {  	[tilespmem:s20+$0x300] =	vst v0  }
0x54: {  	[tilespmem:s20+$0x310] =	vst v0  }
.Ltmp2:
0x55: {  	[tilespmem:s20+$0x320] =	vst v0;
	(pc) =	sbr.rel @p0 .LBB2_2-.Ltmp2, $4  }
0x56: {  	[tilespmem:s20+$0x330] =	vst v0  }
0x57: {  	[tilespmem:s20+$0x340] =	vst v0  }
0x58: {  	[tilespmem:s20+$0x350] =	vst v0  }
0x59: {  	[tilespmem:s20+$0x360] =	vst v0;
	s20 =	sshra.s32 s21, $0x2;
	s21 =	sadd.s32 $0x200, s21  }
0x5a: {  	[tilespmem:s20+$0x370] =	vst v0  }
0x5b: {  	[tilespmem:s20+$0x300] =	vst v0  }
0x5c: {  	[tilespmem:s20+$0x310] =	vst v0  }
0x5d: {  	[tilespmem:s20+$0x320] =	vst v0  }
0x5e: {  	[tilespmem:s20+$0x330] =	vst v0  }
0x5f: {  	[tilespmem:s20+$0x340] =	vst v0  }
0x60: {  	[tilespmem:s20+$0x350] =	vst v0  }
0x61: {  	[tilespmem:s20+$0x360] =	vst v0;
	s18 =	simm.s32 $0x300;
	s21 =	simm.s32 $0xE  }
0x62: {  	[spmem:s23] =	stream.linear.scatter [tilespmem:s18], [sflag:$0xE], $0x2800, $0x38;
	[tilespmem:$0x1C080] =	vst v63  }
0x63: {  	_ =	swait.ge [sflag:s21], $0x2800  }
0x64: {  	[sflag:s21] =	ssyncset.done $0x0  }
0x65: {  	s24 =	rddreg [dreg:$0x7];
	[sflag:s21] =	ssyncadd.s32 $0xFFFFD800  }
0x66: {  	[spmem:s24] =	stream.linear.scatter [tilespmem:s18], [sflag:$0xE], $0x2800, $0x38;
	[tilespmem:$0x1C080] =	vst v63  }
0x67: {  	_ =	swait.ge [sflag:s21], $0x2800  }
0x68: {  	[sflag:s21] =	ssyncset.done $0x0  }
0x69: {  	s1 =	rddreg [dreg:$0x8];
	[sflag:s21] =	ssyncadd.s32 $0xFFFFD800  }
0x6a: {  	[spmem:s1] =	stream.linear.scatter [tilespmem:s18], [sflag:$0xE], $0x2800, $0x38;
	[tilespmem:$0x1C080] =	vst v63  }
0x6b: {  	_ =	swait.ge [sflag:s21], $0x2800  }
0x6c: {  	[sflag:s21] =	ssyncset.done $0x0  }
0x6d: {  	s4 =	rddreg [dreg:$0x19];
	[sflag:s21] =	ssyncadd.s32 $0xFFFFD800  }
0x6e: {  	[spmem:s4] =	stream.linear.scatter [tilespmem:s18], [sflag:$0xE], $0x2800, $0x38;
	[tilespmem:$0x1C080] =	vst v63  }
0x6f: {  	_ =	swait.ge [sflag:s21], $0x2800  }
0x70: {  	[sflag:s21] =	ssyncset.done $0x0  }
0x71: {  	s12 =	rddreg [dreg:$0x1a];
	[sflag:s21] =	ssyncadd.s32 $0xFFFFD800  }
0x72: {  	[spmem:s12] =	stream.linear.scatter [tilespmem:s18], [sflag:$0xE], $0x2800, $0x38;
	[tilespmem:$0x1C080] =	vst v63  }
0x73: {  	_ =	swait.ge [sflag:s21], $0x2800  }
0x74: {  	[sflag:s21] =	ssyncset.done $0x0  }
0x75: {  	s23 =	rddreg [dreg:$0x1b];
	[sflag:s21] =	ssyncadd.s32 $0xFFFFD800  }
0x76: {  	[spmem:s23] =	stream.linear.scatter [tilespmem:s18], [sflag:$0xE], $0x2800, $0x38;
	[tilespmem:$0x1C080] =	vst v63  }
0x77: {  	_ =	swait.ge [sflag:s21], $0x2800  }
0x78: {  	[sflag:s21] =	ssyncset.done $0x0  }
0x79: {  	s24 =	rddreg [dreg:$0x1c];
	[sflag:s21] =	ssyncadd.s32 $0xFFFFD800  }
0x7a: {  	[spmem:s24] =	stream.linear.scatter [tilespmem:s18], [sflag:$0xE], $0x2800, $0x38;
	[tilespmem:$0x1C080] =	vst v63  }
0x7b: {  	_ =	swait.ge [sflag:s21], $0x2800  }
0x7c: {  	[sflag:s21] =	ssyncset.done $0x0  }
0x7d: {  	s1 =	rddreg [dreg:$0x1d];
	[sflag:s21] =	ssyncadd.s32 $0xFFFFD800  }
0x7e: {  	[spmem:s1] =	stream.linear.scatter [tilespmem:s18], [sflag:$0xE], $0x2800, $0x38;
	[tilespmem:$0x1C080] =	vst v63  }
0x7f: {  	_ =	swait.ge [sflag:s21], $0x2800  }
0x80: {  	[sflag:s21] =	ssyncset.done $0x0  }
0x81: {  	[sflag:s21] =	ssyncadd.s32 $0xFFFFD800  }
0x82: {  	[tilespmem:$0x7B80] =	vst v0  }
0x83: {  	[tilespmem:$0x7B90] =	vst v0  }
0x84: {  	[tilespmem:$0x7BA0] =	vst v0  }
0x85: {  	[tilespmem:$0x7BB0] =	vst v0  }
0x86: {  	[tilespmem:$0x7BC0] =	vst v0  }
0x87: {  	[tilespmem:$0x7BD0] =	vst v0  }
0x88: {  	[tilespmem:$0x7BE0] =	vst v0  }
0x89: {  	[tilespmem:$0x7BF0] =	vst v0  }
0x8a: {  	[tilespmem:$0x7C00] =	vst v0  }
0x8b: {  	[tilespmem:$0x7C10] =	vst v0  }
0x8c: {  	[tilespmem:$0x7C20] =	vst v0  }
0x8d: {  	[tilespmem:$0x7C30] =	vst v0  }
0x8e: {  	[tilespmem:$0x7C40] =	vst v0  }
0x8f: {  	[tilespmem:$0x7C50] =	vst v0  }
0x90: {  	[tilespmem:$0x7C60] =	vst v0  }
0x91: {  	[tilespmem:$0x7C70] =	vst v0  }
0x92: {  	[tilespmem:$0x7C80] =	vst v0  }
0x93: {  	[tilespmem:$0x7C90] =	vst v0  }
0x94: {  	[tilespmem:$0x7CA0] =	vst v0  }
0x95: {  	[tilespmem:$0x7CB0] =	vst v0  }
0x96: {  	[tilespmem:$0x7CC0] =	vst v0  }
0x97: {  	[tilespmem:$0x7CD0] =	vst v0  }
0x98: {  	[tilespmem:$0x7CE0] =	vst v0  }
0x99: {  	[tilespmem:$0x7CF0] =	vst v0  }
0x9a: {  	[tilespmem:$0x7D00] =	vst v0  }
0x9b: {  	[tilespmem:$0x7D10] =	vst v0  }
0x9c: {  	[tilespmem:$0x7D20] =	vst v0  }
0x9d: {  	[tilespmem:$0x7D30] =	vst v0  }
0x9e: {  	[tilespmem:$0x7D40] =	vst v0  }
0x9f: {  	[tilespmem:$0x7D50] =	vst v0  }
0xa0: {  	[tilespmem:$0x7D60] =	vst v0  }
0xa1: {  	[tilespmem:$0x7D70] =	vst v0  }
0xa2: {  	[tilespmem:$0x7D80] =	vst v0  }
0xa3: {  	[tilespmem:$0x7D90] =	vst v0  }
0xa4: {  	[tilespmem:$0x7DA0] =	vst v0  }
0xa5: {  	[tilespmem:$0x7DB0] =	vst v0  }
0xa6: {  	[tilespmem:$0x7DC0] =	vst v0  }
0xa7: {  	[tilespmem:$0x7DD0] =	vst v0  }
0xa8: {  	[tilespmem:$0x7DE0] =	vst v0  }
0xa9: {  	s4 =	simm.s32 $0x7B80;
	[tilespmem:$0x7DF0] =	vst v0  }
0xaa: {  	[spmem:s5] =	stream.linear.scatter [tilespmem:s4], [sflag:$0xE], $0x280, $0x38;
	[tilespmem:$0x1C080] =	vst v63  }
0xab: {  	_ =	swait.ge [sflag:s21], $0x280  }
0xac: {  	[sflag:s21] =	ssyncset.done $0x0  }
0xad: {  	[sflag:s21] =	ssyncadd.s32 $0xFFFFFD80  }
0xae: {  	[tilespmem:$0x7B00] =	vst v1  }
0xaf: {  	[tilespmem:$0x7B10] =	vst v1  }
0xb0: {  	[tilespmem:$0x7B20] =	vst v1  }
0xb1: {  	[tilespmem:$0x7B30] =	vst v1  }
0xb2: {  	[tilespmem:$0x7B40] =	vst v1  }
0xb3: {  	[bflag:$0x0] =	sbarrier.arrive $0xFFFF  }
0xb4: {  	s20 =	simm.s32 $0x0;
	s5 =	rddreg [dreg:$0xa]  }
0xb5: {  	[tilespmem:s20], [sflag:$0x1] =	stream.linear.gather [hbm4b:s5+s20], $0x50, $0x38;
	[tilespmem:$0x1C080] =	vst v63  }
0xb6: {  	s12 =	rddreg [dreg:$0xb]  }
0xb7: {  	[tilespmem:s9], [sflag:$0x4] =	stream.linear.gather [hbm4b:s12+s20], $0x50, $0x38;
	[tilespmem:$0x1C080] =	vst v63  }
0xb8: {  	s23 =	rddreg [dreg:$0xc];
	s12 =	simm.s32 $0x80  }
0xb9: {  	[tilespmem:s12], [sflag:$0x2] =	stream.linear.gather [hbm4b:s23+s20], $0x50, $0x38;
	[tilespmem:$0x1C080] =	vst v63  }
0xba: {  	s24 =	rddreg [dreg:$0xd]  }
0xbb: {  	[tilespmem:s13], [sflag:$0x5] =	stream.linear.gather [hbm4b:s24+s20], $0x50, $0x38;
	[tilespmem:$0x1C080] =	vst v63  }
0xbc: {  	s4 =	simm.s32 $0x100;
	s1 =	rddreg [dreg:$0xe]  }
0xbd: {  	[tilespmem:s4], [sflag:$0x3] =	stream.linear.gather [hbm4b:s1+s20], $0x50, $0x38;
	[tilespmem:$0x1C080] =	vst v63  }
0xbe: {  	_ =	swait.ge [sflag:s15], $0x50  }
0xbf: {  	[sflag:s15] =	ssyncset.done $0x0  }
0xc0: {  	[sflag:s15] =	ssyncadd.s32 $0xFFFFFFB0  }
0xc1: {  	s1 =	rddreg [dreg:$0x2]  }
0xc2: {  	[tilespmem:s18], [sflag:$0x7] =	stream.indirect.gather [hbm4b:s1+s16], $0x80, s20, s16, $0xb8;
	[tilespmem:$0x1C080] =	vst v63  }
0xc3: {  	_ =	swait.ge [sflag:s17], $0x50  }
0xc4: {  	[sflag:s17] =	ssyncset.done $0x0  }
0xc5: {  	[sflag:s17] =	ssyncadd.s32 $0xFFFFFFB0  }
0xc6: {  	[tilespmem:s3], [sflag:$0x8] =	stream.indirect.gather [hbm4b:s1+s16], $0x80, s12, s16, $0xb8;
	[tilespmem:$0x1C080] =	vst v63  }
0xc7: {  	_ =	swait.ge [sflag:s11], $0x2800  }
0xc8: {  	[sflag:s11] =	ssyncset.done $0x0  }
0xc9: {  	s5 =	rddreg [dreg:$0x1e];
	[sflag:s11] =	ssyncadd.s32 $0xFFFFD800  }
0xca: {  	[tilespmem:s20], [sflag:$0x1] =	stream.linear.gather [hbm4b:s5+s20], $0x50, $0x38;
	[tilespmem:$0x1C080] =	vst v63  }
0xcb: {  	_ =	swait.ge [sflag:s19], $0x50  }
0xcc: {  	[sflag:s19] =	ssyncset.done $0x0  }
0xcd: {  	[sflag:s19] =	ssyncadd.s32 $0xFFFFFFB0  }
0xce: {  	s12 =	rddreg [dreg:$0x3]  }
0xcf: {  	[spmem:s12] =	stream.indirect.scatter.add.f32 [tilespmem:s18], [sflag:$0xA], $0x80, s9, s16, $0xb8;
	[tilespmem:$0x1C080] =	vst v63  }
0xd0: {  	s21 =	rddreg [dreg:$0x4]  }
0xd1: {  	[spmem:s21] =	stream.indirect.scatter.add.f32 [tilespmem:s22], [sflag:$0xD], $0x1, s9, s16, $0xb8;
	[tilespmem:$0x1C080] =	vst v63  }
0xd2: {  	s24 =	rddreg [dreg:$0xf]  }
0xd3: {  	[tilespmem:s26], [sflag:$0x6] =	stream.linear.gather [hbm4b:s24+s20], $0x50, $0x38;
	[tilespmem:$0x1C080] =	vst v63  }
0xd4: {  	_ =	swait.ge [sflag:s28], $0x50  }
0xd5: {  	[sflag:s28] =	ssyncset.done $0x0  }
0xd6: {  	[sflag:s28] =	ssyncadd.s32 $0xFFFFFFB0  }
0xd7: {  	[tilespmem:s25], [sflag:$0x9] =	stream.indirect.gather [hbm4b:s1+s16], $0x80, s4, s16, $0xb8;
	[tilespmem:$0x1C080] =	vst v63  }
0xd8: {  	s18 =	simm.s32 $0x5300;
	s21 =	rddreg [dreg:$0x15];
	s25 =	smov.u32 s1  }
.LBB2_4:
0xd9: {  	_ =	swait.ge [sflag:s30], $0x2800  }
0xda: {  	[sflag:s30] =	ssyncset.done $0x0;
	s23 =	rddreg [dreg:$0x17]  }
0xdb: {  	[sflag:s30] =	ssyncadd.s32 $0xFFFFD800;
	s23 =	sadd.s32 s20, s23  }
0xdc: {  	[tilespmem:s29], [sflag:$0x2] =	stream.linear.gather [hbm4b:s23+s6], $0x50, $0x38;
	[tilespmem:$0x1C080] =	vst v63  }
0xdd: {  	_ =	swait.ge [sflag:s31], $0x50  }
0xde: {  	[sflag:s31] =	ssyncset.done $0x0  }
0xdf: {  	[sflag:s31] =	ssyncadd.s32 $0xFFFFFFB0  }
0xe0: {  	s1 =	simm.s32 $0x2B00;
	s5 =	rddreg [dreg:$0x3]  }
0xe1: {  	[spmem:s5] =	stream.indirect.scatter.add.f32 [tilespmem:s1], [sflag:$0xB], $0x80, s13, s16, $0xb8;
	[tilespmem:$0x1C080] =	vst v63  }
0xe2: {  	s12 =	rddreg [dreg:$0x4]  }
0xe3: {  	[spmem:s12] =	stream.indirect.scatter.add.f32 [tilespmem:s22], [sflag:$0xD], $0x1, s13, s16, $0xb8;
	[tilespmem:$0x1C080] =	vst v63  }
0xe4: {  	_ =	swait.ge [sflag:s2], $0x2800  }
0xe5: {  	[sflag:s2] =	ssyncset.done $0x0  }
0xe6: {  	[sflag:s2] =	ssyncadd.s32 $0xFFFFD800  }
0xe7: {  	_ =	swait.ge [sflag:s10], $0x50  }
0xe8: {  	[sflag:s10] =	ssyncset.done $0x0  }
0xe9: {  	[sflag:s10] =	ssyncadd.s32 $0xFFFFFFB0  }
0xea: {  	s4 =	sshrl.u32 s21, $0x3;
	s24 =	rddreg [dreg:$0x1]  }
0xeb: {  	s23 =	sadd.s32 s24, s4  }
0xec: {  	[tilespmem:s9], [sflag:$0x4] =	stream.linear.gather [hbm4b:s23+s6], $0x50, $0x38;
	[tilespmem:$0x1C080] =	vst v63  }
0xed: {  	_ =	swait.ge [sflag:s15], $0x50  }
0xee: {  	[sflag:s15] =	ssyncset.done $0x0  }
0xef: {  	s4 =	simm.s32 $0x300;
	[sflag:s15] =	ssyncadd.s32 $0xFFFFFFB0  }
0xf0: {  	[tilespmem:s4], [sflag:$0x7] =	stream.indirect.gather [hbm4b:s25+s16], $0x80, s6, s16, $0xb8;
	[tilespmem:$0x1C080] =	vst v63  }
0xf1: {  	p0 =	seq.s32 s20, $0x4B0;
	_ =	swait.ge [sflag:s7], $0x2800  }
0xf2: {  	s24 =	simm.s32 @!p0 $0x0;
	[sflag:s7] =	ssyncset.done $0x0;
	s23 =	rddreg [dreg:$0x14]  }
0xf3: {  	s25 =	simm.s32 @!p0 $0x100;
	[sflag:s7] =	ssyncadd.s32 $0xFFFFD800;
	s23 =	sadd.s32 @!p0 s20, s23  }
0xf4: {  	[tilespmem:s25], [sflag:$0x3] =	stream.linear.gather @!p0 [hbm4b:s23+s24], $0x50, $0x38;
	[tilespmem:$0x1C080] =	vst v63  }
0xf5: {  	s25 =	rddreg [dreg:$0x2];
	_ =	swait.ge [sflag:s0], $0x50  }
0xf6: {  	[sflag:s0] =	ssyncset.done $0x0  }
0xf7: {  	[sflag:s0] =	ssyncadd.s32 $0xFFFFFFB0  }
0xf8: {  	[spmem:s5] =	stream.indirect.scatter.add.f32 [tilespmem:s18], [sflag:$0xC], $0x80, s26, s16, $0xb8;
	[tilespmem:$0x1C080] =	vst v63  }
0xf9: {  	_ = 	snop  }
0xfa: {  	[spmem:s12] =	stream.indirect.scatter.add.f32 [tilespmem:s22], [sflag:$0xD], $0x1, s26, s16, $0xb8;
	[tilespmem:$0x1C080] =	vst v63  }
0xfb: {  	_ =	swait.ge [sflag:s8], $0x2800  }
0xfc: {  	[sflag:s8] =	ssyncset.done $0x0  }
0xfd: {  	[sflag:s8] =	ssyncadd.s32 $0xFFFFD800  }
0xfe: {  	_ =	swait.ge [sflag:s10], $0x50  }
0xff: {  	[sflag:s10] =	ssyncset.done $0x0;
	s18 =	rddreg [dreg:$0x18]  }
0x100: {  	[sflag:s10] =	ssyncadd.s32 $0xFFFFFFB0;
	s23 =	sadd.s32 s20, s18  }
0x101: {  	[tilespmem:s13], [sflag:$0x5] =	stream.linear.gather [hbm4b:s23+s6], $0x50, $0x38;
	[tilespmem:$0x1C080] =	vst v63  }
0x102: {  	_ =	swait.ge [sflag:s17], $0x50  }
0x103: {  	[sflag:s17] =	ssyncset.done $0x0  }
0x104: {  	[sflag:s17] =	ssyncadd.s32 $0xFFFFFFB0  }
0x105: {  	[tilespmem:s1], [sflag:$0x8] =	stream.indirect.gather [hbm4b:s25+s16], $0x80, s29, s16, $0xb8;
	[tilespmem:$0x1C080] =	vst v63  }
0x106: {  	_ =	swait.ge [sflag:s11], $0x2800  }
0x107: {  	[sflag:s11] =	ssyncset.done $0x0;
	s23 =	rddreg [dreg:$0x16]  }
0x108: {  	[sflag:s11] =	ssyncadd.s32 $0xFFFFD800;
	s23 =	sadd.s32 @!p0 s20, s23  }
0x109: {  	[tilespmem:s24], [sflag:$0x1] =	stream.linear.gather @!p0 [hbm4b:s23+s24], $0x50, $0x38;
	[tilespmem:$0x1C080] =	vst v63  }
0x10a: {  	_ =	swait.ge [sflag:s19], $0x50  }
0x10b: {  	[sflag:s19] =	ssyncset.done $0x0  }
0x10c: {  	[sflag:s19] =	ssyncadd.s32 $0xFFFFFFB0  }
0x10d: {  	[spmem:s5] =	stream.indirect.scatter.add.f32 [tilespmem:s4], [sflag:$0xA], $0x80, s9, s16, $0xb8;
	[tilespmem:$0x1C080] =	vst v63  }
0x10e: {  	_ = 	snop  }
0x10f: {  	[spmem:s12] =	stream.indirect.scatter.add.f32 [tilespmem:s22], [sflag:$0xD], $0x1, s9, s16, $0xb8;
	[tilespmem:$0x1C080] =	vst v63  }
0x110: {  	_ =	swait.ge [sflag:s14], $0x2800  }
.Ltmp3:
0x111: {  	[sflag:s14] =	ssyncset.done $0x0;
	(pc) =	sbr.rel @p0 .LBB2_6-.Ltmp3, $4  }
0x112: {  	[sflag:s14] =	ssyncadd.s32 $0xFFFFD800  }
0x113: {  	_ =	swait.ge [sflag:s10], $0x50  }
0x114: {  	[sflag:s10] =	ssyncset.done $0x0  }
0x115: {  	s3 =	simm.s32 $0x2B00;
	s18 =	simm.s32 $0x5300;
	[sflag:s10] =	ssyncadd.s32 $0xFFFFFFB0  }
0x116: {  	s23 =	rddreg [dreg:$0x13]  }
0x117: {  	s23 =	sadd.s32 s20, s23  }
0x118: {  	[tilespmem:s26], [sflag:$0x6] =	stream.linear.gather [hbm4b:s23+s6], $0x50, $0x38;
	[tilespmem:$0x1C080] =	vst v63  }
.Ltmp4:
0x119: {  	_ =	swait.ge [sflag:s28], $0x50;
	(pc) =	sbr.rel .LBB2_4-.Ltmp4, $4  }
0x11a: {  	[sflag:s28] =	ssyncset.done $0x0  }
0x11b: {  	s1 =	simm.s32 $0x100;
	[sflag:s28] =	ssyncadd.s32 $0xFFFFFFB0  }
0x11c: {  	[tilespmem:s18], [sflag:$0x9] =	stream.indirect.gather [hbm4b:s25+s16], $0x80, s1, s16, $0xb8;
	[tilespmem:$0x1C080] =	vst v63  }
0x11d: {  	s21 =	sadd.s32 $0xF0, s21;
	s20 =	sadd.s32 $0x1E, s20;
	s18 =	simm.s32 $0x5300  }
.LBB2_7:
0x11e: {  	_ =	sfence.sel $0x180000  }
0x11f: {  	[bflag:$0x0] =	sbarrier.arrive $0xFFFF  }
0x120: {  	_ =	strace $0x90000047  }
0x121: {  	s0 =	stileid.u32;
	[bflag:$0x2] =	sbarrier.arrive $0xFFFF  }
0x122: {  	p0 =	sne.s32 s0, $0x0;
	s0 =	rddreg [dreg:$0x5]  }
0x123: {  	s0 =	sadd.s32 @!p0 $0x100000, s0  }
0x124: {  	[sflag:s0] =	ssyncadd.tile.s32 @!p0 $0x1;
	_ =	shalt  }
.Lfunc_end2:
_tile_overlayer_lowered:
.L_overlay_start_2:
0x125: {  	(tag) =	ssettag $0x2  }
0x126: {  	s0 =	rddreg [dreg:$0x0];
	s2 =	stileid.u32  }
0x127: {  	s1 =	rddreg [dreg:$0x1];
	p0 =	sne.s32 s2, $0x0  }
0x128: {  	s3 =	rddreg [dreg:$0x2];
	[bflag:$0x3] =	sbarrier.arrive $0xFFFF;
	s2 =	simm.s32 @!p0 $0x1C0E  }
0x129: {  	[timem:s3], [sflag:s2] =	dma.local @!p0 [hbm:s0], s1  }
0x12a: {  	s0 =	simm.s32 @!p0 $0xE  }
0x12b: {  	_ =	swait.ge @!p0 [sflag:s0], s1  }
0x12c: {  	s1 =	ssub.s32 @!p0 $0x0, s1;
	[sflag:s0] =	ssyncset.done @!p0 $0x0  }
0x12d: {  	[sflag:s0] =	ssyncadd.s32 @!p0 s1  }
0x12e: {  	[bflag:$0x3] =	sbarrier.arrive $0xFFFF  }
0x12f: {  	_ =	shalt  }

</sc_bundles>
